<compile_context>
chip_gen: v7x
topology: tpu7x:2x2x1
jax: 0.10.2.dev20260603
libtpu: 0.0.44.dev20260713+nightly
codegen_flags: <defaults>
</compile_context>

<pallas_src>
import functools

import jax
import jax.numpy as jnp
from jax import lax
from jax.experimental import pallas as pl
from jax.experimental.pallas import tpu as pltpu
from jax.experimental.pallas import tpu_sc as plsc

_INFO = plsc.get_sparse_core_info()
_NC = _INFO.num_cores
_NW = _INFO.num_cores * _INFO.num_subcores

_V = 1000000
_D = 32
_B = 819200
_SEQ = 200
_BATCH = 4096

_CHUNK = 512
_UNITS = _B // _CHUNK
_UPW = _UNITS // _NW

_MESH = plsc.VectorSubcoreMesh(core_axis_name="c", subcore_axis_name="s")


@functools.partial(
    pl.kernel,
    mesh=_MESH,
    out_type=jax.ShapeDtypeStruct((_SEQ, 4, 32, 8, 128), jnp.float32),
    scratch_types=[
        pltpu.VMEM((_UPW * _CHUNK,), jnp.int32),
        [pltpu.VMEM((_CHUNK, _D), jnp.float32) for _ in range(2)],
        [pltpu.VMEM((4, 4, 8, 128), jnp.float32) for _ in range(2)],
        [pltpu.SemaphoreType.DMA for _ in range(2)],
        [pltpu.SemaphoreType.DMA for _ in range(2)],
    ],
    compiler_params=pltpu.CompilerParams(
        use_tc_tiling_on_sc=False, needs_layout_passes=False
    ),
)
def _gather(xf_hbm, table_hbm, out5_hbm, idx, rows, fmt, gsem, wsem):
    w = lax.axis_index("s") * _NC + lax.axis_index("c")
    io16 = lax.iota(jnp.int32, 16)
    dvecs = [jnp.full((16,), d, jnp.int32) for d in range(_D)]

    pltpu.sync_copy(xf_hbm.at[pl.ds(w * (_UPW * _CHUNK), _UPW * _CHUNK)], idx)

    def load_unit(u, b):
        pltpu.async_copy(
            table_hbm.at[idx.at[pl.ds(u * _CHUNK, _CHUNK)]], rows[b], gsem[b]
        )

    def wait_gather(b):
        pltpu.make_async_copy(table_hbm.at[pl.ds(0, _CHUNK)], rows[b], gsem[b]).wait()

    def wait_writes(b):
        for tr in range(4):
            pltpu.make_async_copy(
                fmt[b].at[tr], out5_hbm.at[0, 0, pl.ds(0, 4)], wsem[b]
            ).wait()

    def transpose_unit(b):
        @plsc.parallel_loop(0, 32, unroll=2)
        def _(i):
            tcl = i >> 3
            k = i & 7
            bvec = io16 + ((tcl << 7) + (k << 4))
            for tr in range(4):
                vs = [
                    plsc.load_gather(rows[b], [bvec, dvecs[8 * tr + r]])
                    for r in range(8)
                ]
                for r in range(8):
                    fmt[b][tr, tcl, r, pl.ds(k << 4, 16)] = vs[r]

    def write_unit(u, b):
        unit = w * _UPW + u
        s = unit // 8
        tcg = unit % 8
        for tr in range(4):
            pltpu.async_copy(
                fmt[b].at[tr], out5_hbm.at[s, tr, pl.ds(tcg * 4, 4)], wsem[b]
            )

    load_unit(0, 0)

    def body(g, carry):
        for sb in range(2):
            u = g * 2 + sb

            @pl.when(u + 1 < _UPW)
            def _(nb=sb ^ 1, u=u):
                load_unit(u + 1, nb)

            wait_gather(sb)

            @pl.when(u >= 2)
            def _(sb=sb):
                wait_writes(sb)

            transpose_unit(sb)
            write_unit(u, sb)
        return carry

    lax.fori_loop(0, _UPW // 2, body, 0)
    wait_writes(0)
    wait_writes(1)


def kernel(x, table):
    t_lin = lax.optimization_barrier(table.reshape(_V // 4, 128)).reshape(_V, _D)
    xf = x.T.reshape(_B)
    out5 = _gather(xf, t_lin)
    return out5.transpose((2, 4, 0, 1, 3)).reshape(_BATCH, _SEQ, _D)

# --- scband reference (transcript-rebuilt; emitter-appended) ---
"""Pipeline reference for scband-input-embeddings-81647328297464 (READ-ONLY COPY).

The authoritative reference and input builder live on the scoring server;
editing this copy changes nothing except your own understanding.
"""

import jax, jax.numpy as jnp
import numpy as np

VOCAB = 1000000
DIM = 32
BATCH = 4096
SEQ = 200


def setup_inputs(seed: int = 0) -> dict:
    key = jax.random.key(seed)
    k1, k2 = jax.random.split(key)
    x = jax.random.randint(k1, (BATCH, SEQ), 0, VOCAB, dtype=jnp.int32)
    table = jax.random.normal(k2, (VOCAB, DIM), dtype=jnp.float32)
    return {"x": x, "table": table}


def reference(x, table):
    # max_norm is None in this config, so forward is a plain row gather.
    # padding_idx/scale_grad_by_freq only affect gradients, not forward values.
    return jnp.take(table, x, axis=0)

if __name__ == "__main__":
    import jax
    _d = setup_inputs()
    print(jax.jit(kernel)(*tuple(_d.values())))

</pallas_src>

<mosaic_0001>
#map = affine_map<(d0, d1) -> (0)>
#map1 = affine_map<(d0, d1) -> (0, 0)>
#map2 = affine_map<(d0, d1) -> (0, 0, 0, 0, 0)>
module attributes {stable_mosaic.version = 14 : i64} {
  func.func @_gather(%arg0: i32, %arg1: i32, %arg2: memref<819200xi32, #tpu.memory_space<hbm>>, %arg3: memref<1000000x32xf32, #tpu.memory_space<hbm>>, %arg4: memref<200x4x32x8x128xf32, #tpu.memory_space<hbm>>, %arg5: memref<25600xi32, #tpu.memory_space<vmem>>, %arg6: memref<512x32xf32, #tpu.memory_space<vmem>>, %arg7: memref<512x32xf32, #tpu.memory_space<vmem>>, %arg8: memref<4x4x8x128xf32, #tpu.memory_space<vmem>>, %arg9: memref<4x4x8x128xf32, #tpu.memory_space<vmem>>, %arg10: memref<!tpu.dma_semaphore, #tpu.memory_space<semaphore_mem>>, %arg11: memref<!tpu.dma_semaphore, #tpu.memory_space<semaphore_mem>>, %arg12: memref<!tpu.dma_semaphore, #tpu.memory_space<semaphore_mem>>, %arg13: memref<!tpu.dma_semaphore, #tpu.memory_space<semaphore_mem>>) attributes {dimension_semantics = [#tpu.dimension_semantics<core_parallel>, #tpu.dimension_semantics<subcore_parallel>], iteration_bounds = array<i64: 2, 16>, scalar_prefetch = 0 : i64, scratch_operands = 9 : i64, tpu.core_type = #tpu.core_type<sc_vector_subcore>, window_params = [{transform_indices = #map}, {transform_indices = #map1}, {transform_indices = #map2}]} {
    %mul3A = arith.constant 2 : i32
    %mul3A_0 = arith.muli %arg1, %mul3A : i32
    %add3A = arith.addi %mul3A_0, %arg0 : i32
    %iota3A = tpu.iota {dimensions = array<i32: 0>} : vector<16xi32>
    %broadcast_in_dim3A = arith.constant 0 : i32
    %broadcast_in_dim3A_1 = vector.broadcast %broadcast_in_dim3A : i32 to vector<16xi32>
    %broadcast_in_dim3A_2 = arith.constant 1 : i32
    %broadcast_in_dim3A_3 = vector.broadcast %broadcast_in_dim3A_2 : i32 to vector<16xi32>
    %broadcast_in_dim3A_4 = arith.constant 2 : i32
    %broadcast_in_dim3A_5 = vector.broadcast %broadcast_in_dim3A_4 : i32 to vector<16xi32>
    %broadcast_in_dim3A_6 = arith.constant 3 : i32
    %broadcast_in_dim3A_7 = vector.broadcast %broadcast_in_dim3A_6 : i32 to vector<16xi32>
    %broadcast_in_dim3A_8 = arith.constant 4 : i32
    %broadcast_in_dim3A_9 = vector.broadcast %broadcast_in_dim3A_8 : i32 to vector<16xi32>
    %broadcast_in_dim3A_10 = arith.constant 5 : i32
    %broadcast_in_dim3A_11 = vector.broadcast %broadcast_in_dim3A_10 : i32 to vector<16xi32>
    %broadcast_in_dim3A_12 = arith.constant 6 : i32
    %broadcast_in_dim3A_13 = vector.broadcast %broadcast_in_dim3A_12 : i32 to vector<16xi32>
    %broadcast_in_dim3A_14 = arith.constant 7 : i32
    %broadcast_in_dim3A_15 = vector.broadcast %broadcast_in_dim3A_14 : i32 to vector<16xi32>
    %broadcast_in_dim3A_16 = arith.constant 8 : i32
    %broadcast_in_dim3A_17 = vector.broadcast %broadcast_in_dim3A_16 : i32 to vector<16xi32>
    %broadcast_in_dim3A_18 = arith.constant 9 : i32
    %broadcast_in_dim3A_19 = vector.broadcast %broadcast_in_dim3A_18 : i32 to vector<16xi32>
    %broadcast_in_dim3A_20 = arith.constant 10 : i32
    %broadcast_in_dim3A_21 = vector.broadcast %broadcast_in_dim3A_20 : i32 to vector<16xi32>
    %broadcast_in_dim3A_22 = arith.constant 11 : i32
    %broadcast_in_dim3A_23 = vector.broadcast %broadcast_in_dim3A_22 : i32 to vector<16xi32>
    %broadcast_in_dim3A_24 = arith.constant 12 : i32
    %broadcast_in_dim3A_25 = vector.broadcast %broadcast_in_dim3A_24 : i32 to vector<16xi32>
    %broadcast_in_dim3A_26 = arith.constant 13 : i32
    %broadcast_in_dim3A_27 = vector.broadcast %broadcast_in_dim3A_26 : i32 to vector<16xi32>
    %broadcast_in_dim3A_28 = arith.constant 14 : i32
    %broadcast_in_dim3A_29 = vector.broadcast %broadcast_in_dim3A_28 : i32 to vector<16xi32>
    %broadcast_in_dim3A_30 = arith.constant 15 : i32
    %broadcast_in_dim3A_31 = vector.broadcast %broadcast_in_dim3A_30 : i32 to vector<16xi32>
    %broadcast_in_dim3A_32 = arith.constant 16 : i32
    %broadcast_in_dim3A_33 = vector.broadcast %broadcast_in_dim3A_32 : i32 to vector<16xi32>
    %broadcast_in_dim3A_34 = arith.constant 17 : i32
    %broadcast_in_dim3A_35 = vector.broadcast %broadcast_in_dim3A_34 : i32 to vector<16xi32>
    %broadcast_in_dim3A_36 = arith.constant 18 : i32
    %broadcast_in_dim3A_37 = vector.broadcast %broadcast_in_dim3A_36 : i32 to vector<16xi32>
    %broadcast_in_dim3A_38 = arith.constant 19 : i32
    %broadcast_in_dim3A_39 = vector.broadcast %broadcast_in_dim3A_38 : i32 to vector<16xi32>
    %broadcast_in_dim3A_40 = arith.constant 20 : i32
    %broadcast_in_dim3A_41 = vector.broadcast %broadcast_in_dim3A_40 : i32 to vector<16xi32>
    %broadcast_in_dim3A_42 = arith.constant 21 : i32
    %broadcast_in_dim3A_43 = vector.broadcast %broadcast_in_dim3A_42 : i32 to vector<16xi32>
    %broadcast_in_dim3A_44 = arith.constant 22 : i32
    %broadcast_in_dim3A_45 = vector.broadcast %broadcast_in_dim3A_44 : i32 to vector<16xi32>
    %broadcast_in_dim3A_46 = arith.constant 23 : i32
    %broadcast_in_dim3A_47 = vector.broadcast %broadcast_in_dim3A_46 : i32 to vector<16xi32>
    %broadcast_in_dim3A_48 = arith.constant 24 : i32
    %broadcast_in_dim3A_49 = vector.broadcast %broadcast_in_dim3A_48 : i32 to vector<16xi32>
    %broadcast_in_dim3A_50 = arith.constant 25 : i32
    %broadcast_in_dim3A_51 = vector.broadcast %broadcast_in_dim3A_50 : i32 to vector<16xi32>
    %broadcast_in_dim3A_52 = arith.constant 26 : i32
    %broadcast_in_dim3A_53 = vector.broadcast %broadcast_in_dim3A_52 : i32 to vector<16xi32>
    %broadcast_in_dim3A_54 = arith.constant 27 : i32
    %broadcast_in_dim3A_55 = vector.broadcast %broadcast_in_dim3A_54 : i32 to vector<16xi32>
    %broadcast_in_dim3A_56 = arith.constant 28 : i32
    %broadcast_in_dim3A_57 = vector.broadcast %broadcast_in_dim3A_56 : i32 to vector<16xi32>
    %broadcast_in_dim3A_58 = arith.constant 29 : i32
    %broadcast_in_dim3A_59 = vector.broadcast %broadcast_in_dim3A_58 : i32 to vector<16xi32>
    %broadcast_in_dim3A_60 = arith.constant 30 : i32
    %broadcast_in_dim3A_61 = vector.broadcast %broadcast_in_dim3A_60 : i32 to vector<16xi32>
    %broadcast_in_dim3A_62 = arith.constant 31 : i32
    %broadcast_in_dim3A_63 = vector.broadcast %broadcast_in_dim3A_62 : i32 to vector<16xi32>
    %mul3A_64 = arith.constant 25600 : i32
    %mul3A_65 = arith.muli %add3A, %mul3A_64 : i32
    "tpu.region"() ({
      %run_scoped3A = tpu.sem_alloc : memref<!tpu.dma_semaphore, #tpu.memory_space<semaphore_mem>>
      %dma_start3A_258 = tpu.memref_slice %arg2[%mul3A_65] : memref<819200xi32, #tpu.memory_space<hbm>> -> memref<25600xi32, #tpu.memory_space<hbm>>
      %dma_start3A_259 = tpu.memref_slice %arg2[%mul3A_65] : memref<819200xi32, #tpu.memory_space<hbm>> -> memref<25600xi32, #tpu.memory_space<hbm>>
      tpu.enqueue_dma source(%dma_start3A_259 : memref<25600xi32, #tpu.memory_space<hbm>>) target(%arg5 : memref<25600xi32, #tpu.memory_space<vmem>>) target_semaphore(%run_scoped3A : memref<!tpu.dma_semaphore, #tpu.memory_space<semaphore_mem>>)
      %dma_wait3A_260 = tpu.memref_slice %arg2[%mul3A_65] : memref<819200xi32, #tpu.memory_space<hbm>> -> memref<25600xi32, #tpu.memory_space<hbm>>
      %dma_wait3A_261 = tpu.memref_slice %arg2[%mul3A_65] : memref<819200xi32, #tpu.memory_space<hbm>> -> memref<25600xi32, #tpu.memory_space<hbm>>
      tpu.wait_dma2 semaphore(%run_scoped3A : memref<!tpu.dma_semaphore, #tpu.memory_space<semaphore_mem>>) src(%dma_wait3A_261 : memref<25600xi32, #tpu.memory_space<hbm>>) dst(%arg5 : memref<25600xi32, #tpu.memory_space<vmem>>)
      tpu.yield
    }) : () -> ()
    %dma_start3A = arith.constant 0 : i32
    %dma_start3A_66 = tpu.memref_slice %arg5[%dma_start3A] : memref<25600xi32, #tpu.memory_space<vmem>> -> memref<512xi32, #tpu.memory_space<vmem>>
    %dma_start3A_67 = arith.constant 0 : i32
    %dma_start3A_68 = arith.constant 0 : i32
    %dma_start3A_69 = tpu.memref_slice %arg3[%dma_start3A_67, %dma_start3A_68] : memref<1000000x32xf32, #tpu.memory_space<hbm>> -> memref<1000000x32xf32, #tpu.memory_space<hbm>>
    tpu.enqueue_indirect_dma source(%dma_start3A_69 : memref<1000000x32xf32, #tpu.memory_space<hbm>>) target(%arg6 : memref<512x32xf32, #tpu.memory_space<vmem>>) offsets(%dma_start3A_66 : memref<512xi32, #tpu.memory_space<vmem>>) semaphore(%arg10 : memref<!tpu.dma_semaphore, #tpu.memory_space<semaphore_mem>>)
    %scan3A = arith.constant 0 : i32
    %scan3A_70 = arith.constant 0 : i32
    %scan3A_71 = arith.constant 25 : i32
    %scan3A_72 = arith.addi %scan3A_70, %scan3A_71 : i32
    %scan3A_73 = arith.constant 1 : i32
    scf.for %scan3A_258 = %scan3A_70 to %scan3A_72 step %scan3A_73  : i32 {
      %mul3A_259 = arith.constant 2 : i32
      %mul3A_260 = arith.muli %scan3A_258, %mul3A_259 : i32
      %add3A_261 = arith.constant 0 : i32
      %add3A_262 = arith.addi %mul3A_260, %add3A_261 : i32
      %add3A_263 = arith.constant 1 : i32
      %add3A_264 = arith.addi %add3A_262, %add3A_263 : i32
      %lt3A = arith.constant 50 : i32
      %lt3A_265 = arith.cmpi slt, %add3A_264, %lt3A : i32
      %convert_element_type3A = arith.extui %lt3A_265 : i1 to i32
      %cond3A = arith.constant 0 : i32
      %cond3A_266 = arith.cmpi ne, %convert_element_type3A, %cond3A : i32
      scf.if %cond3A_266 {
        %add3A_557 = arith.constant 1 : i32
        %add3A_558 = arith.addi %add3A_262, %add3A_557 : i32
        %mul3A_559 = arith.constant 512 : i32
        %mul3A_560 = arith.muli %add3A_558, %mul3A_559 : i32
        %dma_start3A_561 = tpu.memref_slice %arg5[%mul3A_560] : memref<25600xi32, #tpu.memory_space<vmem>> -> memref<512xi32, #tpu.memory_space<vmem>>
        %dma_start3A_562 = arith.constant 0 : i32
        %dma_start3A_563 = arith.constant 0 : i32
        %dma_start3A_564 = tpu.memref_slice %arg3[%dma_start3A_562, %dma_start3A_563] : memref<1000000x32xf32, #tpu.memory_space<hbm>> -> memref<1000000x32xf32, #tpu.memory_space<hbm>>
        tpu.enqueue_indirect_dma source(%dma_start3A_564 : memref<1000000x32xf32, #tpu.memory_space<hbm>>) target(%arg7 : memref<512x32xf32, #tpu.memory_space<vmem>>) offsets(%dma_start3A_561 : memref<512xi32, #tpu.memory_space<vmem>>) semaphore(%arg11 : memref<!tpu.dma_semaphore, #tpu.memory_space<semaphore_mem>>)
      } else {
      }
      %dma_wait3A_267 = arith.constant 0 : i32
      %dma_wait3A_268 = arith.constant 0 : i32
      %dma_wait3A_269 = tpu.memref_slice %arg3[%dma_wait3A_267, %dma_wait3A_268] : memref<1000000x32xf32, #tpu.memory_space<hbm>> -> memref<512x32xf32, #tpu.memory_space<hbm>>
      %dma_wait3A_270 = arith.constant 0 : i32
      %dma_wait3A_271 = arith.constant 0 : i32
      %dma_wait3A_272 = tpu.memref_slice %arg3[%dma_wait3A_270, %dma_wait3A_271] : memref<1000000x32xf32, #tpu.memory_space<hbm>> -> memref<512x32xf32, #tpu.memory_space<hbm>>
      tpu.wait_dma2 semaphore(%arg10 : memref<!tpu.dma_semaphore, #tpu.memory_space<semaphore_mem>>) src(%dma_wait3A_272 : memref<512x32xf32, #tpu.memory_space<hbm>>) dst(%arg6 : memref<512x32xf32, #tpu.memory_space<vmem>>)
      %ge3A = arith.constant 2 : i32
      %ge3A_273 = arith.cmpi sge, %add3A_262, %ge3A : i32
      %convert_element_type3A_274 = arith.extui %ge3A_273 : i1 to i32
      %cond3A_275 = arith.constant 0 : i32
      %cond3A_276 = arith.cmpi ne, %convert_element_type3A_274, %cond3A_275 : i32
      scf.if %cond3A_276 {
        %dma_wait3A_557 = arith.constant 0 : i32
        %dma_wait3A_558 = arith.constant 0 : i32
        %dma_wait3A_559 = arith.constant 0 : i32
        %dma_wait3A_560 = arith.constant 0 : i32
        %dma_wait3A_561 = arith.constant 0 : i32
        %dma_wait3A_562 = arith.constant 0 : i32
        %dma_wait3A_563 = tpu.memref_slice %arg8[%dma_wait3A_557, %dma_wait3A_560, %dma_wait3A_561, %dma_wait3A_562] : memref<4x4x8x128xf32, #tpu.memory_space<vmem>> -> memref<1x4x8x128xf32, #tpu.memory_space<vmem>>
        %dma_wait3A_564 = tpu.memref_squeeze %dma_wait3A_563 : memref<1x4x8x128xf32, #tpu.memory_space<vmem>> -> memref<4x8x128xf32, #tpu.memory_space<vmem>>
        %dma_wait3A_565 = arith.constant 0 : i32
        %dma_wait3A_566 = arith.constant 0 : i32
        %dma_wait3A_567 = arith.constant 0 : i32
        %dma_wait3A_568 = tpu.memref_slice %arg4[%dma_wait3A_558, %dma_wait3A_559, %dma_wait3A_565, %dma_wait3A_566, %dma_wait3A_567] : memref<200x4x32x8x128xf32, #tpu.memory_space<hbm>> -> memref<1x1x4x8x128xf32, #tpu.memory_space<hbm>>
        %dma_wait3A_569 = tpu.memref_squeeze %dma_wait3A_568 : memref<1x1x4x8x128xf32, #tpu.memory_space<hbm>> -> memref<4x8x128xf32, #tpu.memory_space<hbm>>
        %dma_wait3A_570 = arith.constant 0 : i32
        %dma_wait3A_571 = arith.constant 0 : i32
        %dma_wait3A_572 = arith.constant 0 : i32
        %dma_wait3A_573 = tpu.memref_slice %arg4[%dma_wait3A_558, %dma_wait3A_559, %dma_wait3A_570, %dma_wait3A_571, %dma_wait3A_572] : memref<200x4x32x8x128xf32, #tpu.memory_space<hbm>> -> memref<1x1x4x8x128xf32, #tpu.memory_space<hbm>>
        %dma_wait3A_574 = tpu.memref_squeeze %dma_wait3A_573 : memref<1x1x4x8x128xf32, #tpu.memory_space<hbm>> -> memref<4x8x128xf32, #tpu.memory_space<hbm>>
        %dma_wait3A_575 = arith.constant 0 : i32
        %dma_wait3A_576 = arith.constant 0 : i32
        %dma_wait3A_577 = arith.constant 0 : i32
        %dma_wait3A_578 = tpu.memref_slice %arg8[%dma_wait3A_557, %dma_wait3A_575, %dma_wait3A_576, %dma_wait3A_577] : memref<4x4x8x128xf32, #tpu.memory_space<vmem>> -> memref<1x4x8x128xf32, #tpu.memory_space<vmem>>
        %dma_wait3A_579 = tpu.memref_squeeze %dma_wait3A_578 : memref<1x4x8x128xf32, #tpu.memory_space<vmem>> -> memref<4x8x128xf32, #tpu.memory_space<vmem>>
        tpu.wait_dma2 semaphore(%arg12 : memref<!tpu.dma_semaphore, #tpu.memory_space<semaphore_mem>>) src(%dma_wait3A_579 : memref<4x8x128xf32, #tpu.memory_space<vmem>>) dst(%dma_wait3A_574 : memref<4x8x128xf32, #tpu.memory_space<hbm>>)
        %dma_wait3A_580 = arith.constant 1 : i32
        %dma_wait3A_581 = arith.constant 0 : i32
        %dma_wait3A_582 = arith.constant 0 : i32
        %dma_wait3A_583 = arith.constant 0 : i32
        %dma_wait3A_584 = arith.constant 0 : i32
        %dma_wait3A_585 = arith.constant 0 : i32
        %dma_wait3A_586 = tpu.memref_slice %arg8[%dma_wait3A_580, %dma_wait3A_583, %dma_wait3A_584, %dma_wait3A_585] : memref<4x4x8x128xf32, #tpu.memory_space<vmem>> -> memref<1x4x8x128xf32, #tpu.memory_space<vmem>>
        %dma_wait3A_587 = tpu.memref_squeeze %dma_wait3A_586 : memref<1x4x8x128xf32, #tpu.memory_space<vmem>> -> memref<4x8x128xf32, #tpu.memory_space<vmem>>
        %dma_wait3A_588 = arith.constant 0 : i32
        %dma_wait3A_589 = arith.constant 0 : i32
        %dma_wait3A_590 = arith.constant 0 : i32
        %dma_wait3A_591 = tpu.memref_slice %arg4[%dma_wait3A_581, %dma_wait3A_582, %dma_wait3A_588, %dma_wait3A_589, %dma_wait3A_590] : memref<200x4x32x8x128xf32, #tpu.memory_space<hbm>> -> memref<1x1x4x8x128xf32, #tpu.memory_space<hbm>>
        %dma_wait3A_592 = tpu.memref_squeeze %dma_wait3A_591 : memref<1x1x4x8x128xf32, #tpu.memory_space<hbm>> -> memref<4x8x128xf32, #tpu.memory_space<hbm>>
        %dma_wait3A_593 = arith.constant 0 : i32
        %dma_wait3A_594 = arith.constant 0 : i32
        %dma_wait3A_595 = arith.constant 0 : i32
        %dma_wait3A_596 = tpu.memref_slice %arg4[%dma_wait3A_581, %dma_wait3A_582, %dma_wait3A_593, %dma_wait3A_594, %dma_wait3A_595] : memref<200x4x32x8x128xf32, #tpu.memory_space<hbm>> -> memref<1x1x4x8x128xf32, #tpu.memory_space<hbm>>
        %dma_wait3A_597 = tpu.memref_squeeze %dma_wait3A_596 : memref<1x1x4x8x128xf32, #tpu.memory_space<hbm>> -> memref<4x8x128xf32, #tpu.memory_space<hbm>>
        %dma_wait3A_598 = arith.constant 0 : i32
        %dma_wait3A_599 = arith.constant 0 : i32
        %dma_wait3A_600 = arith.constant 0 : i32
        %dma_wait3A_601 = tpu.memref_slice %arg8[%dma_wait3A_580, %dma_wait3A_598, %dma_wait3A_599, %dma_wait3A_600] : memref<4x4x8x128xf32, #tpu.memory_space<vmem>> -> memref<1x4x8x128xf32, #tpu.memory_space<vmem>>
        %dma_wait3A_602 = tpu.memref_squeeze %dma_wait3A_601 : memref<1x4x8x128xf32, #tpu.memory_space<vmem>> -> memref<4x8x128xf32, #tpu.memory_space<vmem>>
        tpu.wait_dma2 semaphore(%arg12 : memref<!tpu.dma_semaphore, #tpu.memory_space<semaphore_mem>>) src(%dma_wait3A_602 : memref<4x8x128xf32, #tpu.memory_space<vmem>>) dst(%dma_wait3A_597 : memref<4x8x128xf32, #tpu.memory_space<hbm>>)
        %dma_wait3A_603 = arith.constant 2 : i32
        %dma_wait3A_604 = arith.constant 0 : i32
        %dma_wait3A_605 = arith.constant 0 : i32
        %dma_wait3A_606 = arith.constant 0 : i32
        %dma_wait3A_607 = arith.constant 0 : i32
        %dma_wait3A_608 = arith.constant 0 : i32
        %dma_wait3A_609 = tpu.memref_slice %arg8[%dma_wait3A_603, %dma_wait3A_606, %dma_wait3A_607, %dma_wait3A_608] : memref<4x4x8x128xf32, #tpu.memory_space<vmem>> -> memref<1x4x8x128xf32, #tpu.memory_space<vmem>>
        %dma_wait3A_610 = tpu.memref_squeeze %dma_wait3A_609 : memref<1x4x8x128xf32, #tpu.memory_space<vmem>> -> memref<4x8x128xf32, #tpu.memory_space<vmem>>
        %dma_wait3A_611 = arith.constant 0 : i32
        %dma_wait3A_612 = arith.constant 0 : i32
        %dma_wait3A_613 = arith.constant 0 : i32
        %dma_wait3A_614 = tpu.memref_slice %arg4[%dma_wait3A_604, %dma_wait3A_605, %dma_wait3A_611, %dma_wait3A_612, %dma_wait3A_613] : memref<200x4x32x8x128xf32, #tpu.memory_space<hbm>> -> memref<1x1x4x8x128xf32, #tpu.memory_space<hbm>>
        %dma_wait3A_615 = tpu.memref_squeeze %dma_wait3A_614 : memref<1x1x4x8x128xf32, #tpu.memory_space<hbm>> -> memref<4x8x128xf32, #tpu.memory_space<hbm>>
        %dma_wait3A_616 = arith.constant 0 : i32
        %dma_wait3A_617 = arith.constant 0 : i32
        %dma_wait3A_618 = arith.constant 0 : i32
        %dma_wait3A_619 = tpu.memref_slice %arg4[%dma_wait3A_604, %dma_wait3A_605, %dma_wait3A_616, %dma_wait3A_617, %dma_wait3A_618] : memref<200x4x32x8x128xf32, #tpu.memory_space<hbm>> -> memref<1x1x4x8x128xf32, #tpu.memory_space<hbm>>
        %dma_wait3A_620 = tpu.memref_squeeze %dma_wait3A_619 : memref<1x1x4x8x128xf32, #tpu.memory_space<hbm>> -> memref<4x8x128xf32, #tpu.memory_space<hbm>>
        %dma_wait3A_621 = arith.constant 0 : i32
        %dma_wait3A_622 = arith.constant 0 : i32
        %dma_wait3A_623 = arith.constant 0 : i32
        %dma_wait3A_624 = tpu.memref_slice %arg8[%dma_wait3A_603, %dma_wait3A_621, %dma_wait3A_622, %dma_wait3A_623] : memref<4x4x8x128xf32, #tpu.memory_space<vmem>> -> memref<1x4x8x128xf32, #tpu.memory_space<vmem>>
        %dma_wait3A_625 = tpu.memref_squeeze %dma_wait3A_624 : memref<1x4x8x128xf32, #tpu.memory_space<vmem>> -> memref<4x8x128xf32, #tpu.memory_space<vmem>>
        tpu.wait_dma2 semaphore(%arg12 : memref<!tpu.dma_semaphore, #tpu.memory_space<semaphore_mem>>) src(%dma_wait3A_625 : memref<4x8x128xf32, #tpu.memory_space<vmem>>) dst(%dma_wait3A_620 : memref<4x8x128xf32, #tpu.memory_space<hbm>>)
        %dma_wait3A_626 = arith.constant 3 : i32
        %dma_wait3A_627 = arith.constant 0 : i32
        %dma_wait3A_628 = arith.constant 0 : i32
        %dma_wait3A_629 = arith.constant 0 : i32
        %dma_wait3A_630 = arith.constant 0 : i32
        %dma_wait3A_631 = arith.constant 0 : i32
        %dma_wait3A_632 = tpu.memref_slice %arg8[%dma_wait3A_626, %dma_wait3A_629, %dma_wait3A_630, %dma_wait3A_631] : memref<4x4x8x128xf32, #tpu.memory_space<vmem>> -> memref<1x4x8x128xf32, #tpu.memory_space<vmem>>
        %dma_wait3A_633 = tpu.memref_squeeze %dma_wait3A_632 : memref<1x4x8x128xf32, #tpu.memory_space<vmem>> -> memref<4x8x128xf32, #tpu.memory_space<vmem>>
        %dma_wait3A_634 = arith.constant 0 : i32
        %dma_wait3A_635 = arith.constant 0 : i32
        %dma_wait3A_636 = arith.constant 0 : i32
        %dma_wait3A_637 = tpu.memref_slice %arg4[%dma_wait3A_627, %dma_wait3A_628, %dma_wait3A_634, %dma_wait3A_635, %dma_wait3A_636] : memref<200x4x32x8x128xf32, #tpu.memory_space<hbm>> -> memref<1x1x4x8x128xf32, #tpu.memory_space<hbm>>
        %dma_wait3A_638 = tpu.memref_squeeze %dma_wait3A_637 : memref<1x1x4x8x128xf32, #tpu.memory_space<hbm>> -> memref<4x8x128xf32, #tpu.memory_space<hbm>>
        %dma_wait3A_639 = arith.constant 0 : i32
        %dma_wait3A_640 = arith.constant 0 : i32
        %dma_wait3A_641 = arith.constant 0 : i32
        %dma_wait3A_642 = tpu.memref_slice %arg4[%dma_wait3A_627, %dma_wait3A_628, %dma_wait3A_639, %dma_wait3A_640, %dma_wait3A_641] : memref<200x4x32x8x128xf32, #tpu.memory_space<hbm>> -> memref<1x1x4x8x128xf32, #tpu.memory_space<hbm>>
        %dma_wait3A_643 = tpu.memref_squeeze %dma_wait3A_642 : memref<1x1x4x8x128xf32, #tpu.memory_space<hbm>> -> memref<4x8x128xf32, #tpu.memory_space<hbm>>
        %dma_wait3A_644 = arith.constant 0 : i32
        %dma_wait3A_645 = arith.constant 0 : i32
        %dma_wait3A_646 = arith.constant 0 : i32
        %dma_wait3A_647 = tpu.memref_slice %arg8[%dma_wait3A_626, %dma_wait3A_644, %dma_wait3A_645, %dma_wait3A_646] : memref<4x4x8x128xf32, #tpu.memory_space<vmem>> -> memref<1x4x8x128xf32, #tpu.memory_space<vmem>>
        %dma_wait3A_648 = tpu.memref_squeeze %dma_wait3A_647 : memref<1x4x8x128xf32, #tpu.memory_space<vmem>> -> memref<4x8x128xf32, #tpu.memory_space<vmem>>
        tpu.wait_dma2 semaphore(%arg12 : memref<!tpu.dma_semaphore, #tpu.memory_space<semaphore_mem>>) src(%dma_wait3A_648 : memref<4x8x128xf32, #tpu.memory_space<vmem>>) dst(%dma_wait3A_643 : memref<4x8x128xf32, #tpu.memory_space<hbm>>)
      } else {
      }
      %parallel_loop3A = arith.constant 0 : i32
      %parallel_loop3A_277 = arith.constant 32 : i32
      %parallel_loop3A_278 = arith.constant 1 : i32
      scf.for %parallel_loop3A_557 = %parallel_loop3A to %parallel_loop3A_277 step %parallel_loop3A_278  : i32 {
        %parallel_loop3A_558 = arith.constant 3 : i32
        %parallel_loop3A_559 = arith.shrsi %parallel_loop3A_557, %parallel_loop3A_558 : i32
        %parallel_loop3A_560 = arith.constant 7 : i32
        %parallel_loop3A_561 = arith.andi %parallel_loop3A_557, %parallel_loop3A_560 : i32
        %parallel_loop3A_562 = arith.constant 7 : i32
        %parallel_loop3A_563 = arith.shli %parallel_loop3A_559, %parallel_loop3A_562 : i32
        %parallel_loop3A_564 = arith.constant 4 : i32
        %parallel_loop3A_565 = arith.shli %parallel_loop3A_561, %parallel_loop3A_564 : i32
        %parallel_loop3A_566 = arith.addi %parallel_loop3A_563, %parallel_loop3A_565 : i32
        %parallel_loop3A_567 = vector.broadcast %parallel_loop3A_566 : i32 to vector<16xi32>
        %parallel_loop3A_568 = arith.addi %iota3A, %parallel_loop3A_567 : vector<16xi32>
        %parallel_loop3A_569 = tpu.vector_load_idx %arg6[%parallel_loop3A_568, %broadcast_in_dim3A_1] : memref<512x32xf32, #tpu.memory_space<vmem>>[vector<16xi32>, vector<16xi32>], vector<16xf32>,
        %parallel_loop3A_570 = tpu.vector_load_idx %arg6[%parallel_loop3A_568, %broadcast_in_dim3A_3] : memref<512x32xf32, #tpu.memory_space<vmem>>[vector<16xi32>, vector<16xi32>], vector<16xf32>,
        %parallel_loop3A_571 = tpu.vector_load_idx %arg6[%parallel_loop3A_568, %broadcast_in_dim3A_5] : memref<512x32xf32, #tpu.memory_space<vmem>>[vector<16xi32>, vector<16xi32>], vector<16xf32>,
        %parallel_loop3A_572 = tpu.vector_load_idx %arg6[%parallel_loop3A_568, %broadcast_in_dim3A_7] : memref<512x32xf32, #tpu.memory_space<vmem>>[vector<16xi32>, vector<16xi32>], vector<16xf32>,
        %parallel_loop3A_573 = tpu.vector_load_idx %arg6[%parallel_loop3A_568, %broadcast_in_dim3A_9] : memref<512x32xf32, #tpu.memory_space<vmem>>[vector<16xi32>, vector<16xi32>], vector<16xf32>,
        %parallel_loop3A_574 = tpu.vector_load_idx %arg6[%parallel_loop3A_568, %broadcast_in_dim3A_11] : memref<512x32xf32, #tpu.memory_space<vmem>>[vector<16xi32>, vector<16xi32>], vector<16xf32>,
        %parallel_loop3A_575 = tpu.vector_load_idx %arg6[%parallel_loop3A_568, %broadcast_in_dim3A_13] : memref<512x32xf32, #tpu.memory_space<vmem>>[vector<16xi32>, vector<16xi32>], vector<16xf32>,
        %parallel_loop3A_576 = tpu.vector_load_idx %arg6[%parallel_loop3A_568, %broadcast_in_dim3A_15] : memref<512x32xf32, #tpu.memory_space<vmem>>[vector<16xi32>, vector<16xi32>], vector<16xf32>,
        %parallel_loop3A_577 = arith.constant 4 : i32
        %parallel_loop3A_578 = arith.shli %parallel_loop3A_561, %parallel_loop3A_577 : i32
        %parallel_loop3A_579 = arith.constant 0 : i32
        %parallel_loop3A_580 = arith.constant 0 : i32
        %parallel_loop3A_581 = arith.index_cast %parallel_loop3A_579 : i32 to index
        %parallel_loop3A_582 = arith.index_cast %parallel_loop3A_559 : i32 to index
        %parallel_loop3A_583 = arith.index_cast %parallel_loop3A_580 : i32 to index
        %parallel_loop3A_584 = arith.index_cast %parallel_loop3A_578 : i32 to index
        %parallel_loop3A_585 = tpu.vector_load %arg8[%parallel_loop3A_581, %parallel_loop3A_582, %parallel_loop3A_583, %parallel_loop3A_584] {strides = array<i32>} : memref<4x4x8x128xf32, #tpu.memory_space<vmem>>, vector<16xf32>,
        tpu.vector_store %arg8[%parallel_loop3A_581, %parallel_loop3A_582, %parallel_loop3A_583, %parallel_loop3A_584], %parallel_loop3A_569 {strides = array<i32>} : memref<4x4x8x128xf32, #tpu.memory_space<vmem>>, vector<16xf32>,
        %parallel_loop3A_586 = arith.constant 4 : i32
        %parallel_loop3A_587 = arith.shli %parallel_loop3A_561, %parallel_loop3A_586 : i32
        %parallel_loop3A_588 = arith.constant 0 : i32
        %parallel_loop3A_589 = arith.constant 1 : i32
        %parallel_loop3A_590 = arith.index_cast %parallel_loop3A_588 : i32 to index
        %parallel_loop3A_591 = arith.index_cast %parallel_loop3A_559 : i32 to index
        %parallel_loop3A_592 = arith.index_cast %parallel_loop3A_589 : i32 to index
        %parallel_loop3A_593 = arith.index_cast %parallel_loop3A_587 : i32 to index
        %parallel_loop3A_594 = tpu.vector_load %arg8[%parallel_loop3A_590, %parallel_loop3A_591, %parallel_loop3A_592, %parallel_loop3A_593] {strides = array<i32>} : memref<4x4x8x128xf32, #tpu.memory_space<vmem>>, vector<16xf32>,
        tpu.vector_store %arg8[%parallel_loop3A_590, %parallel_loop3A_591, %parallel_loop3A_592, %parallel_loop3A_593], %parallel_loop3A_570 {strides = array<i32>} : memref<4x4x8x128xf32, #tpu.memory_space<vmem>>, vector<16xf32>,
        %parallel_loop3A_595 = arith.constant 4 : i32
        %parallel_loop3A_596 = arith.shli %parallel_loop3A_561, %parallel_loop3A_595 : i32
        %parallel_loop3A_597 = arith.constant 0 : i32
        %parallel_loop3A_598 = arith.constant 2 : i32
        %parallel_loop3A_599 = arith.index_cast %parallel_loop3A_597 : i32 to index
        %parallel_loop3A_600 = arith.index_cast %parallel_loop3A_559 : i32 to index
        %parallel_loop3A_601 = arith.index_cast %parallel_loop3A_598 : i32 to index
        %parallel_loop3A_602 = arith.index_cast %parallel_loop3A_596 : i32 to index
        %parallel_loop3A_603 = tpu.vector_load %arg8[%parallel_loop3A_599, %parallel_loop3A_600, %parallel_loop3A_601, %parallel_loop3A_602] {strides = array<i32>} : memref<4x4x8x128xf32, #tpu.memory_space<vmem>>, vector<16xf32>,
        tpu.vector_store %arg8[%parallel_loop3A_599, %parallel_loop3A_600, %parallel_loop3A_601, %parallel_loop3A_602], %parallel_loop3A_571 {strides = array<i32>} : memref<4x4x8x128xf32, #tpu.memory_space<vmem>>, vector<16xf32>,
        %parallel_loop3A_604 = arith.constant 4 : i32
        %parallel_loop3A_605 = arith.shli %parallel_loop3A_561, %parallel_loop3A_604 : i32
        %parallel_loop3A_606 = arith.constant 0 : i32
        %parallel_loop3A_607 = arith.constant 3 : i32
        %parallel_loop3A_608 = arith.index_cast %parallel_loop3A_606 : i32 to index
        %parallel_loop3A_609 = arith.index_cast %parallel_loop3A_559 : i32 to index
        %parallel_loop3A_610 = arith.index_cast %parallel_loop3A_607 : i32 to index
        %parallel_loop3A_611 = arith.index_cast %parallel_loop3A_605 : i32 to index
        %parallel_loop3A_612 = tpu.vector_load %arg8[%parallel_loop3A_608, %parallel_loop3A_609, %parallel_loop3A_610, %parallel_loop3A_611] {strides = array<i32>} : memref<4x4x8x128xf32, #tpu.memory_space<vmem>>, vector<16xf32>,
        tpu.vector_store %arg8[%parallel_loop3A_608, %parallel_loop3A_609, %parallel_loop3A_610, %parallel_loop3A_611], %parallel_loop3A_572 {strides = array<i32>} : memref<4x4x8x128xf32, #tpu.memory_space<vmem>>, vector<16xf32>,
        %parallel_loop3A_613 = arith.constant 4 : i32
        %parallel_loop3A_614 = arith.shli %parallel_loop3A_561, %parallel_loop3A_613 : i32
        %parallel_loop3A_615 = arith.constant 0 : i32
        %parallel_loop3A_616 = arith.constant 4 : i32
        %parallel_loop3A_617 = arith.index_cast %parallel_loop3A_615 : i32 to index
        %parallel_loop3A_618 = arith.index_cast %parallel_loop3A_559 : i32 to index
        %parallel_loop3A_619 = arith.index_cast %parallel_loop3A_616 : i32 to index
        %parallel_loop3A_620 = arith.index_cast %parallel_loop3A_614 : i32 to index
        %parallel_loop3A_621 = tpu.vector_load %arg8[%parallel_loop3A_617, %parallel_loop3A_618, %parallel_loop3A_619, %parallel_loop3A_620] {strides = array<i32>} : memref<4x4x8x128xf32, #tpu.memory_space<vmem>>, vector<16xf32>,
        tpu.vector_store %arg8[%parallel_loop3A_617, %parallel_loop3A_618, %parallel_loop3A_619, %parallel_loop3A_620], %parallel_loop3A_573 {strides = array<i32>} : memref<4x4x8x128xf32, #tpu.memory_space<vmem>>, vector<16xf32>,
        %parallel_loop3A_622 = arith.constant 4 : i32
        %parallel_loop3A_623 = arith.shli %parallel_loop3A_561, %parallel_loop3A_622 : i32
        %parallel_loop3A_624 = arith.constant 0 : i32
        %parallel_loop3A_625 = arith.constant 5 : i32
        %parallel_loop3A_626 = arith.index_cast %parallel_loop3A_624 : i32 to index
        %parallel_loop3A_627 = arith.index_cast %parallel_loop3A_559 : i32 to index
        %parallel_loop3A_628 = arith.index_cast %parallel_loop3A_625 : i32 to index
        %parallel_loop3A_629 = arith.index_cast %parallel_loop3A_623 : i32 to index
        %parallel_loop3A_630 = tpu.vector_load %arg8[%parallel_loop3A_626, %parallel_loop3A_627, %parallel_loop3A_628, %parallel_loop3A_629] {strides = array<i32>} : memref<4x4x8x128xf32, #tpu.memory_space<vmem>>, vector<16xf32>,
        tpu.vector_store %arg8[%parallel_loop3A_626, %parallel_loop3A_627, %parallel_loop3A_628, %parallel_loop3A_629], %parallel_loop3A_574 {strides = array<i32>} : memref<4x4x8x128xf32, #tpu.memory_space<vmem>>, vector<16xf32>,
        %parallel_loop3A_631 = arith.constant 4 : i32
        %parallel_loop3A_632 = arith.shli %parallel_loop3A_561, %parallel_loop3A_631 : i32
        %parallel_loop3A_633 = arith.constant 0 : i32
        %parallel_loop3A_634 = arith.constant 6 : i32
        %parallel_loop3A_635 = arith.index_cast %parallel_loop3A_633 : i32 to index
        %parallel_loop3A_636 = arith.index_cast %parallel_loop3A_559 : i32 to index
        %parallel_loop3A_637 = arith.index_cast %parallel_loop3A_634 : i32 to index
        %parallel_loop3A_638 = arith.index_cast %parallel_loop3A_632 : i32 to index
        %parallel_loop3A_639 = tpu.vector_load %arg8[%parallel_loop3A_635, %parallel_loop3A_636, %parallel_loop3A_637, %parallel_loop3A_638] {strides = array<i32>} : memref<4x4x8x128xf32, #tpu.memory_space<vmem>>, vector<16xf32>,
        tpu.vector_store %arg8[%parallel_loop3A_635, %parallel_loop3A_636, %parallel_loop3A_637, %parallel_loop3A_638], %parallel_loop3A_575 {strides = array<i32>} : memref<4x4x8x128xf32, #tpu.memory_space<vmem>>, vector<16xf32>,
        %parallel_loop3A_640 = arith.constant 4 : i32
        %parallel_loop3A_641 = arith.shli %parallel_loop3A_561, %parallel_loop3A_640 : i32
        %parallel_loop3A_642 = arith.constant 0 : i32
        %parallel_loop3A_643 = arith.constant 7 : i32
        %parallel_loop3A_644 = arith.index_cast %parallel_loop3A_642 : i32 to index
        %parallel_loop3A_645 = arith.index_cast %parallel_loop3A_559 : i32 to index
        %parallel_loop3A_646 = arith.index_cast %parallel_loop3A_643 : i32 to index
        %parallel_loop3A_647 = arith.index_cast %parallel_loop3A_641 : i32 to index
        %parallel_loop3A_648 = tpu.vector_load %arg8[%parallel_loop3A_644, %parallel_loop3A_645, %parallel_loop3A_646, %parallel_loop3A_647] {strides = array<i32>} : memref<4x4x8x128xf32, #tpu.memory_space<vmem>>, vector<16xf32>,
        tpu.vector_store %arg8[%parallel_loop3A_644, %parallel_loop3A_645, %parallel_loop3A_646, %parallel_loop3A_647], %parallel_loop3A_576 {strides = array<i32>} : memref<4x4x8x128xf32, #tpu.memory_space<vmem>>, vector<16xf32>,
        %parallel_loop3A_649 = tpu.vector_load_idx %arg6[%parallel_loop3A_568, %broadcast_in_dim3A_17] : memref<512x32xf32, #tpu.memory_space<vmem>>[vector<16xi32>, vector<16xi32>], vector<16xf32>,
        %parallel_loop3A_650 = tpu.vector_load_idx %arg6[%parallel_loop3A_568, %broadcast_in_dim3A_19] : memref<512x32xf32, #tpu.memory_space<vmem>>[vector<16xi32>, vector<16xi32>], vector<16xf32>,
        %parallel_loop3A_651 = tpu.vector_load_idx %arg6[%parallel_loop3A_568, %broadcast_in_dim3A_21] : memref<512x32xf32, #tpu.memory_space<vmem>>[vector<16xi32>, vector<16xi32>], vector<16xf32>,
        %parallel_loop3A_652 = tpu.vector_load_idx %arg6[%parallel_loop3A_568, %broadcast_in_dim3A_23] : memref<512x32xf32, #tpu.memory_space<vmem>>[vector<16xi32>, vector<16xi32>], vector<16xf32>,
        %parallel_loop3A_653 = tpu.vector_load_idx %arg6[%parallel_loop3A_568, %broadcast_in_dim3A_25] : memref<512x32xf32, #tpu.memory_space<vmem>>[vector<16xi32>, vector<16xi32>], vector<16xf32>,
        %parallel_loop3A_654 = tpu.vector_load_idx %arg6[%parallel_loop3A_568, %broadcast_in_dim3A_27] : memref<512x32xf32, #tpu.memory_space<vmem>>[vector<16xi32>, vector<16xi32>], vector<16xf32>,
        %parallel_loop3A_655 = tpu.vector_load_idx %arg6[%parallel_loop3A_568, %broadcast_in_dim3A_29] : memref<512x32xf32, #tpu.memory_space<vmem>>[vector<16xi32>, vector<16xi32>], vector<16xf32>,
        %parallel_loop3A_656 = tpu.vector_load_idx %arg6[%parallel_loop3A_568, %broadcast_in_dim3A_31] : memref<512x32xf32, #tpu.memory_space<vmem>>[vector<16xi32>, vector<16xi32>], vector<16xf32>,
        %parallel_loop3A_657 = arith.constant 4 : i32
        %parallel_loop3A_658 = arith.shli %parallel_loop3A_561, %parallel_loop3A_657 : i32
        %parallel_loop3A_659 = arith.constant 1 : i32
        %parallel_loop3A_660 = arith.constant 0 : i32
        %parallel_loop3A_661 = arith.index_cast %parallel_loop3A_659 : i32 to index
        %parallel_loop3A_662 = arith.index_cast %parallel_loop3A_559 : i32 to index
        %parallel_loop3A_663 = arith.index_cast %parallel_loop3A_660 : i32 to index
        %parallel_loop3A_664 = arith.index_cast %parallel_loop3A_658 : i32 to index
        %parallel_loop3A_665 = tpu.vector_load %arg8[%parallel_loop3A_661, %parallel_loop3A_662, %parallel_loop3A_663, %parallel_loop3A_664] {strides = array<i32>} : memref<4x4x8x128xf32, #tpu.memory_space<vmem>>, vector<16xf32>,
        tpu.vector_store %arg8[%parallel_loop3A_661, %parallel_loop3A_662, %parallel_loop3A_663, %parallel_loop3A_664], %parallel_loop3A_649 {strides = array<i32>} : memref<4x4x8x128xf32, #tpu.memory_space<vmem>>, vector<16xf32>,
        %parallel_loop3A_666 = arith.constant 4 : i32
        %parallel_loop3A_667 = arith.shli %parallel_loop3A_561, %parallel_loop3A_666 : i32
        %parallel_loop3A_668 = arith.constant 1 : i32
        %parallel_loop3A_669 = arith.constant 1 : i32
        %parallel_loop3A_670 = arith.index_cast %parallel_loop3A_668 : i32 to index
        %parallel_loop3A_671 = arith.index_cast %parallel_loop3A_559 : i32 to index
        %parallel_loop3A_672 = arith.index_cast %parallel_loop3A_669 : i32 to index
        %parallel_loop3A_673 = arith.index_cast %parallel_loop3A_667 : i32 to index
        %parallel_loop3A_674 = tpu.vector_load %arg8[%parallel_loop3A_670, %parallel_loop3A_671, %parallel_loop3A_672, %parallel_loop3A_673] {strides = array<i32>} : memref<4x4x8x128xf32, #tpu.memory_space<vmem>>, vector<16xf32>,
        tpu.vector_store %arg8[%parallel_loop3A_670, %parallel_loop3A_671, %parallel_loop3A_672, %parallel_loop3A_673], %parallel_loop3A_650 {strides = array<i32>} : memref<4x4x8x128xf32, #tpu.memory_space<vmem>>, vector<16xf32>,
        %parallel_loop3A_675 = arith.constant 4 : i32
        %parallel_loop3A_676 = arith.shli %parallel_loop3A_561, %parallel_loop3A_675 : i32
        %parallel_loop3A_677 = arith.constant 1 : i32
        %parallel_loop3A_678 = arith.constant 2 : i32
        %parallel_loop3A_679 = arith.index_cast %parallel_loop3A_677 : i32 to index
        %parallel_loop3A_680 = arith.index_cast %parallel_loop3A_559 : i32 to index
        %parallel_loop3A_681 = arith.index_cast %parallel_loop3A_678 : i32 to index
        %parallel_loop3A_682 = arith.index_cast %parallel_loop3A_676 : i32 to index
        %parallel_loop3A_683 = tpu.vector_load %arg8[%parallel_loop3A_679, %parallel_loop3A_680, %parallel_loop3A_681, %parallel_loop3A_682] {strides = array<i32>} : memref<4x4x8x128xf32, #tpu.memory_space<vmem>>, vector<16xf32>,
        tpu.vector_store %arg8[%parallel_loop3A_679, %parallel_loop3A_680, %parallel_loop3A_681, %parallel_loop3A_682], %parallel_loop3A_651 {strides = array<i32>} : memref<4x4x8x128xf32, #tpu.memory_space<vmem>>, vector<16xf32>,
        %parallel_loop3A_684 = arith.constant 4 : i32
        %parallel_loop3A_685 = arith.shli %parallel_loop3A_561, %parallel_loop3A_684 : i32
        %parallel_loop3A_686 = arith.constant 1 : i32
        %parallel_loop3A_687 = arith.constant 3 : i32
        %parallel_loop3A_688 = arith.index_cast %parallel_loop3A_686 : i32 to index
        %parallel_loop3A_689 = arith.index_cast %parallel_loop3A_559 : i32 to index
        %parallel_loop3A_690 = arith.index_cast %parallel_loop3A_687 : i32 to index
        %parallel_loop3A_691 = arith.index_cast %parallel_loop3A_685 : i32 to index
        %parallel_loop3A_692 = tpu.vector_load %arg8[%parallel_loop3A_688, %parallel_loop3A_689, %parallel_loop3A_690, %parallel_loop3A_691] {strides = array<i32>} : memref<4x4x8x128xf32, #tpu.memory_space<vmem>>, vector<16xf32>,
        tpu.vector_store %arg8[%parallel_loop3A_688, %parallel_loop3A_689, %parallel_loop3A_690, %parallel_loop3A_691], %parallel_loop3A_652 {strides = array<i32>} : memref<4x4x8x128xf32, #tpu.memory_space<vmem>>, vector<16xf32>,
        %parallel_loop3A_693 = arith.constant 4 : i32
        %parallel_loop3A_694 = arith.shli %parallel_loop3A_561, %parallel_loop3A_693 : i32
        %parallel_loop3A_695 = arith.constant 1 : i32
        %parallel_loop3A_696 = arith.constant 4 : i32
        %parallel_loop3A_697 = arith.index_cast %parallel_loop3A_695 : i32 to index
        %parallel_loop3A_698 = arith.index_cast %parallel_loop3A_559 : i32 to index
        %parallel_loop3A_699 = arith.index_cast %parallel_loop3A_696 : i32 to index
        %parallel_loop3A_700 = arith.index_cast %parallel_loop3A_694 : i32 to index
        %parallel_loop3A_701 = tpu.vector_load %arg8[%parallel_loop3A_697, %parallel_loop3A_698, %parallel_loop3A_699, %parallel_loop3A_700] {strides = array<i32>} : memref<4x4x8x128xf32, #tpu.memory_space<vmem>>, vector<16xf32>,
        tpu.vector_store %arg8[%parallel_loop3A_697, %parallel_loop3A_698, %parallel_loop3A_699, %parallel_loop3A_700], %parallel_loop3A_653 {strides = array<i32>} : memref<4x4x8x128xf32, #tpu.memory_space<vmem>>, vector<16xf32>,
        %parallel_loop3A_702 = arith.constant 4 : i32
        %parallel_loop3A_703 = arith.shli %parallel_loop3A_561, %parallel_loop3A_702 : i32
        %parallel_loop3A_704 = arith.constant 1 : i32
        %parallel_loop3A_705 = arith.constant 5 : i32
        %parallel_loop3A_706 = arith.index_cast %parallel_loop3A_704 : i32 to index
        %parallel_loop3A_707 = arith.index_cast %parallel_loop3A_559 : i32 to index
        %parallel_loop3A_708 = arith.index_cast %parallel_loop3A_705 : i32 to index
        %parallel_loop3A_709 = arith.index_cast %parallel_loop3A_703 : i32 to index
        %parallel_loop3A_710 = tpu.vector_load %arg8[%parallel_loop3A_706, %parallel_loop3A_707, %parallel_loop3A_708, %parallel_loop3A_709] {strides = array<i32>} : memref<4x4x8x128xf32, #tpu.memory_space<vmem>>, vector<16xf32>,
        tpu.vector_store %arg8[%parallel_loop3A_706, %parallel_loop3A_707, %parallel_loop3A_708, %parallel_loop3A_709], %parallel_loop3A_654 {strides = array<i32>} : memref<4x4x8x128xf32, #tpu.memory_space<vmem>>, vector<16xf32>,
        %parallel_loop3A_711 = arith.constant 4 : i32
        %parallel_loop3A_712 = arith.shli %parallel_loop3A_561, %parallel_loop3A_711 : i32
        %parallel_loop3A_713 = arith.constant 1 : i32
        %parallel_loop3A_714 = arith.constant 6 : i32
        %parallel_loop3A_715 = arith.index_cast %parallel_loop3A_713 : i32 to index
        %parallel_loop3A_716 = arith.index_cast %parallel_loop3A_559 : i32 to index
        %parallel_loop3A_717 = arith.index_cast %parallel_loop3A_714 : i32 to index
        %parallel_loop3A_718 = arith.index_cast %parallel_loop3A_712 : i32 to index
        %parallel_loop3A_719 = tpu.vector_load %arg8[%parallel_loop3A_715, %parallel_loop3A_716, %parallel_loop3A_717, %parallel_loop3A_718] {strides = array<i32>} : memref<4x4x8x128xf32, #tpu.memory_space<vmem>>, vector<16xf32>,
        tpu.vector_store %arg8[%parallel_loop3A_715, %parallel_loop3A_716, %parallel_loop3A_717, %parallel_loop3A_718], %parallel_loop3A_655 {strides = array<i32>} : memref<4x4x8x128xf32, #tpu.memory_space<vmem>>, vector<16xf32>,
        %parallel_loop3A_720 = arith.constant 4 : i32
        %parallel_loop3A_721 = arith.shli %parallel_loop3A_561, %parallel_loop3A_720 : i32
        %parallel_loop3A_722 = arith.constant 1 : i32
        %parallel_loop3A_723 = arith.constant 7 : i32
        %parallel_loop3A_724 = arith.index_cast %parallel_loop3A_722 : i32 to index
        %parallel_loop3A_725 = arith.index_cast %parallel_loop3A_559 : i32 to index
        %parallel_loop3A_726 = arith.index_cast %parallel_loop3A_723 : i32 to index
        %parallel_loop3A_727 = arith.index_cast %parallel_loop3A_721 : i32 to index
        %parallel_loop3A_728 = tpu.vector_load %arg8[%parallel_loop3A_724, %parallel_loop3A_725, %parallel_loop3A_726, %parallel_loop3A_727] {strides = array<i32>} : memref<4x4x8x128xf32, #tpu.memory_space<vmem>>, vector<16xf32>,
        tpu.vector_store %arg8[%parallel_loop3A_724, %parallel_loop3A_725, %parallel_loop3A_726, %parallel_loop3A_727], %parallel_loop3A_656 {strides = array<i32>} : memref<4x4x8x128xf32, #tpu.memory_space<vmem>>, vector<16xf32>,
        %parallel_loop3A_729 = tpu.vector_load_idx %arg6[%parallel_loop3A_568, %broadcast_in_dim3A_33] : memref<512x32xf32, #tpu.memory_space<vmem>>[vector<16xi32>, vector<16xi32>], vector<16xf32>,
        %parallel_loop3A_730 = tpu.vector_load_idx %arg6[%parallel_loop3A_568, %broadcast_in_dim3A_35] : memref<512x32xf32, #tpu.memory_space<vmem>>[vector<16xi32>, vector<16xi32>], vector<16xf32>,
        %parallel_loop3A_731 = tpu.vector_load_idx %arg6[%parallel_loop3A_568, %broadcast_in_dim3A_37] : memref<512x32xf32, #tpu.memory_space<vmem>>[vector<16xi32>, vector<16xi32>], vector<16xf32>,
        %parallel_loop3A_732 = tpu.vector_load_idx %arg6[%parallel_loop3A_568, %broadcast_in_dim3A_39] : memref<512x32xf32, #tpu.memory_space<vmem>>[vector<16xi32>, vector<16xi32>], vector<16xf32>,
        %parallel_loop3A_733 = tpu.vector_load_idx %arg6[%parallel_loop3A_568, %broadcast_in_dim3A_41] : memref<512x32xf32, #tpu.memory_space<vmem>>[vector<16xi32>, vector<16xi32>], vector<16xf32>,
        %parallel_loop3A_734 = tpu.vector_load_idx %arg6[%parallel_loop3A_568, %broadcast_in_dim3A_43] : memref<512x32xf32, #tpu.memory_space<vmem>>[vector<16xi32>, vector<16xi32>], vector<16xf32>,
        %parallel_loop3A_735 = tpu.vector_load_idx %arg6[%parallel_loop3A_568, %broadcast_in_dim3A_45] : memref<512x32xf32, #tpu.memory_space<vmem>>[vector<16xi32>, vector<16xi32>], vector<16xf32>,
        %parallel_loop3A_736 = tpu.vector_load_idx %arg6[%parallel_loop3A_568, %broadcast_in_dim3A_47] : memref<512x32xf32, #tpu.memory_space<vmem>>[vector<16xi32>, vector<16xi32>], vector<16xf32>,
        %parallel_loop3A_737 = arith.constant 4 : i32
        %parallel_loop3A_738 = arith.shli %parallel_loop3A_561, %parallel_loop3A_737 : i32
        %parallel_loop3A_739 = arith.constant 2 : i32
        %parallel_loop3A_740 = arith.constant 0 : i32
        %parallel_loop3A_741 = arith.index_cast %parallel_loop3A_739 : i32 to index
        %parallel_loop3A_742 = arith.index_cast %parallel_loop3A_559 : i32 to index
        %parallel_loop3A_743 = arith.index_cast %parallel_loop3A_740 : i32 to index
        %parallel_loop3A_744 = arith.index_cast %parallel_loop3A_738 : i32 to index
        %parallel_loop3A_745 = tpu.vector_load %arg8[%parallel_loop3A_741, %parallel_loop3A_742, %parallel_loop3A_743, %parallel_loop3A_744] {strides = array<i32>} : memref<4x4x8x128xf32, #tpu.memory_space<vmem>>, vector<16xf32>,
        tpu.vector_store %arg8[%parallel_loop3A_741, %parallel_loop3A_742, %parallel_loop3A_743, %parallel_loop3A_744], %parallel_loop3A_729 {strides = array<i32>} : memref<4x4x8x128xf32, #tpu.memory_space<vmem>>, vector<16xf32>,
        %parallel_loop3A_746 = arith.constant 4 : i32
        %parallel_loop3A_747 = arith.shli %parallel_loop3A_561, %parallel_loop3A_746 : i32
        %parallel_loop3A_748 = arith.constant 2 : i32
        %parallel_loop3A_749 = arith.constant 1 : i32
        %parallel_loop3A_750 = arith.index_cast %parallel_loop3A_748 : i32 to index
        %parallel_loop3A_751 = arith.index_cast %parallel_loop3A_559 : i32 to index
        %parallel_loop3A_752 = arith.index_cast %parallel_loop3A_749 : i32 to index
        %parallel_loop3A_753 = arith.index_cast %parallel_loop3A_747 : i32 to index
        %parallel_loop3A_754 = tpu.vector_load %arg8[%parallel_loop3A_750, %parallel_loop3A_751, %parallel_loop3A_752, %parallel_loop3A_753] {strides = array<i32>} : memref<4x4x8x128xf32, #tpu.memory_space<vmem>>, vector<16xf32>,
        tpu.vector_store %arg8[%parallel_loop3A_750, %parallel_loop3A_751, %parallel_loop3A_752, %parallel_loop3A_753], %parallel_loop3A_730 {strides = array<i32>} : memref<4x4x8x128xf32, #tpu.memory_space<vmem>>, vector<16xf32>,
        %parallel_loop3A_755 = arith.constant 4 : i32
        %parallel_loop3A_756 = arith.shli %parallel_loop3A_561, %parallel_loop3A_755 : i32
        %parallel_loop3A_757 = arith.constant 2 : i32
        %parallel_loop3A_758 = arith.constant 2 : i32
        %parallel_loop3A_759 = arith.index_cast %parallel_loop3A_757 : i32 to index
        %parallel_loop3A_760 = arith.index_cast %parallel_loop3A_559 : i32 to index
        %parallel_loop3A_761 = arith.index_cast %parallel_loop3A_758 : i32 to index
        %parallel_loop3A_762 = arith.index_cast %parallel_loop3A_756 : i32 to index
        %parallel_loop3A_763 = tpu.vector_load %arg8[%parallel_loop3A_759, %parallel_loop3A_760, %parallel_loop3A_761, %parallel_loop3A_762] {strides = array<i32>} : memref<4x4x8x128xf32, #tpu.memory_space<vmem>>, vector<16xf32>,
        tpu.vector_store %arg8[%parallel_loop3A_759, %parallel_loop3A_760, %parallel_loop3A_761, %parallel_loop3A_762], %parallel_loop3A_731 {strides = array<i32>} : memref<4x4x8x128xf32, #tpu.memory_space<vmem>>, vector<16xf32>,
        %parallel_loop3A_764 = arith.constant 4 : i32
        %parallel_loop3A_765 = arith.shli %parallel_loop3A_561, %parallel_loop3A_764 : i32
        %parallel_loop3A_766 = arith.constant 2 : i32
        %parallel_loop3A_767 = arith.constant 3 : i32
        %parallel_loop3A_768 = arith.index_cast %parallel_loop3A_766 : i32 to index
        %parallel_loop3A_769 = arith.index_cast %parallel_loop3A_559 : i32 to index
        %parallel_loop3A_770 = arith.index_cast %parallel_loop3A_767 : i32 to index
        %parallel_loop3A_771 = arith.index_cast %parallel_loop3A_765 : i32 to index
        %parallel_loop3A_772 = tpu.vector_load %arg8[%parallel_loop3A_768, %parallel_loop3A_769, %parallel_loop3A_770, %parallel_loop3A_771] {strides = array<i32>} : memref<4x4x8x128xf32, #tpu.memory_space<vmem>>, vector<16xf32>,
        tpu.vector_store %arg8[%parallel_loop3A_768, %parallel_loop3A_769, %parallel_loop3A_770, %parallel_loop3A_771], %parallel_loop3A_732 {strides = array<i32>} : memref<4x4x8x128xf32, #tpu.memory_space<vmem>>, vector<16xf32>,
        %parallel_loop3A_773 = arith.constant 4 : i32
        %parallel_loop3A_774 = arith.shli %parallel_loop3A_561, %parallel_loop3A_773 : i32
        %parallel_loop3A_775 = arith.constant 2 : i32
        %parallel_loop3A_776 = arith.constant 4 : i32
        %parallel_loop3A_777 = arith.index_cast %parallel_loop3A_775 : i32 to index
        %parallel_loop3A_778 = arith.index_cast %parallel_loop3A_559 : i32 to index
        %parallel_loop3A_779 = arith.index_cast %parallel_loop3A_776 : i32 to index
        %parallel_loop3A_780 = arith.index_cast %parallel_loop3A_774 : i32 to index
        %parallel_loop3A_781 = tpu.vector_load %arg8[%parallel_loop3A_777, %parallel_loop3A_778, %parallel_loop3A_779, %parallel_loop3A_780] {strides = array<i32>} : memref<4x4x8x128xf32, #tpu.memory_space<vmem>>, vector<16xf32>,
        tpu.vector_store %arg8[%parallel_loop3A_777, %parallel_loop3A_778, %parallel_loop3A_779, %parallel_loop3A_780], %parallel_loop3A_733 {strides = array<i32>} : memref<4x4x8x128xf32, #tpu.memory_space<vmem>>, vector<16xf32>,
        %parallel_loop3A_782 = arith.constant 4 : i32
        %parallel_loop3A_783 = arith.shli %parallel_loop3A_561, %parallel_loop3A_782 : i32
        %parallel_loop3A_784 = arith.constant 2 : i32
        %parallel_loop3A_785 = arith.constant 5 : i32
        %parallel_loop3A_786 = arith.index_cast %parallel_loop3A_784 : i32 to index
        %parallel_loop3A_787 = arith.index_cast %parallel_loop3A_559 : i32 to index
        %parallel_loop3A_788 = arith.index_cast %parallel_loop3A_785 : i32 to index
        %parallel_loop3A_789 = arith.index_cast %parallel_loop3A_783 : i32 to index
        %parallel_loop3A_790 = tpu.vector_load %arg8[%parallel_loop3A_786, %parallel_loop3A_787, %parallel_loop3A_788, %parallel_loop3A_789] {strides = array<i32>} : memref<4x4x8x128xf32, #tpu.memory_space<vmem>>, vector<16xf32>,
        tpu.vector_store %arg8[%parallel_loop3A_786, %parallel_loop3A_787, %parallel_loop3A_788, %parallel_loop3A_789], %parallel_loop3A_734 {strides = array<i32>} : memref<4x4x8x128xf32, #tpu.memory_space<vmem>>, vector<16xf32>,
        %parallel_loop3A_791 = arith.constant 4 : i32
        %parallel_loop3A_792 = arith.shli %parallel_loop3A_561, %parallel_loop3A_791 : i32
        %parallel_loop3A_793 = arith.constant 2 : i32
        %parallel_loop3A_794 = arith.constant 6 : i32
        %parallel_loop3A_795 = arith.index_cast %parallel_loop3A_793 : i32 to index
        %parallel_loop3A_796 = arith.index_cast %parallel_loop3A_559 : i32 to index
        %parallel_loop3A_797 = arith.index_cast %parallel_loop3A_794 : i32 to index
        %parallel_loop3A_798 = arith.index_cast %parallel_loop3A_792 : i32 to index
        %parallel_loop3A_799 = tpu.vector_load %arg8[%parallel_loop3A_795, %parallel_loop3A_796, %parallel_loop3A_797, %parallel_loop3A_798] {strides = array<i32>} : memref<4x4x8x128xf32, #tpu.memory_space<vmem>>, vector<16xf32>,
        tpu.vector_store %arg8[%parallel_loop3A_795, %parallel_loop3A_796, %parallel_loop3A_797, %parallel_loop3A_798], %parallel_loop3A_735 {strides = array<i32>} : memref<4x4x8x128xf32, #tpu.memory_space<vmem>>, vector<16xf32>,
        %parallel_loop3A_800 = arith.constant 4 : i32
        %parallel_loop3A_801 = arith.shli %parallel_loop3A_561, %parallel_loop3A_800 : i32
        %parallel_loop3A_802 = arith.constant 2 : i32
        %parallel_loop3A_803 = arith.constant 7 : i32
        %parallel_loop3A_804 = arith.index_cast %parallel_loop3A_802 : i32 to index
        %parallel_loop3A_805 = arith.index_cast %parallel_loop3A_559 : i32 to index
        %parallel_loop3A_806 = arith.index_cast %parallel_loop3A_803 : i32 to index
        %parallel_loop3A_807 = arith.index_cast %parallel_loop3A_801 : i32 to index
        %parallel_loop3A_808 = tpu.vector_load %arg8[%parallel_loop3A_804, %parallel_loop3A_805, %parallel_loop3A_806, %parallel_loop3A_807] {strides = array<i32>} : memref<4x4x8x128xf32, #tpu.memory_space<vmem>>, vector<16xf32>,
        tpu.vector_store %arg8[%parallel_loop3A_804, %parallel_loop3A_805, %parallel_loop3A_806, %parallel_loop3A_807], %parallel_loop3A_736 {strides = array<i32>} : memref<4x4x8x128xf32, #tpu.memory_space<vmem>>, vector<16xf32>,
        %parallel_loop3A_809 = tpu.vector_load_idx %arg6[%parallel_loop3A_568, %broadcast_in_dim3A_49] : memref<512x32xf32, #tpu.memory_space<vmem>>[vector<16xi32>, vector<16xi32>], vector<16xf32>,
        %parallel_loop3A_810 = tpu.vector_load_idx %arg6[%parallel_loop3A_568, %broadcast_in_dim3A_51] : memref<512x32xf32, #tpu.memory_space<vmem>>[vector<16xi32>, vector<16xi32>], vector<16xf32>,
        %parallel_loop3A_811 = tpu.vector_load_idx %arg6[%parallel_loop3A_568, %broadcast_in_dim3A_53] : memref<512x32xf32, #tpu.memory_space<vmem>>[vector<16xi32>, vector<16xi32>], vector<16xf32>,
        %parallel_loop3A_812 = tpu.vector_load_idx %arg6[%parallel_loop3A_568, %broadcast_in_dim3A_55] : memref<512x32xf32, #tpu.memory_space<vmem>>[vector<16xi32>, vector<16xi32>], vector<16xf32>,
        %parallel_loop3A_813 = tpu.vector_load_idx %arg6[%parallel_loop3A_568, %broadcast_in_dim3A_57] : memref<512x32xf32, #tpu.memory_space<vmem>>[vector<16xi32>, vector<16xi32>], vector<16xf32>,
        %parallel_loop3A_814 = tpu.vector_load_idx %arg6[%parallel_loop3A_568, %broadcast_in_dim3A_59] : memref<512x32xf32, #tpu.memory_space<vmem>>[vector<16xi32>, vector<16xi32>], vector<16xf32>,
        %parallel_loop3A_815 = tpu.vector_load_idx %arg6[%parallel_loop3A_568, %broadcast_in_dim3A_61] : memref<512x32xf32, #tpu.memory_space<vmem>>[vector<16xi32>, vector<16xi32>], vector<16xf32>,
        %parallel_loop3A_816 = tpu.vector_load_idx %arg6[%parallel_loop3A_568, %broadcast_in_dim3A_63] : memref<512x32xf32, #tpu.memory_space<vmem>>[vector<16xi32>, vector<16xi32>], vector<16xf32>,
        %parallel_loop3A_817 = arith.constant 4 : i32
        %parallel_loop3A_818 = arith.shli %parallel_loop3A_561, %parallel_loop3A_817 : i32
        %parallel_loop3A_819 = arith.constant 3 : i32
        %parallel_loop3A_820 = arith.constant 0 : i32
        %parallel_loop3A_821 = arith.index_cast %parallel_loop3A_819 : i32 to index
        %parallel_loop3A_822 = arith.index_cast %parallel_loop3A_559 : i32 to index
        %parallel_loop3A_823 = arith.index_cast %parallel_loop3A_820 : i32 to index
        %parallel_loop3A_824 = arith.index_cast %parallel_loop3A_818 : i32 to index
        %parallel_loop3A_825 = tpu.vector_load %arg8[%parallel_loop3A_821, %parallel_loop3A_822, %parallel_loop3A_823, %parallel_loop3A_824] {strides = array<i32>} : memref<4x4x8x128xf32, #tpu.memory_space<vmem>>, vector<16xf32>,
        tpu.vector_store %arg8[%parallel_loop3A_821, %parallel_loop3A_822, %parallel_loop3A_823, %parallel_loop3A_824], %parallel_loop3A_809 {strides = array<i32>} : memref<4x4x8x128xf32, #tpu.memory_space<vmem>>, vector<16xf32>,
        %parallel_loop3A_826 = arith.constant 4 : i32
        %parallel_loop3A_827 = arith.shli %parallel_loop3A_561, %parallel_loop3A_826 : i32
        %parallel_loop3A_828 = arith.constant 3 : i32
        %parallel_loop3A_829 = arith.constant 1 : i32
        %parallel_loop3A_830 = arith.index_cast %parallel_loop3A_828 : i32 to index
        %parallel_loop3A_831 = arith.index_cast %parallel_loop3A_559 : i32 to index
        %parallel_loop3A_832 = arith.index_cast %parallel_loop3A_829 : i32 to index
        %parallel_loop3A_833 = arith.index_cast %parallel_loop3A_827 : i32 to index
        %parallel_loop3A_834 = tpu.vector_load %arg8[%parallel_loop3A_830, %parallel_loop3A_831, %parallel_loop3A_832, %parallel_loop3A_833] {strides = array<i32>} : memref<4x4x8x128xf32, #tpu.memory_space<vmem>>, vector<16xf32>,
        tpu.vector_store %arg8[%parallel_loop3A_830, %parallel_loop3A_831, %parallel_loop3A_832, %parallel_loop3A_833], %parallel_loop3A_810 {strides = array<i32>} : memref<4x4x8x128xf32, #tpu.memory_space<vmem>>, vector<16xf32>,
        %parallel_loop3A_835 = arith.constant 4 : i32
        %parallel_loop3A_836 = arith.shli %parallel_loop3A_561, %parallel_loop3A_835 : i32
        %parallel_loop3A_837 = arith.constant 3 : i32
        %parallel_loop3A_838 = arith.constant 2 : i32
        %parallel_loop3A_839 = arith.index_cast %parallel_loop3A_837 : i32 to index
        %parallel_loop3A_840 = arith.index_cast %parallel_loop3A_559 : i32 to index
        %parallel_loop3A_841 = arith.index_cast %parallel_loop3A_838 : i32 to index
        %parallel_loop3A_842 = arith.index_cast %parallel_loop3A_836 : i32 to index
        %parallel_loop3A_843 = tpu.vector_load %arg8[%parallel_loop3A_839, %parallel_loop3A_840, %parallel_loop3A_841, %parallel_loop3A_842] {strides = array<i32>} : memref<4x4x8x128xf32, #tpu.memory_space<vmem>>, vector<16xf32>,
        tpu.vector_store %arg8[%parallel_loop3A_839, %parallel_loop3A_840, %parallel_loop3A_841, %parallel_loop3A_842], %parallel_loop3A_811 {strides = array<i32>} : memref<4x4x8x128xf32, #tpu.memory_space<vmem>>, vector<16xf32>,
        %parallel_loop3A_844 = arith.constant 4 : i32
        %parallel_loop3A_845 = arith.shli %parallel_loop3A_561, %parallel_loop3A_844 : i32
        %parallel_loop3A_846 = arith.constant 3 : i32
        %parallel_loop3A_847 = arith.constant 3 : i32
        %parallel_loop3A_848 = arith.index_cast %parallel_loop3A_846 : i32 to index
        %parallel_loop3A_849 = arith.index_cast %parallel_loop3A_559 : i32 to index
        %parallel_loop3A_850 = arith.index_cast %parallel_loop3A_847 : i32 to index
        %parallel_loop3A_851 = arith.index_cast %parallel_loop3A_845 : i32 to index
        %parallel_loop3A_852 = tpu.vector_load %arg8[%parallel_loop3A_848, %parallel_loop3A_849, %parallel_loop3A_850, %parallel_loop3A_851] {strides = array<i32>} : memref<4x4x8x128xf32, #tpu.memory_space<vmem>>, vector<16xf32>,
        tpu.vector_store %arg8[%parallel_loop3A_848, %parallel_loop3A_849, %parallel_loop3A_850, %parallel_loop3A_851], %parallel_loop3A_812 {strides = array<i32>} : memref<4x4x8x128xf32, #tpu.memory_space<vmem>>, vector<16xf32>,
        %parallel_loop3A_853 = arith.constant 4 : i32
        %parallel_loop3A_854 = arith.shli %parallel_loop3A_561, %parallel_loop3A_853 : i32
        %parallel_loop3A_855 = arith.constant 3 : i32
        %parallel_loop3A_856 = arith.constant 4 : i32
        %parallel_loop3A_857 = arith.index_cast %parallel_loop3A_855 : i32 to index
        %parallel_loop3A_858 = arith.index_cast %parallel_loop3A_559 : i32 to index
        %parallel_loop3A_859 = arith.index_cast %parallel_loop3A_856 : i32 to index
        %parallel_loop3A_860 = arith.index_cast %parallel_loop3A_854 : i32 to index
        %parallel_loop3A_861 = tpu.vector_load %arg8[%parallel_loop3A_857, %parallel_loop3A_858, %parallel_loop3A_859, %parallel_loop3A_860] {strides = array<i32>} : memref<4x4x8x128xf32, #tpu.memory_space<vmem>>, vector<16xf32>,
        tpu.vector_store %arg8[%parallel_loop3A_857, %parallel_loop3A_858, %parallel_loop3A_859, %parallel_loop3A_860], %parallel_loop3A_813 {strides = array<i32>} : memref<4x4x8x128xf32, #tpu.memory_space<vmem>>, vector<16xf32>,
        %parallel_loop3A_862 = arith.constant 4 : i32
        %parallel_loop3A_863 = arith.shli %parallel_loop3A_561, %parallel_loop3A_862 : i32
        %parallel_loop3A_864 = arith.constant 3 : i32
        %parallel_loop3A_865 = arith.constant 5 : i32
        %parallel_loop3A_866 = arith.index_cast %parallel_loop3A_864 : i32 to index
        %parallel_loop3A_867 = arith.index_cast %parallel_loop3A_559 : i32 to index
        %parallel_loop3A_868 = arith.index_cast %parallel_loop3A_865 : i32 to index
        %parallel_loop3A_869 = arith.index_cast %parallel_loop3A_863 : i32 to index
        %parallel_loop3A_870 = tpu.vector_load %arg8[%parallel_loop3A_866, %parallel_loop3A_867, %parallel_loop3A_868, %parallel_loop3A_869] {strides = array<i32>} : memref<4x4x8x128xf32, #tpu.memory_space<vmem>>, vector<16xf32>,
        tpu.vector_store %arg8[%parallel_loop3A_866, %parallel_loop3A_867, %parallel_loop3A_868, %parallel_loop3A_869], %parallel_loop3A_814 {strides = array<i32>} : memref<4x4x8x128xf32, #tpu.memory_space<vmem>>, vector<16xf32>,
        %parallel_loop3A_871 = arith.constant 4 : i32
        %parallel_loop3A_872 = arith.shli %parallel_loop3A_561, %parallel_loop3A_871 : i32
        %parallel_loop3A_873 = arith.constant 3 : i32
        %parallel_loop3A_874 = arith.constant 6 : i32
        %parallel_loop3A_875 = arith.index_cast %parallel_loop3A_873 : i32 to index
        %parallel_loop3A_876 = arith.index_cast %parallel_loop3A_559 : i32 to index
        %parallel_loop3A_877 = arith.index_cast %parallel_loop3A_874 : i32 to index
        %parallel_loop3A_878 = arith.index_cast %parallel_loop3A_872 : i32 to index
        %parallel_loop3A_879 = tpu.vector_load %arg8[%parallel_loop3A_875, %parallel_loop3A_876, %parallel_loop3A_877, %parallel_loop3A_878] {strides = array<i32>} : memref<4x4x8x128xf32, #tpu.memory_space<vmem>>, vector<16xf32>,
        tpu.vector_store %arg8[%parallel_loop3A_875, %parallel_loop3A_876, %parallel_loop3A_877, %parallel_loop3A_878], %parallel_loop3A_815 {strides = array<i32>} : memref<4x4x8x128xf32, #tpu.memory_space<vmem>>, vector<16xf32>,
        %parallel_loop3A_880 = arith.constant 4 : i32
        %parallel_loop3A_881 = arith.shli %parallel_loop3A_561, %parallel_loop3A_880 : i32
        %parallel_loop3A_882 = arith.constant 3 : i32
        %parallel_loop3A_883 = arith.constant 7 : i32
        %parallel_loop3A_884 = arith.index_cast %parallel_loop3A_882 : i32 to index
        %parallel_loop3A_885 = arith.index_cast %parallel_loop3A_559 : i32 to index
        %parallel_loop3A_886 = arith.index_cast %parallel_loop3A_883 : i32 to index
        %parallel_loop3A_887 = arith.index_cast %parallel_loop3A_881 : i32 to index
        %parallel_loop3A_888 = tpu.vector_load %arg8[%parallel_loop3A_884, %parallel_loop3A_885, %parallel_loop3A_886, %parallel_loop3A_887] {strides = array<i32>} : memref<4x4x8x128xf32, #tpu.memory_space<vmem>>, vector<16xf32>,
        tpu.vector_store %arg8[%parallel_loop3A_884, %parallel_loop3A_885, %parallel_loop3A_886, %parallel_loop3A_887], %parallel_loop3A_816 {strides = array<i32>} : memref<4x4x8x128xf32, #tpu.memory_space<vmem>>, vector<16xf32>,
      } {sc.loop_unroll_factor = 2 : i64, sc.parallel_access}
      %mul3A_279 = arith.constant 50 : i32
      %mul3A_280 = arith.muli %add3A, %mul3A_279 : i32
      %add3A_281 = arith.addi %mul3A_280, %add3A_262 : i32
      %jit3A = arith.constant 8 : i32
      %div3A = arith.divsi %add3A_281, %jit3A : i32
      %sign3A = arith.constant 0 : i32
      %sign3A_282 = arith.cmpi sgt, %add3A_281, %sign3A : i32
      %sign3A_283 = arith.extui %sign3A_282 : i1 to i32
      %sign3A_284 = arith.constant 0 : i32
      %sign3A_285 = arith.cmpi slt, %add3A_281, %sign3A_284 : i32
      %sign3A_286 = arith.extui %sign3A_285 : i1 to i32
      %sign3A_287 = arith.subi %sign3A_283, %sign3A_286 : i32
      %sign3A_288 = arith.constant 0 : i32
      %sign3A_289 = arith.cmpi sgt, %jit3A, %sign3A_288 : i32
      %sign3A_290 = arith.extui %sign3A_289 : i1 to i32
      %sign3A_291 = arith.constant 0 : i32
      %sign3A_292 = arith.cmpi slt, %jit3A, %sign3A_291 : i32
      %sign3A_293 = arith.extui %sign3A_292 : i1 to i32
      %sign3A_294 = arith.subi %sign3A_290, %sign3A_293 : i32
      %ne3A = arith.cmpi ne, %sign3A_287, %sign3A_294 : i32
      %rem3A = arith.remsi %add3A_281, %jit3A : i32
      %ne3A_295 = arith.constant 0 : i32
      %ne3A_296 = arith.cmpi ne, %rem3A, %ne3A_295 : i32
      %and3A = arith.andi %ne3A, %ne3A_296 : i1
      %sub3A = arith.constant 1 : i32
      %sub3A_297 = arith.subi %div3A, %sub3A : i32
      %select_n3A = arith.select %and3A, %sub3A_297, %div3A : i32
      %jit3A_298 = arith.constant 8 : i32
      %eq3A = arith.constant 0 : i32
      %eq3A_299 = arith.cmpi eq, %jit3A_298, %eq3A : i32
      %jit3A_300 = arith.constant 1 : i32
      %select_n3A_301 = arith.select %eq3A_299, %jit3A_300, %jit3A_298 : i32
      %rem3A_302 = arith.remsi %add3A_281, %select_n3A_301 : i32
      %ne3A_303 = arith.constant 0 : i32
      %ne3A_304 = arith.cmpi ne, %rem3A_302, %ne3A_303 : i32
      %lt3A_305 = arith.constant 0 : i32
      %lt3A_306 = arith.cmpi slt, %rem3A_302, %lt3A_305 : i32
      %lt3A_307 = arith.constant 0 : i32
      %lt3A_308 = arith.cmpi slt, %select_n3A_301, %lt3A_307 : i32
      %ne3A_309 = arith.xori %lt3A_306, %lt3A_308 : i1
      %and3A_310 = arith.andi %ne3A_309, %ne3A_304 : i1
      %add3A_311 = arith.addi %rem3A_302, %select_n3A_301 : i32
      %select_n3A_312 = arith.select %and3A_310, %add3A_311, %rem3A_302 : i32
      %mul3A_313 = arith.constant 4 : i32
      %mul3A_314 = arith.muli %select_n3A_312, %mul3A_313 : i32
      %dma_start3A_315 = arith.constant 0 : i32
      %dma_start3A_316 = arith.constant 0 : i32
      %dma_start3A_317 = arith.constant 0 : i32
      %dma_start3A_318 = arith.constant 0 : i32
      %dma_start3A_319 = arith.constant 0 : i32
      %dma_start3A_320 = tpu.memref_slice %arg8[%dma_start3A_315, %dma_start3A_317, %dma_start3A_318, %dma_start3A_319] : memref<4x4x8x128xf32, #tpu.memory_space<vmem>> -> memref<1x4x8x128xf32, #tpu.memory_space<vmem>>
      %dma_start3A_321 = tpu.memref_squeeze %dma_start3A_320 : memref<1x4x8x128xf32, #tpu.memory_space<vmem>> -> memref<4x8x128xf32, #tpu.memory_space<vmem>>
      %dma_start3A_322 = arith.constant 0 : i32
      %dma_start3A_323 = arith.constant 0 : i32
      %dma_start3A_324 = tpu.memref_slice %arg4[%select_n3A, %dma_start3A_316, %mul3A_314, %dma_start3A_322, %dma_start3A_323] : memref<200x4x32x8x128xf32, #tpu.memory_space<hbm>> -> memref<1x1x4x8x128xf32, #tpu.memory_space<hbm>>
      %dma_start3A_325 = tpu.memref_squeeze %dma_start3A_324 : memref<1x1x4x8x128xf32, #tpu.memory_space<hbm>> -> memref<4x8x128xf32, #tpu.memory_space<hbm>>
      %dma_start3A_326 = arith.constant 0 : i32
      %dma_start3A_327 = arith.constant 0 : i32
      %dma_start3A_328 = tpu.memref_slice %arg4[%select_n3A, %dma_start3A_316, %mul3A_314, %dma_start3A_326, %dma_start3A_327] : memref<200x4x32x8x128xf32, #tpu.memory_space<hbm>> -> memref<1x1x4x8x128xf32, #tpu.memory_space<hbm>>
      %dma_start3A_329 = tpu.memref_squeeze %dma_start3A_328 : memref<1x1x4x8x128xf32, #tpu.memory_space<hbm>> -> memref<4x8x128xf32, #tpu.memory_space<hbm>>
      %dma_start3A_330 = arith.constant 0 : i32
      %dma_start3A_331 = arith.constant 0 : i32
      %dma_start3A_332 = arith.constant 0 : i32
      %dma_start3A_333 = tpu.memref_slice %arg8[%dma_start3A_315, %dma_start3A_330, %dma_start3A_331, %dma_start3A_332] : memref<4x4x8x128xf32, #tpu.memory_space<vmem>> -> memref<1x4x8x128xf32, #tpu.memory_space<vmem>>
      %dma_start3A_334 = tpu.memref_squeeze %dma_start3A_333 : memref<1x4x8x128xf32, #tpu.memory_space<vmem>> -> memref<4x8x128xf32, #tpu.memory_space<vmem>>
      tpu.enqueue_dma source(%dma_start3A_334 : memref<4x8x128xf32, #tpu.memory_space<vmem>>) target(%dma_start3A_329 : memref<4x8x128xf32, #tpu.memory_space<hbm>>) target_semaphore(%arg12 : memref<!tpu.dma_semaphore, #tpu.memory_space<semaphore_mem>>)
      %mul3A_335 = arith.constant 4 : i32
      %mul3A_336 = arith.muli %select_n3A_312, %mul3A_335 : i32
      %dma_start3A_337 = arith.constant 1 : i32
      %dma_start3A_338 = arith.constant 1 : i32
      %dma_start3A_339 = arith.constant 0 : i32
      %dma_start3A_340 = arith.constant 0 : i32
      %dma_start3A_341 = arith.constant 0 : i32
      %dma_start3A_342 = tpu.memref_slice %arg8[%dma_start3A_337, %dma_start3A_339, %dma_start3A_340, %dma_start3A_341] : memref<4x4x8x128xf32, #tpu.memory_space<vmem>> -> memref<1x4x8x128xf32, #tpu.memory_space<vmem>>
      %dma_start3A_343 = tpu.memref_squeeze %dma_start3A_342 : memref<1x4x8x128xf32, #tpu.memory_space<vmem>> -> memref<4x8x128xf32, #tpu.memory_space<vmem>>
      %dma_start3A_344 = arith.constant 0 : i32
      %dma_start3A_345 = arith.constant 0 : i32
      %dma_start3A_346 = tpu.memref_slice %arg4[%select_n3A, %dma_start3A_338, %mul3A_336, %dma_start3A_344, %dma_start3A_345] : memref<200x4x32x8x128xf32, #tpu.memory_space<hbm>> -> memref<1x1x4x8x128xf32, #tpu.memory_space<hbm>>
      %dma_start3A_347 = tpu.memref_squeeze %dma_start3A_346 : memref<1x1x4x8x128xf32, #tpu.memory_space<hbm>> -> memref<4x8x128xf32, #tpu.memory_space<hbm>>
      %dma_start3A_348 = arith.constant 0 : i32
      %dma_start3A_349 = arith.constant 0 : i32
      %dma_start3A_350 = tpu.memref_slice %arg4[%select_n3A, %dma_start3A_338, %mul3A_336, %dma_start3A_348, %dma_start3A_349] : memref<200x4x32x8x128xf32, #tpu.memory_space<hbm>> -> memref<1x1x4x8x128xf32, #tpu.memory_space<hbm>>
      %dma_start3A_351 = tpu.memref_squeeze %dma_start3A_350 : memref<1x1x4x8x128xf32, #tpu.memory_space<hbm>> -> memref<4x8x128xf32, #tpu.memory_space<hbm>>
      %dma_start3A_352 = arith.constant 0 : i32
      %dma_start3A_353 = arith.constant 0 : i32
      %dma_start3A_354 = arith.constant 0 : i32
      %dma_start3A_355 = tpu.memref_slice %arg8[%dma_start3A_337, %dma_start3A_352, %dma_start3A_353, %dma_start3A_354] : memref<4x4x8x128xf32, #tpu.memory_space<vmem>> -> memref<1x4x8x128xf32, #tpu.memory_space<vmem>>
      %dma_start3A_356 = tpu.memref_squeeze %dma_start3A_355 : memref<1x4x8x128xf32, #tpu.memory_space<vmem>> -> memref<4x8x128xf32, #tpu.memory_space<vmem>>
      tpu.enqueue_dma source(%dma_start3A_356 : memref<4x8x128xf32, #tpu.memory_space<vmem>>) target(%dma_start3A_351 : memref<4x8x128xf32, #tpu.memory_space<hbm>>) target_semaphore(%arg12 : memref<!tpu.dma_semaphore, #tpu.memory_space<semaphore_mem>>)
      %mul3A_357 = arith.constant 4 : i32
      %mul3A_358 = arith.muli %select_n3A_312, %mul3A_357 : i32
      %dma_start3A_359 = arith.constant 2 : i32
      %dma_start3A_360 = arith.constant 2 : i32
      %dma_start3A_361 = arith.constant 0 : i32
      %dma_start3A_362 = arith.constant 0 : i32
      %dma_start3A_363 = arith.constant 0 : i32
      %dma_start3A_364 = tpu.memref_slice %arg8[%dma_start3A_359, %dma_start3A_361, %dma_start3A_362, %dma_start3A_363] : memref<4x4x8x128xf32, #tpu.memory_space<vmem>> -> memref<1x4x8x128xf32, #tpu.memory_space<vmem>>
      %dma_start3A_365 = tpu.memref_squeeze %dma_start3A_364 : memref<1x4x8x128xf32, #tpu.memory_space<vmem>> -> memref<4x8x128xf32, #tpu.memory_space<vmem>>
      %dma_start3A_366 = arith.constant 0 : i32
      %dma_start3A_367 = arith.constant 0 : i32
      %dma_start3A_368 = tpu.memref_slice %arg4[%select_n3A, %dma_start3A_360, %mul3A_358, %dma_start3A_366, %dma_start3A_367] : memref<200x4x32x8x128xf32, #tpu.memory_space<hbm>> -> memref<1x1x4x8x128xf32, #tpu.memory_space<hbm>>
      %dma_start3A_369 = tpu.memref_squeeze %dma_start3A_368 : memref<1x1x4x8x128xf32, #tpu.memory_space<hbm>> -> memref<4x8x128xf32, #tpu.memory_space<hbm>>
      %dma_start3A_370 = arith.constant 0 : i32
      %dma_start3A_371 = arith.constant 0 : i32
      %dma_start3A_372 = tpu.memref_slice %arg4[%select_n3A, %dma_start3A_360, %mul3A_358, %dma_start3A_370, %dma_start3A_371] : memref<200x4x32x8x128xf32, #tpu.memory_space<hbm>> -> memref<1x1x4x8x128xf32, #tpu.memory_space<hbm>>
      %dma_start3A_373 = tpu.memref_squeeze %dma_start3A_372 : memref<1x1x4x8x128xf32, #tpu.memory_space<hbm>> -> memref<4x8x128xf32, #tpu.memory_space<hbm>>
      %dma_start3A_374 = arith.constant 0 : i32
      %dma_start3A_375 = arith.constant 0 : i32
      %dma_start3A_376 = arith.constant 0 : i32
      %dma_start3A_377 = tpu.memref_slice %arg8[%dma_start3A_359, %dma_start3A_374, %dma_start3A_375, %dma_start3A_376] : memref<4x4x8x128xf32, #tpu.memory_space<vmem>> -> memref<1x4x8x128xf32, #tpu.memory_space<vmem>>
      %dma_start3A_378 = tpu.memref_squeeze %dma_start3A_377 : memref<1x4x8x128xf32, #tpu.memory_space<vmem>> -> memref<4x8x128xf32, #tpu.memory_space<vmem>>
      tpu.enqueue_dma source(%dma_start3A_378 : memref<4x8x128xf32, #tpu.memory_space<vmem>>) target(%dma_start3A_373 : memref<4x8x128xf32, #tpu.memory_space<hbm>>) target_semaphore(%arg12 : memref<!tpu.dma_semaphore, #tpu.memory_space<semaphore_mem>>)
      %mul3A_379 = arith.constant 4 : i32
      %mul3A_380 = arith.muli %select_n3A_312, %mul3A_379 : i32
      %dma_start3A_381 = arith.constant 3 : i32
      %dma_start3A_382 = arith.constant 3 : i32
      %dma_start3A_383 = arith.constant 0 : i32
      %dma_start3A_384 = arith.constant 0 : i32
      %dma_start3A_385 = arith.constant 0 : i32
      %dma_start3A_386 = tpu.memref_slice %arg8[%dma_start3A_381, %dma_start3A_383, %dma_start3A_384, %dma_start3A_385] : memref<4x4x8x128xf32, #tpu.memory_space<vmem>> -> memref<1x4x8x128xf32, #tpu.memory_space<vmem>>
      %dma_start3A_387 = tpu.memref_squeeze %dma_start3A_386 : memref<1x4x8x128xf32, #tpu.memory_space<vmem>> -> memref<4x8x128xf32, #tpu.memory_space<vmem>>
      %dma_start3A_388 = arith.constant 0 : i32
      %dma_start3A_389 = arith.constant 0 : i32
      %dma_start3A_390 = tpu.memref_slice %arg4[%select_n3A, %dma_start3A_382, %mul3A_380, %dma_start3A_388, %dma_start3A_389] : memref<200x4x32x8x128xf32, #tpu.memory_space<hbm>> -> memref<1x1x4x8x128xf32, #tpu.memory_space<hbm>>
      %dma_start3A_391 = tpu.memref_squeeze %dma_start3A_390 : memref<1x1x4x8x128xf32, #tpu.memory_space<hbm>> -> memref<4x8x128xf32, #tpu.memory_space<hbm>>
      %dma_start3A_392 = arith.constant 0 : i32
      %dma_start3A_393 = arith.constant 0 : i32
      %dma_start3A_394 = tpu.memref_slice %arg4[%select_n3A, %dma_start3A_382, %mul3A_380, %dma_start3A_392, %dma_start3A_393] : memref<200x4x32x8x128xf32, #tpu.memory_space<hbm>> -> memref<1x1x4x8x128xf32, #tpu.memory_space<hbm>>
      %dma_start3A_395 = tpu.memref_squeeze %dma_start3A_394 : memref<1x1x4x8x128xf32, #tpu.memory_space<hbm>> -> memref<4x8x128xf32, #tpu.memory_space<hbm>>
      %dma_start3A_396 = arith.constant 0 : i32
      %dma_start3A_397 = arith.constant 0 : i32
      %dma_start3A_398 = arith.constant 0 : i32
      %dma_start3A_399 = tpu.memref_slice %arg8[%dma_start3A_381, %dma_start3A_396, %dma_start3A_397, %dma_start3A_398] : memref<4x4x8x128xf32, #tpu.memory_space<vmem>> -> memref<1x4x8x128xf32, #tpu.memory_space<vmem>>
      %dma_start3A_400 = tpu.memref_squeeze %dma_start3A_399 : memref<1x4x8x128xf32, #tpu.memory_space<vmem>> -> memref<4x8x128xf32, #tpu.memory_space<vmem>>
      tpu.enqueue_dma source(%dma_start3A_400 : memref<4x8x128xf32, #tpu.memory_space<vmem>>) target(%dma_start3A_395 : memref<4x8x128xf32, #tpu.memory_space<hbm>>) target_semaphore(%arg12 : memref<!tpu.dma_semaphore, #tpu.memory_space<semaphore_mem>>)
      %mul3A_401 = arith.constant 2 : i32
      %mul3A_402 = arith.muli %scan3A_258, %mul3A_401 : i32
      %add3A_403 = arith.constant 1 : i32
      %add3A_404 = arith.addi %mul3A_402, %add3A_403 : i32
      %add3A_405 = arith.constant 1 : i32
      %add3A_406 = arith.addi %add3A_404, %add3A_405 : i32
      %lt3A_407 = arith.constant 50 : i32
      %lt3A_408 = arith.cmpi slt, %add3A_406, %lt3A_407 : i32
      %convert_element_type3A_409 = arith.extui %lt3A_408 : i1 to i32
      %cond3A_410 = arith.constant 0 : i32
      %cond3A_411 = arith.cmpi ne, %convert_element_type3A_409, %cond3A_410 : i32
      scf.if %cond3A_411 {
        %add3A_557 = arith.constant 1 : i32
        %add3A_558 = arith.addi %add3A_404, %add3A_557 : i32
        %mul3A_559 = arith.constant 512 : i32
        %mul3A_560 = arith.muli %add3A_558, %mul3A_559 : i32
        %dma_start3A_561 = tpu.memref_slice %arg5[%mul3A_560] : memref<25600xi32, #tpu.memory_space<vmem>> -> memref<512xi32, #tpu.memory_space<vmem>>
        %dma_start3A_562 = arith.constant 0 : i32
        %dma_start3A_563 = arith.constant 0 : i32
        %dma_start3A_564 = tpu.memref_slice %arg3[%dma_start3A_562, %dma_start3A_563] : memref<1000000x32xf32, #tpu.memory_space<hbm>> -> memref<1000000x32xf32, #tpu.memory_space<hbm>>
        tpu.enqueue_indirect_dma source(%dma_start3A_564 : memref<1000000x32xf32, #tpu.memory_space<hbm>>) target(%arg6 : memref<512x32xf32, #tpu.memory_space<vmem>>) offsets(%dma_start3A_561 : memref<512xi32, #tpu.memory_space<vmem>>) semaphore(%arg10 : memref<!tpu.dma_semaphore, #tpu.memory_space<semaphore_mem>>)
      } else {
      }
      %dma_wait3A_412 = arith.constant 0 : i32
      %dma_wait3A_413 = arith.constant 0 : i32
      %dma_wait3A_414 = tpu.memref_slice %arg3[%dma_wait3A_412, %dma_wait3A_413] : memref<1000000x32xf32, #tpu.memory_space<hbm>> -> memref<512x32xf32, #tpu.memory_space<hbm>>
      %dma_wait3A_415 = arith.constant 0 : i32
      %dma_wait3A_416 = arith.constant 0 : i32
      %dma_wait3A_417 = tpu.memref_slice %arg3[%dma_wait3A_415, %dma_wait3A_416] : memref<1000000x32xf32, #tpu.memory_space<hbm>> -> memref<512x32xf32, #tpu.memory_space<hbm>>
      tpu.wait_dma2 semaphore(%arg11 : memref<!tpu.dma_semaphore, #tpu.memory_space<semaphore_mem>>) src(%dma_wait3A_417 : memref<512x32xf32, #tpu.memory_space<hbm>>) dst(%arg7 : memref<512x32xf32, #tpu.memory_space<vmem>>)
      %ge3A_418 = arith.constant 2 : i32
      %ge3A_419 = arith.cmpi sge, %add3A_404, %ge3A_418 : i32
      %convert_element_type3A_420 = arith.extui %ge3A_419 : i1 to i32
      %cond3A_421 = arith.constant 0 : i32
      %cond3A_422 = arith.cmpi ne, %convert_element_type3A_420, %cond3A_421 : i32
      scf.if %cond3A_422 {
        %dma_wait3A_557 = arith.constant 0 : i32
        %dma_wait3A_558 = arith.constant 0 : i32
        %dma_wait3A_559 = arith.constant 0 : i32
        %dma_wait3A_560 = arith.constant 0 : i32
        %dma_wait3A_561 = arith.constant 0 : i32
        %dma_wait3A_562 = arith.constant 0 : i32
        %dma_wait3A_563 = tpu.memref_slice %arg9[%dma_wait3A_557, %dma_wait3A_560, %dma_wait3A_561, %dma_wait3A_562] : memref<4x4x8x128xf32, #tpu.memory_space<vmem>> -> memref<1x4x8x128xf32, #tpu.memory_space<vmem>>
        %dma_wait3A_564 = tpu.memref_squeeze %dma_wait3A_563 : memref<1x4x8x128xf32, #tpu.memory_space<vmem>> -> memref<4x8x128xf32, #tpu.memory_space<vmem>>
        %dma_wait3A_565 = arith.constant 0 : i32
        %dma_wait3A_566 = arith.constant 0 : i32
        %dma_wait3A_567 = arith.constant 0 : i32
        %dma_wait3A_568 = tpu.memref_slice %arg4[%dma_wait3A_558, %dma_wait3A_559, %dma_wait3A_565, %dma_wait3A_566, %dma_wait3A_567] : memref<200x4x32x8x128xf32, #tpu.memory_space<hbm>> -> memref<1x1x4x8x128xf32, #tpu.memory_space<hbm>>
        %dma_wait3A_569 = tpu.memref_squeeze %dma_wait3A_568 : memref<1x1x4x8x128xf32, #tpu.memory_space<hbm>> -> memref<4x8x128xf32, #tpu.memory_space<hbm>>
        %dma_wait3A_570 = arith.constant 0 : i32
        %dma_wait3A_571 = arith.constant 0 : i32
        %dma_wait3A_572 = arith.constant 0 : i32
        %dma_wait3A_573 = tpu.memref_slice %arg4[%dma_wait3A_558, %dma_wait3A_559, %dma_wait3A_570, %dma_wait3A_571, %dma_wait3A_572] : memref<200x4x32x8x128xf32, #tpu.memory_space<hbm>> -> memref<1x1x4x8x128xf32, #tpu.memory_space<hbm>>
        %dma_wait3A_574 = tpu.memref_squeeze %dma_wait3A_573 : memref<1x1x4x8x128xf32, #tpu.memory_space<hbm>> -> memref<4x8x128xf32, #tpu.memory_space<hbm>>
        %dma_wait3A_575 = arith.constant 0 : i32
        %dma_wait3A_576 = arith.constant 0 : i32
        %dma_wait3A_577 = arith.constant 0 : i32
        %dma_wait3A_578 = tpu.memref_slice %arg9[%dma_wait3A_557, %dma_wait3A_575, %dma_wait3A_576, %dma_wait3A_577] : memref<4x4x8x128xf32, #tpu.memory_space<vmem>> -> memref<1x4x8x128xf32, #tpu.memory_space<vmem>>
        %dma_wait3A_579 = tpu.memref_squeeze %dma_wait3A_578 : memref<1x4x8x128xf32, #tpu.memory_space<vmem>> -> memref<4x8x128xf32, #tpu.memory_space<vmem>>
        tpu.wait_dma2 semaphore(%arg13 : memref<!tpu.dma_semaphore, #tpu.memory_space<semaphore_mem>>) src(%dma_wait3A_579 : memref<4x8x128xf32, #tpu.memory_space<vmem>>) dst(%dma_wait3A_574 : memref<4x8x128xf32, #tpu.memory_space<hbm>>)
        %dma_wait3A_580 = arith.constant 1 : i32
        %dma_wait3A_581 = arith.constant 0 : i32
        %dma_wait3A_582 = arith.constant 0 : i32
        %dma_wait3A_583 = arith.constant 0 : i32
        %dma_wait3A_584 = arith.constant 0 : i32
        %dma_wait3A_585 = arith.constant 0 : i32
        %dma_wait3A_586 = tpu.memref_slice %arg9[%dma_wait3A_580, %dma_wait3A_583, %dma_wait3A_584, %dma_wait3A_585] : memref<4x4x8x128xf32, #tpu.memory_space<vmem>> -> memref<1x4x8x128xf32, #tpu.memory_space<vmem>>
        %dma_wait3A_587 = tpu.memref_squeeze %dma_wait3A_586 : memref<1x4x8x128xf32, #tpu.memory_space<vmem>> -> memref<4x8x128xf32, #tpu.memory_space<vmem>>
        %dma_wait3A_588 = arith.constant 0 : i32
        %dma_wait3A_589 = arith.constant 0 : i32
        %dma_wait3A_590 = arith.constant 0 : i32
        %dma_wait3A_591 = tpu.memref_slice %arg4[%dma_wait3A_581, %dma_wait3A_582, %dma_wait3A_588, %dma_wait3A_589, %dma_wait3A_590] : memref<200x4x32x8x128xf32, #tpu.memory_space<hbm>> -> memref<1x1x4x8x128xf32, #tpu.memory_space<hbm>>
        %dma_wait3A_592 = tpu.memref_squeeze %dma_wait3A_591 : memref<1x1x4x8x128xf32, #tpu.memory_space<hbm>> -> memref<4x8x128xf32, #tpu.memory_space<hbm>>
        %dma_wait3A_593 = arith.constant 0 : i32
        %dma_wait3A_594 = arith.constant 0 : i32
        %dma_wait3A_595 = arith.constant 0 : i32
        %dma_wait3A_596 = tpu.memref_slice %arg4[%dma_wait3A_581, %dma_wait3A_582, %dma_wait3A_593, %dma_wait3A_594, %dma_wait3A_595] : memref<200x4x32x8x128xf32, #tpu.memory_space<hbm>> -> memref<1x1x4x8x128xf32, #tpu.memory_space<hbm>>
        %dma_wait3A_597 = tpu.memref_squeeze %dma_wait3A_596 : memref<1x1x4x8x128xf32, #tpu.memory_space<hbm>> -> memref<4x8x128xf32, #tpu.memory_space<hbm>>
        %dma_wait3A_598 = arith.constant 0 : i32
        %dma_wait3A_599 = arith.constant 0 : i32
        %dma_wait3A_600 = arith.constant 0 : i32
        %dma_wait3A_601 = tpu.memref_slice %arg9[%dma_wait3A_580, %dma_wait3A_598, %dma_wait3A_599, %dma_wait3A_600] : memref<4x4x8x128xf32, #tpu.memory_space<vmem>> -> memref<1x4x8x128xf32, #tpu.memory_space<vmem>>
        %dma_wait3A_602 = tpu.memref_squeeze %dma_wait3A_601 : memref<1x4x8x128xf32, #tpu.memory_space<vmem>> -> memref<4x8x128xf32, #tpu.memory_space<vmem>>
        tpu.wait_dma2 semaphore(%arg13 : memref<!tpu.dma_semaphore, #tpu.memory_space<semaphore_mem>>) src(%dma_wait3A_602 : memref<4x8x128xf32, #tpu.memory_space<vmem>>) dst(%dma_wait3A_597 : memref<4x8x128xf32, #tpu.memory_space<hbm>>)
        %dma_wait3A_603 = arith.constant 2 : i32
        %dma_wait3A_604 = arith.constant 0 : i32
        %dma_wait3A_605 = arith.constant 0 : i32
        %dma_wait3A_606 = arith.constant 0 : i32
        %dma_wait3A_607 = arith.constant 0 : i32
        %dma_wait3A_608 = arith.constant 0 : i32
        %dma_wait3A_609 = tpu.memref_slice %arg9[%dma_wait3A_603, %dma_wait3A_606, %dma_wait3A_607, %dma_wait3A_608] : memref<4x4x8x128xf32, #tpu.memory_space<vmem>> -> memref<1x4x8x128xf32, #tpu.memory_space<vmem>>
        %dma_wait3A_610 = tpu.memref_squeeze %dma_wait3A_609 : memref<1x4x8x128xf32, #tpu.memory_space<vmem>> -> memref<4x8x128xf32, #tpu.memory_space<vmem>>
        %dma_wait3A_611 = arith.constant 0 : i32
        %dma_wait3A_612 = arith.constant 0 : i32
        %dma_wait3A_613 = arith.constant 0 : i32
        %dma_wait3A_614 = tpu.memref_slice %arg4[%dma_wait3A_604, %dma_wait3A_605, %dma_wait3A_611, %dma_wait3A_612, %dma_wait3A_613] : memref<200x4x32x8x128xf32, #tpu.memory_space<hbm>> -> memref<1x1x4x8x128xf32, #tpu.memory_space<hbm>>
        %dma_wait3A_615 = tpu.memref_squeeze %dma_wait3A_614 : memref<1x1x4x8x128xf32, #tpu.memory_space<hbm>> -> memref<4x8x128xf32, #tpu.memory_space<hbm>>
        %dma_wait3A_616 = arith.constant 0 : i32
        %dma_wait3A_617 = arith.constant 0 : i32
        %dma_wait3A_618 = arith.constant 0 : i32
        %dma_wait3A_619 = tpu.memref_slice %arg4[%dma_wait3A_604, %dma_wait3A_605, %dma_wait3A_616, %dma_wait3A_617, %dma_wait3A_618] : memref<200x4x32x8x128xf32, #tpu.memory_space<hbm>> -> memref<1x1x4x8x128xf32, #tpu.memory_space<hbm>>
        %dma_wait3A_620 = tpu.memref_squeeze %dma_wait3A_619 : memref<1x1x4x8x128xf32, #tpu.memory_space<hbm>> -> memref<4x8x128xf32, #tpu.memory_space<hbm>>
        %dma_wait3A_621 = arith.constant 0 : i32
        %dma_wait3A_622 = arith.constant 0 : i32
        %dma_wait3A_623 = arith.constant 0 : i32
        %dma_wait3A_624 = tpu.memref_slice %arg9[%dma_wait3A_603, %dma_wait3A_621, %dma_wait3A_622, %dma_wait3A_623] : memref<4x4x8x128xf32, #tpu.memory_space<vmem>> -> memref<1x4x8x128xf32, #tpu.memory_space<vmem>>
        %dma_wait3A_625 = tpu.memref_squeeze %dma_wait3A_624 : memref<1x4x8x128xf32, #tpu.memory_space<vmem>> -> memref<4x8x128xf32, #tpu.memory_space<vmem>>
        tpu.wait_dma2 semaphore(%arg13 : memref<!tpu.dma_semaphore, #tpu.memory_space<semaphore_mem>>) src(%dma_wait3A_625 : memref<4x8x128xf32, #tpu.memory_space<vmem>>) dst(%dma_wait3A_620 : memref<4x8x128xf32, #tpu.memory_space<hbm>>)
        %dma_wait3A_626 = arith.constant 3 : i32
        %dma_wait3A_627 = arith.constant 0 : i32
        %dma_wait3A_628 = arith.constant 0 : i32
        %dma_wait3A_629 = arith.constant 0 : i32
        %dma_wait3A_630 = arith.constant 0 : i32
        %dma_wait3A_631 = arith.constant 0 : i32
        %dma_wait3A_632 = tpu.memref_slice %arg9[%dma_wait3A_626, %dma_wait3A_629, %dma_wait3A_630, %dma_wait3A_631] : memref<4x4x8x128xf32, #tpu.memory_space<vmem>> -> memref<1x4x8x128xf32, #tpu.memory_space<vmem>>
        %dma_wait3A_633 = tpu.memref_squeeze %dma_wait3A_632 : memref<1x4x8x128xf32, #tpu.memory_space<vmem>> -> memref<4x8x128xf32, #tpu.memory_space<vmem>>
        %dma_wait3A_634 = arith.constant 0 : i32
        %dma_wait3A_635 = arith.constant 0 : i32
        %dma_wait3A_636 = arith.constant 0 : i32
        %dma_wait3A_637 = tpu.memref_slice %arg4[%dma_wait3A_627, %dma_wait3A_628, %dma_wait3A_634, %dma_wait3A_635, %dma_wait3A_636] : memref<200x4x32x8x128xf32, #tpu.memory_space<hbm>> -> memref<1x1x4x8x128xf32, #tpu.memory_space<hbm>>
        %dma_wait3A_638 = tpu.memref_squeeze %dma_wait3A_637 : memref<1x1x4x8x128xf32, #tpu.memory_space<hbm>> -> memref<4x8x128xf32, #tpu.memory_space<hbm>>
        %dma_wait3A_639 = arith.constant 0 : i32
        %dma_wait3A_640 = arith.constant 0 : i32
        %dma_wait3A_641 = arith.constant 0 : i32
        %dma_wait3A_642 = tpu.memref_slice %arg4[%dma_wait3A_627, %dma_wait3A_628, %dma_wait3A_639, %dma_wait3A_640, %dma_wait3A_641] : memref<200x4x32x8x128xf32, #tpu.memory_space<hbm>> -> memref<1x1x4x8x128xf32, #tpu.memory_space<hbm>>
        %dma_wait3A_643 = tpu.memref_squeeze %dma_wait3A_642 : memref<1x1x4x8x128xf32, #tpu.memory_space<hbm>> -> memref<4x8x128xf32, #tpu.memory_space<hbm>>
        %dma_wait3A_644 = arith.constant 0 : i32
        %dma_wait3A_645 = arith.constant 0 : i32
        %dma_wait3A_646 = arith.constant 0 : i32
        %dma_wait3A_647 = tpu.memref_slice %arg9[%dma_wait3A_626, %dma_wait3A_644, %dma_wait3A_645, %dma_wait3A_646] : memref<4x4x8x128xf32, #tpu.memory_space<vmem>> -> memref<1x4x8x128xf32, #tpu.memory_space<vmem>>
        %dma_wait3A_648 = tpu.memref_squeeze %dma_wait3A_647 : memref<1x4x8x128xf32, #tpu.memory_space<vmem>> -> memref<4x8x128xf32, #tpu.memory_space<vmem>>
        tpu.wait_dma2 semaphore(%arg13 : memref<!tpu.dma_semaphore, #tpu.memory_space<semaphore_mem>>) src(%dma_wait3A_648 : memref<4x8x128xf32, #tpu.memory_space<vmem>>) dst(%dma_wait3A_643 : memref<4x8x128xf32, #tpu.memory_space<hbm>>)
      } else {
      }
      %parallel_loop3A_423 = arith.constant 0 : i32
      %parallel_loop3A_424 = arith.constant 32 : i32
      %parallel_loop3A_425 = arith.constant 1 : i32
      scf.for %parallel_loop3A_557 = %parallel_loop3A_423 to %parallel_loop3A_424 step %parallel_loop3A_425  : i32 {
        %parallel_loop3A_558 = arith.constant 3 : i32
        %parallel_loop3A_559 = arith.shrsi %parallel_loop3A_557, %parallel_loop3A_558 : i32
        %parallel_loop3A_560 = arith.constant 7 : i32
        %parallel_loop3A_561 = arith.andi %parallel_loop3A_557, %parallel_loop3A_560 : i32
        %parallel_loop3A_562 = arith.constant 7 : i32
        %parallel_loop3A_563 = arith.shli %parallel_loop3A_559, %parallel_loop3A_562 : i32
        %parallel_loop3A_564 = arith.constant 4 : i32
        %parallel_loop3A_565 = arith.shli %parallel_loop3A_561, %parallel_loop3A_564 : i32
        %parallel_loop3A_566 = arith.addi %parallel_loop3A_563, %parallel_loop3A_565 : i32
        %parallel_loop3A_567 = vector.broadcast %parallel_loop3A_566 : i32 to vector<16xi32>
        %parallel_loop3A_568 = arith.addi %iota3A, %parallel_loop3A_567 : vector<16xi32>
        %parallel_loop3A_569 = tpu.vector_load_idx %arg7[%parallel_loop3A_568, %broadcast_in_dim3A_1] : memref<512x32xf32, #tpu.memory_space<vmem>>[vector<16xi32>, vector<16xi32>], vector<16xf32>,
        %parallel_loop3A_570 = tpu.vector_load_idx %arg7[%parallel_loop3A_568, %broadcast_in_dim3A_3] : memref<512x32xf32, #tpu.memory_space<vmem>>[vector<16xi32>, vector<16xi32>], vector<16xf32>,
        %parallel_loop3A_571 = tpu.vector_load_idx %arg7[%parallel_loop3A_568, %broadcast_in_dim3A_5] : memref<512x32xf32, #tpu.memory_space<vmem>>[vector<16xi32>, vector<16xi32>], vector<16xf32>,
        %parallel_loop3A_572 = tpu.vector_load_idx %arg7[%parallel_loop3A_568, %broadcast_in_dim3A_7] : memref<512x32xf32, #tpu.memory_space<vmem>>[vector<16xi32>, vector<16xi32>], vector<16xf32>,
        %parallel_loop3A_573 = tpu.vector_load_idx %arg7[%parallel_loop3A_568, %broadcast_in_dim3A_9] : memref<512x32xf32, #tpu.memory_space<vmem>>[vector<16xi32>, vector<16xi32>], vector<16xf32>,
        %parallel_loop3A_574 = tpu.vector_load_idx %arg7[%parallel_loop3A_568, %broadcast_in_dim3A_11] : memref<512x32xf32, #tpu.memory_space<vmem>>[vector<16xi32>, vector<16xi32>], vector<16xf32>,
        %parallel_loop3A_575 = tpu.vector_load_idx %arg7[%parallel_loop3A_568, %broadcast_in_dim3A_13] : memref<512x32xf32, #tpu.memory_space<vmem>>[vector<16xi32>, vector<16xi32>], vector<16xf32>,
        %parallel_loop3A_576 = tpu.vector_load_idx %arg7[%parallel_loop3A_568, %broadcast_in_dim3A_15] : memref<512x32xf32, #tpu.memory_space<vmem>>[vector<16xi32>, vector<16xi32>], vector<16xf32>,
        %parallel_loop3A_577 = arith.constant 4 : i32
        %parallel_loop3A_578 = arith.shli %parallel_loop3A_561, %parallel_loop3A_577 : i32
        %parallel_loop3A_579 = arith.constant 0 : i32
        %parallel_loop3A_580 = arith.constant 0 : i32
        %parallel_loop3A_581 = arith.index_cast %parallel_loop3A_579 : i32 to index
        %parallel_loop3A_582 = arith.index_cast %parallel_loop3A_559 : i32 to index
        %parallel_loop3A_583 = arith.index_cast %parallel_loop3A_580 : i32 to index
        %parallel_loop3A_584 = arith.index_cast %parallel_loop3A_578 : i32 to index
        %parallel_loop3A_585 = tpu.vector_load %arg9[%parallel_loop3A_581, %parallel_loop3A_582, %parallel_loop3A_583, %parallel_loop3A_584] {strides = array<i32>} : memref<4x4x8x128xf32, #tpu.memory_space<vmem>>, vector<16xf32>,
        tpu.vector_store %arg9[%parallel_loop3A_581, %parallel_loop3A_582, %parallel_loop3A_583, %parallel_loop3A_584], %parallel_loop3A_569 {strides = array<i32>} : memref<4x4x8x128xf32, #tpu.memory_space<vmem>>, vector<16xf32>,
        %parallel_loop3A_586 = arith.constant 4 : i32
        %parallel_loop3A_587 = arith.shli %parallel_loop3A_561, %parallel_loop3A_586 : i32
        %parallel_loop3A_588 = arith.constant 0 : i32
        %parallel_loop3A_589 = arith.constant 1 : i32
        %parallel_loop3A_590 = arith.index_cast %parallel_loop3A_588 : i32 to index
        %parallel_loop3A_591 = arith.index_cast %parallel_loop3A_559 : i32 to index
        %parallel_loop3A_592 = arith.index_cast %parallel_loop3A_589 : i32 to index
        %parallel_loop3A_593 = arith.index_cast %parallel_loop3A_587 : i32 to index
        %parallel_loop3A_594 = tpu.vector_load %arg9[%parallel_loop3A_590, %parallel_loop3A_591, %parallel_loop3A_592, %parallel_loop3A_593] {strides = array<i32>} : memref<4x4x8x128xf32, #tpu.memory_space<vmem>>, vector<16xf32>,
        tpu.vector_store %arg9[%parallel_loop3A_590, %parallel_loop3A_591, %parallel_loop3A_592, %parallel_loop3A_593], %parallel_loop3A_570 {strides = array<i32>} : memref<4x4x8x128xf32, #tpu.memory_space<vmem>>, vector<16xf32>,
        %parallel_loop3A_595 = arith.constant 4 : i32
        %parallel_loop3A_596 = arith.shli %parallel_loop3A_561, %parallel_loop3A_595 : i32
        %parallel_loop3A_597 = arith.constant 0 : i32
        %parallel_loop3A_598 = arith.constant 2 : i32
        %parallel_loop3A_599 = arith.index_cast %parallel_loop3A_597 : i32 to index
        %parallel_loop3A_600 = arith.index_cast %parallel_loop3A_559 : i32 to index
        %parallel_loop3A_601 = arith.index_cast %parallel_loop3A_598 : i32 to index
        %parallel_loop3A_602 = arith.index_cast %parallel_loop3A_596 : i32 to index
        %parallel_loop3A_603 = tpu.vector_load %arg9[%parallel_loop3A_599, %parallel_loop3A_600, %parallel_loop3A_601, %parallel_loop3A_602] {strides = array<i32>} : memref<4x4x8x128xf32, #tpu.memory_space<vmem>>, vector<16xf32>,
        tpu.vector_store %arg9[%parallel_loop3A_599, %parallel_loop3A_600, %parallel_loop3A_601, %parallel_loop3A_602], %parallel_loop3A_571 {strides = array<i32>} : memref<4x4x8x128xf32, #tpu.memory_space<vmem>>, vector<16xf32>,
        %parallel_loop3A_604 = arith.constant 4 : i32
        %parallel_loop3A_605 = arith.shli %parallel_loop3A_561, %parallel_loop3A_604 : i32
        %parallel_loop3A_606 = arith.constant 0 : i32
        %parallel_loop3A_607 = arith.constant 3 : i32
        %parallel_loop3A_608 = arith.index_cast %parallel_loop3A_606 : i32 to index
        %parallel_loop3A_609 = arith.index_cast %parallel_loop3A_559 : i32 to index
        %parallel_loop3A_610 = arith.index_cast %parallel_loop3A_607 : i32 to index
        %parallel_loop3A_611 = arith.index_cast %parallel_loop3A_605 : i32 to index
        %parallel_loop3A_612 = tpu.vector_load %arg9[%parallel_loop3A_608, %parallel_loop3A_609, %parallel_loop3A_610, %parallel_loop3A_611] {strides = array<i32>} : memref<4x4x8x128xf32, #tpu.memory_space<vmem>>, vector<16xf32>,
        tpu.vector_store %arg9[%parallel_loop3A_608, %parallel_loop3A_609, %parallel_loop3A_610, %parallel_loop3A_611], %parallel_loop3A_572 {strides = array<i32>} : memref<4x4x8x128xf32, #tpu.memory_space<vmem>>, vector<16xf32>,
        %parallel_loop3A_613 = arith.constant 4 : i32
        %parallel_loop3A_614 = arith.shli %parallel_loop3A_561, %parallel_loop3A_613 : i32
        %parallel_loop3A_615 = arith.constant 0 : i32
        %parallel_loop3A_616 = arith.constant 4 : i32
        %parallel_loop3A_617 = arith.index_cast %parallel_loop3A_615 : i32 to index
        %parallel_loop3A_618 = arith.index_cast %parallel_loop3A_559 : i32 to index
        %parallel_loop3A_619 = arith.index_cast %parallel_loop3A_616 : i32 to index
        %parallel_loop3A_620 = arith.index_cast %parallel_loop3A_614 : i32 to index
        %parallel_loop3A_621 = tpu.vector_load %arg9[%parallel_loop3A_617, %parallel_loop3A_618, %parallel_loop3A_619, %parallel_loop3A_620] {strides = array<i32>} : memref<4x4x8x128xf32, #tpu.memory_space<vmem>>, vector<16xf32>,
        tpu.vector_store %arg9[%parallel_loop3A_617, %parallel_loop3A_618, %parallel_loop3A_619, %parallel_loop3A_620], %parallel_loop3A_573 {strides = array<i32>} : memref<4x4x8x128xf32, #tpu.memory_space<vmem>>, vector<16xf32>,
        %parallel_loop3A_622 = arith.constant 4 : i32
        %parallel_loop3A_623 = arith.shli %parallel_loop3A_561, %parallel_loop3A_622 : i32
        %parallel_loop3A_624 = arith.constant 0 : i32
        %parallel_loop3A_625 = arith.constant 5 : i32
        %parallel_loop3A_626 = arith.index_cast %parallel_loop3A_624 : i32 to index
        %parallel_loop3A_627 = arith.index_cast %parallel_loop3A_559 : i32 to index
        %parallel_loop3A_628 = arith.index_cast %parallel_loop3A_625 : i32 to index
        %parallel_loop3A_629 = arith.index_cast %parallel_loop3A_623 : i32 to index
        %parallel_loop3A_630 = tpu.vector_load %arg9[%parallel_loop3A_626, %parallel_loop3A_627, %parallel_loop3A_628, %parallel_loop3A_629] {strides = array<i32>} : memref<4x4x8x128xf32, #tpu.memory_space<vmem>>, vector<16xf32>,
        tpu.vector_store %arg9[%parallel_loop3A_626, %parallel_loop3A_627, %parallel_loop3A_628, %parallel_loop3A_629], %parallel_loop3A_574 {strides = array<i32>} : memref<4x4x8x128xf32, #tpu.memory_space<vmem>>, vector<16xf32>,
        %parallel_loop3A_631 = arith.constant 4 : i32
        %parallel_loop3A_632 = arith.shli %parallel_loop3A_561, %parallel_loop3A_631 : i32
        %parallel_loop3A_633 = arith.constant 0 : i32
        %parallel_loop3A_634 = arith.constant 6 : i32
        %parallel_loop3A_635 = arith.index_cast %parallel_loop3A_633 : i32 to index
        %parallel_loop3A_636 = arith.index_cast %parallel_loop3A_559 : i32 to index
        %parallel_loop3A_637 = arith.index_cast %parallel_loop3A_634 : i32 to index
        %parallel_loop3A_638 = arith.index_cast %parallel_loop3A_632 : i32 to index
        %parallel_loop3A_639 = tpu.vector_load %arg9[%parallel_loop3A_635, %parallel_loop3A_636, %parallel_loop3A_637, %parallel_loop3A_638] {strides = array<i32>} : memref<4x4x8x128xf32, #tpu.memory_space<vmem>>, vector<16xf32>,
        tpu.vector_store %arg9[%parallel_loop3A_635, %parallel_loop3A_636, %parallel_loop3A_637, %parallel_loop3A_638], %parallel_loop3A_575 {strides = array<i32>} : memref<4x4x8x128xf32, #tpu.memory_space<vmem>>, vector<16xf32>,
        %parallel_loop3A_640 = arith.constant 4 : i32
        %parallel_loop3A_641 = arith.shli %parallel_loop3A_561, %parallel_loop3A_640 : i32
        %parallel_loop3A_642 = arith.constant 0 : i32
        %parallel_loop3A_643 = arith.constant 7 : i32
        %parallel_loop3A_644 = arith.index_cast %parallel_loop3A_642 : i32 to index
        %parallel_loop3A_645 = arith.index_cast %parallel_loop3A_559 : i32 to index
        %parallel_loop3A_646 = arith.index_cast %parallel_loop3A_643 : i32 to index
        %parallel_loop3A_647 = arith.index_cast %parallel_loop3A_641 : i32 to index
        %parallel_loop3A_648 = tpu.vector_load %arg9[%parallel_loop3A_644, %parallel_loop3A_645, %parallel_loop3A_646, %parallel_loop3A_647] {strides = array<i32>} : memref<4x4x8x128xf32, #tpu.memory_space<vmem>>, vector<16xf32>,
        tpu.vector_store %arg9[%parallel_loop3A_644, %parallel_loop3A_645, %parallel_loop3A_646, %parallel_loop3A_647], %parallel_loop3A_576 {strides = array<i32>} : memref<4x4x8x128xf32, #tpu.memory_space<vmem>>, vector<16xf32>,
        %parallel_loop3A_649 = tpu.vector_load_idx %arg7[%parallel_loop3A_568, %broadcast_in_dim3A_17] : memref<512x32xf32, #tpu.memory_space<vmem>>[vector<16xi32>, vector<16xi32>], vector<16xf32>,
        %parallel_loop3A_650 = tpu.vector_load_idx %arg7[%parallel_loop3A_568, %broadcast_in_dim3A_19] : memref<512x32xf32, #tpu.memory_space<vmem>>[vector<16xi32>, vector<16xi32>], vector<16xf32>,
        %parallel_loop3A_651 = tpu.vector_load_idx %arg7[%parallel_loop3A_568, %broadcast_in_dim3A_21] : memref<512x32xf32, #tpu.memory_space<vmem>>[vector<16xi32>, vector<16xi32>], vector<16xf32>,
        %parallel_loop3A_652 = tpu.vector_load_idx %arg7[%parallel_loop3A_568, %broadcast_in_dim3A_23] : memref<512x32xf32, #tpu.memory_space<vmem>>[vector<16xi32>, vector<16xi32>], vector<16xf32>,
        %parallel_loop3A_653 = tpu.vector_load_idx %arg7[%parallel_loop3A_568, %broadcast_in_dim3A_25] : memref<512x32xf32, #tpu.memory_space<vmem>>[vector<16xi32>, vector<16xi32>], vector<16xf32>,
        %parallel_loop3A_654 = tpu.vector_load_idx %arg7[%parallel_loop3A_568, %broadcast_in_dim3A_27] : memref<512x32xf32, #tpu.memory_space<vmem>>[vector<16xi32>, vector<16xi32>], vector<16xf32>,
        %parallel_loop3A_655 = tpu.vector_load_idx %arg7[%parallel_loop3A_568, %broadcast_in_dim3A_29] : memref<512x32xf32, #tpu.memory_space<vmem>>[vector<16xi32>, vector<16xi32>], vector<16xf32>,
        %parallel_loop3A_656 = tpu.vector_load_idx %arg7[%parallel_loop3A_568, %broadcast_in_dim3A_31] : memref<512x32xf32, #tpu.memory_space<vmem>>[vector<16xi32>, vector<16xi32>], vector<16xf32>,
        %parallel_loop3A_657 = arith.constant 4 : i32
        %parallel_loop3A_658 = arith.shli %parallel_loop3A_561, %parallel_loop3A_657 : i32
        %parallel_loop3A_659 = arith.constant 1 : i32
        %parallel_loop3A_660 = arith.constant 0 : i32
        %parallel_loop3A_661 = arith.index_cast %parallel_loop3A_659 : i32 to index
        %parallel_loop3A_662 = arith.index_cast %parallel_loop3A_559 : i32 to index
        %parallel_loop3A_663 = arith.index_cast %parallel_loop3A_660 : i32 to index
        %parallel_loop3A_664 = arith.index_cast %parallel_loop3A_658 : i32 to index
        %parallel_loop3A_665 = tpu.vector_load %arg9[%parallel_loop3A_661, %parallel_loop3A_662, %parallel_loop3A_663, %parallel_loop3A_664] {strides = array<i32>} : memref<4x4x8x128xf32, #tpu.memory_space<vmem>>, vector<16xf32>,
        tpu.vector_store %arg9[%parallel_loop3A_661, %parallel_loop3A_662, %parallel_loop3A_663, %parallel_loop3A_664], %parallel_loop3A_649 {strides = array<i32>} : memref<4x4x8x128xf32, #tpu.memory_space<vmem>>, vector<16xf32>,
        %parallel_loop3A_666 = arith.constant 4 : i32
        %parallel_loop3A_667 = arith.shli %parallel_loop3A_561, %parallel_loop3A_666 : i32
        %parallel_loop3A_668 = arith.constant 1 : i32
        %parallel_loop3A_669 = arith.constant 1 : i32
        %parallel_loop3A_670 = arith.index_cast %parallel_loop3A_668 : i32 to index
        %parallel_loop3A_671 = arith.index_cast %parallel_loop3A_559 : i32 to index
        %parallel_loop3A_672 = arith.index_cast %parallel_loop3A_669 : i32 to index
        %parallel_loop3A_673 = arith.index_cast %parallel_loop3A_667 : i32 to index
        %parallel_loop3A_674 = tpu.vector_load %arg9[%parallel_loop3A_670, %parallel_loop3A_671, %parallel_loop3A_672, %parallel_loop3A_673] {strides = array<i32>} : memref<4x4x8x128xf32, #tpu.memory_space<vmem>>, vector<16xf32>,
        tpu.vector_store %arg9[%parallel_loop3A_670, %parallel_loop3A_671, %parallel_loop3A_672, %parallel_loop3A_673], %parallel_loop3A_650 {strides = array<i32>} : memref<4x4x8x128xf32, #tpu.memory_space<vmem>>, vector<16xf32>,
        %parallel_loop3A_675 = arith.constant 4 : i32
        %parallel_loop3A_676 = arith.shli %parallel_loop3A_561, %parallel_loop3A_675 : i32
        %parallel_loop3A_677 = arith.constant 1 : i32
        %parallel_loop3A_678 = arith.constant 2 : i32
        %parallel_loop3A_679 = arith.index_cast %parallel_loop3A_677 : i32 to index
        %parallel_loop3A_680 = arith.index_cast %parallel_loop3A_559 : i32 to index
        %parallel_loop3A_681 = arith.index_cast %parallel_loop3A_678 : i32 to index
        %parallel_loop3A_682 = arith.index_cast %parallel_loop3A_676 : i32 to index
        %parallel_loop3A_683 = tpu.vector_load %arg9[%parallel_loop3A_679, %parallel_loop3A_680, %parallel_loop3A_681, %parallel_loop3A_682] {strides = array<i32>} : memref<4x4x8x128xf32, #tpu.memory_space<vmem>>, vector<16xf32>,
        tpu.vector_store %arg9[%parallel_loop3A_679, %parallel_loop3A_680, %parallel_loop3A_681, %parallel_loop3A_682], %parallel_loop3A_651 {strides = array<i32>} : memref<4x4x8x128xf32, #tpu.memory_space<vmem>>, vector<16xf32>,
        %parallel_loop3A_684 = arith.constant 4 : i32
        %parallel_loop3A_685 = arith.shli %parallel_loop3A_561, %parallel_loop3A_684 : i32
        %parallel_loop3A_686 = arith.constant 1 : i32
        %parallel_loop3A_687 = arith.constant 3 : i32
        %parallel_loop3A_688 = arith.index_cast %parallel_loop3A_686 : i32 to index
        %parallel_loop3A_689 = arith.index_cast %parallel_loop3A_559 : i32 to index
        %parallel_loop3A_690 = arith.index_cast %parallel_loop3A_687 : i32 to index
        %parallel_loop3A_691 = arith.index_cast %parallel_loop3A_685 : i32 to index
        %parallel_loop3A_692 = tpu.vector_load %arg9[%parallel_loop3A_688, %parallel_loop3A_689, %parallel_loop3A_690, %parallel_loop3A_691] {strides = array<i32>} : memref<4x4x8x128xf32, #tpu.memory_space<vmem>>, vector<16xf32>,
        tpu.vector_store %arg9[%parallel_loop3A_688, %parallel_loop3A_689, %parallel_loop3A_690, %parallel_loop3A_691], %parallel_loop3A_652 {strides = array<i32>} : memref<4x4x8x128xf32, #tpu.memory_space<vmem>>, vector<16xf32>,
        %parallel_loop3A_693 = arith.constant 4 : i32
        %parallel_loop3A_694 = arith.shli %parallel_loop3A_561, %parallel_loop3A_693 : i32
        %parallel_loop3A_695 = arith.constant 1 : i32
        %parallel_loop3A_696 = arith.constant 4 : i32
        %parallel_loop3A_697 = arith.index_cast %parallel_loop3A_695 : i32 to index
        %parallel_loop3A_698 = arith.index_cast %parallel_loop3A_559 : i32 to index
        %parallel_loop3A_699 = arith.index_cast %parallel_loop3A_696 : i32 to index
        %parallel_loop3A_700 = arith.index_cast %parallel_loop3A_694 : i32 to index
        %parallel_loop3A_701 = tpu.vector_load %arg9[%parallel_loop3A_697, %parallel_loop3A_698, %parallel_loop3A_699, %parallel_loop3A_700] {strides = array<i32>} : memref<4x4x8x128xf32, #tpu.memory_space<vmem>>, vector<16xf32>,
        tpu.vector_store %arg9[%parallel_loop3A_697, %parallel_loop3A_698, %parallel_loop3A_699, %parallel_loop3A_700], %parallel_loop3A_653 {strides = array<i32>} : memref<4x4x8x128xf32, #tpu.memory_space<vmem>>, vector<16xf32>,
        %parallel_loop3A_702 = arith.constant 4 : i32
        %parallel_loop3A_703 = arith.shli %parallel_loop3A_561, %parallel_loop3A_702 : i32
        %parallel_loop3A_704 = arith.constant 1 : i32
        %parallel_loop3A_705 = arith.constant 5 : i32
        %parallel_loop3A_706 = arith.index_cast %parallel_loop3A_704 : i32 to index
        %parallel_loop3A_707 = arith.index_cast %parallel_loop3A_559 : i32 to index
        %parallel_loop3A_708 = arith.index_cast %parallel_loop3A_705 : i32 to index
        %parallel_loop3A_709 = arith.index_cast %parallel_loop3A_703 : i32 to index
        %parallel_loop3A_710 = tpu.vector_load %arg9[%parallel_loop3A_706, %parallel_loop3A_707, %parallel_loop3A_708, %parallel_loop3A_709] {strides = array<i32>} : memref<4x4x8x128xf32, #tpu.memory_space<vmem>>, vector<16xf32>,
        tpu.vector_store %arg9[%parallel_loop3A_706, %parallel_loop3A_707, %parallel_loop3A_708, %parallel_loop3A_709], %parallel_loop3A_654 {strides = array<i32>} : memref<4x4x8x128xf32, #tpu.memory_space<vmem>>, vector<16xf32>,
        %parallel_loop3A_711 = arith.constant 4 : i32
        %parallel_loop3A_712 = arith.shli %parallel_loop3A_561, %parallel_loop3A_711 : i32
        %parallel_loop3A_713 = arith.constant 1 : i32
        %parallel_loop3A_714 = arith.constant 6 : i32
        %parallel_loop3A_715 = arith.index_cast %parallel_loop3A_713 : i32 to index
        %parallel_loop3A_716 = arith.index_cast %parallel_loop3A_559 : i32 to index
        %parallel_loop3A_717 = arith.index_cast %parallel_loop3A_714 : i32 to index
        %parallel_loop3A_718 = arith.index_cast %parallel_loop3A_712 : i32 to index
        %parallel_loop3A_719 = tpu.vector_load %arg9[%parallel_loop3A_715, %parallel_loop3A_716, %parallel_loop3A_717, %parallel_loop3A_718] {strides = array<i32>} : memref<4x4x8x128xf32, #tpu.memory_space<vmem>>, vector<16xf32>,
        tpu.vector_store %arg9[%parallel_loop3A_715, %parallel_loop3A_716, %parallel_loop3A_717, %parallel_loop3A_718], %parallel_loop3A_655 {strides = array<i32>} : memref<4x4x8x128xf32, #tpu.memory_space<vmem>>, vector<16xf32>,
        %parallel_loop3A_720 = arith.constant 4 : i32
        %parallel_loop3A_721 = arith.shli %parallel_loop3A_561, %parallel_loop3A_720 : i32
        %parallel_loop3A_722 = arith.constant 1 : i32
        %parallel_loop3A_723 = arith.constant 7 : i32
        %parallel_loop3A_724 = arith.index_cast %parallel_loop3A_722 : i32 to index
        %parallel_loop3A_725 = arith.index_cast %parallel_loop3A_559 : i32 to index
        %parallel_loop3A_726 = arith.index_cast %parallel_loop3A_723 : i32 to index
        %parallel_loop3A_727 = arith.index_cast %parallel_loop3A_721 : i32 to index
        %parallel_loop3A_728 = tpu.vector_load %arg9[%parallel_loop3A_724, %parallel_loop3A_725, %parallel_loop3A_726, %parallel_loop3A_727] {strides = array<i32>} : memref<4x4x8x128xf32, #tpu.memory_space<vmem>>, vector<16xf32>,
        tpu.vector_store %arg9[%parallel_loop3A_724, %parallel_loop3A_725, %parallel_loop3A_726, %parallel_loop3A_727], %parallel_loop3A_656 {strides = array<i32>} : memref<4x4x8x128xf32, #tpu.memory_space<vmem>>, vector<16xf32>,
        %parallel_loop3A_729 = tpu.vector_load_idx %arg7[%parallel_loop3A_568, %broadcast_in_dim3A_33] : memref<512x32xf32, #tpu.memory_space<vmem>>[vector<16xi32>, vector<16xi32>], vector<16xf32>,
        %parallel_loop3A_730 = tpu.vector_load_idx %arg7[%parallel_loop3A_568, %broadcast_in_dim3A_35] : memref<512x32xf32, #tpu.memory_space<vmem>>[vector<16xi32>, vector<16xi32>], vector<16xf32>,
        %parallel_loop3A_731 = tpu.vector_load_idx %arg7[%parallel_loop3A_568, %broadcast_in_dim3A_37] : memref<512x32xf32, #tpu.memory_space<vmem>>[vector<16xi32>, vector<16xi32>], vector<16xf32>,
        %parallel_loop3A_732 = tpu.vector_load_idx %arg7[%parallel_loop3A_568, %broadcast_in_dim3A_39] : memref<512x32xf32, #tpu.memory_space<vmem>>[vector<16xi32>, vector<16xi32>], vector<16xf32>,
        %parallel_loop3A_733 = tpu.vector_load_idx %arg7[%parallel_loop3A_568, %broadcast_in_dim3A_41] : memref<512x32xf32, #tpu.memory_space<vmem>>[vector<16xi32>, vector<16xi32>], vector<16xf32>,
        %parallel_loop3A_734 = tpu.vector_load_idx %arg7[%parallel_loop3A_568, %broadcast_in_dim3A_43] : memref<512x32xf32, #tpu.memory_space<vmem>>[vector<16xi32>, vector<16xi32>], vector<16xf32>,
        %parallel_loop3A_735 = tpu.vector_load_idx %arg7[%parallel_loop3A_568, %broadcast_in_dim3A_45] : memref<512x32xf32, #tpu.memory_space<vmem>>[vector<16xi32>, vector<16xi32>], vector<16xf32>,
        %parallel_loop3A_736 = tpu.vector_load_idx %arg7[%parallel_loop3A_568, %broadcast_in_dim3A_47] : memref<512x32xf32, #tpu.memory_space<vmem>>[vector<16xi32>, vector<16xi32>], vector<16xf32>,
        %parallel_loop3A_737 = arith.constant 4 : i32
        %parallel_loop3A_738 = arith.shli %parallel_loop3A_561, %parallel_loop3A_737 : i32
        %parallel_loop3A_739 = arith.constant 2 : i32
        %parallel_loop3A_740 = arith.constant 0 : i32
        %parallel_loop3A_741 = arith.index_cast %parallel_loop3A_739 : i32 to index
        %parallel_loop3A_742 = arith.index_cast %parallel_loop3A_559 : i32 to index
        %parallel_loop3A_743 = arith.index_cast %parallel_loop3A_740 : i32 to index
        %parallel_loop3A_744 = arith.index_cast %parallel_loop3A_738 : i32 to index
        %parallel_loop3A_745 = tpu.vector_load %arg9[%parallel_loop3A_741, %parallel_loop3A_742, %parallel_loop3A_743, %parallel_loop3A_744] {strides = array<i32>} : memref<4x4x8x128xf32, #tpu.memory_space<vmem>>, vector<16xf32>,
        tpu.vector_store %arg9[%parallel_loop3A_741, %parallel_loop3A_742, %parallel_loop3A_743, %parallel_loop3A_744], %parallel_loop3A_729 {strides = array<i32>} : memref<4x4x8x128xf32, #tpu.memory_space<vmem>>, vector<16xf32>,
        %parallel_loop3A_746 = arith.constant 4 : i32
        %parallel_loop3A_747 = arith.shli %parallel_loop3A_561, %parallel_loop3A_746 : i32
        %parallel_loop3A_748 = arith.constant 2 : i32
        %parallel_loop3A_749 = arith.constant 1 : i32
        %parallel_loop3A_750 = arith.index_cast %parallel_loop3A_748 : i32 to index
        %parallel_loop3A_751 = arith.index_cast %parallel_loop3A_559 : i32 to index
        %parallel_loop3A_752 = arith.index_cast %parallel_loop3A_749 : i32 to index
        %parallel_loop3A_753 = arith.index_cast %parallel_loop3A_747 : i32 to index
        %parallel_loop3A_754 = tpu.vector_load %arg9[%parallel_loop3A_750, %parallel_loop3A_751, %parallel_loop3A_752, %parallel_loop3A_753] {strides = array<i32>} : memref<4x4x8x128xf32, #tpu.memory_space<vmem>>, vector<16xf32>,
        tpu.vector_store %arg9[%parallel_loop3A_750, %parallel_loop3A_751, %parallel_loop3A_752, %parallel_loop3A_753], %parallel_loop3A_730 {strides = array<i32>} : memref<4x4x8x128xf32, #tpu.memory_space<vmem>>, vector<16xf32>,
        %parallel_loop3A_755 = arith.constant 4 : i32
        %parallel_loop3A_756 = arith.shli %parallel_loop3A_561, %parallel_loop3A_755 : i32
        %parallel_loop3A_757 = arith.constant 2 : i32
        %parallel_loop3A_758 = arith.constant 2 : i32
        %parallel_loop3A_759 = arith.index_cast %parallel_loop3A_757 : i32 to index
        %parallel_loop3A_760 = arith.index_cast %parallel_loop3A_559 : i32 to index
        %parallel_loop3A_761 = arith.index_cast %parallel_loop3A_758 : i32 to index
        %parallel_loop3A_762 = arith.index_cast %parallel_loop3A_756 : i32 to index
        %parallel_loop3A_763 = tpu.vector_load %arg9[%parallel_loop3A_759, %parallel_loop3A_760, %parallel_loop3A_761, %parallel_loop3A_762] {strides = array<i32>} : memref<4x4x8x128xf32, #tpu.memory_space<vmem>>, vector<16xf32>,
        tpu.vector_store %arg9[%parallel_loop3A_759, %parallel_loop3A_760, %parallel_loop3A_761, %parallel_loop3A_762], %parallel_loop3A_731 {strides = array<i32>} : memref<4x4x8x128xf32, #tpu.memory_space<vmem>>, vector<16xf32>,
        %parallel_loop3A_764 = arith.constant 4 : i32
        %parallel_loop3A_765 = arith.shli %parallel_loop3A_561, %parallel_loop3A_764 : i32
        %parallel_loop3A_766 = arith.constant 2 : i32
        %parallel_loop3A_767 = arith.constant 3 : i32
        %parallel_loop3A_768 = arith.index_cast %parallel_loop3A_766 : i32 to index
        %parallel_loop3A_769 = arith.index_cast %parallel_loop3A_559 : i32 to index
        %parallel_loop3A_770 = arith.index_cast %parallel_loop3A_767 : i32 to index
        %parallel_loop3A_771 = arith.index_cast %parallel_loop3A_765 : i32 to index
        %parallel_loop3A_772 = tpu.vector_load %arg9[%parallel_loop3A_768, %parallel_loop3A_769, %parallel_loop3A_770, %parallel_loop3A_771] {strides = array<i32>} : memref<4x4x8x128xf32, #tpu.memory_space<vmem>>, vector<16xf32>,
        tpu.vector_store %arg9[%parallel_loop3A_768, %parallel_loop3A_769, %parallel_loop3A_770, %parallel_loop3A_771], %parallel_loop3A_732 {strides = array<i32>} : memref<4x4x8x128xf32, #tpu.memory_space<vmem>>, vector<16xf32>,
        %parallel_loop3A_773 = arith.constant 4 : i32
        %parallel_loop3A_774 = arith.shli %parallel_loop3A_561, %parallel_loop3A_773 : i32
        %parallel_loop3A_775 = arith.constant 2 : i32
        %parallel_loop3A_776 = arith.constant 4 : i32
        %parallel_loop3A_777 = arith.index_cast %parallel_loop3A_775 : i32 to index
        %parallel_loop3A_778 = arith.index_cast %parallel_loop3A_559 : i32 to index
        %parallel_loop3A_779 = arith.index_cast %parallel_loop3A_776 : i32 to index
        %parallel_loop3A_780 = arith.index_cast %parallel_loop3A_774 : i32 to index
        %parallel_loop3A_781 = tpu.vector_load %arg9[%parallel_loop3A_777, %parallel_loop3A_778, %parallel_loop3A_779, %parallel_loop3A_780] {strides = array<i32>} : memref<4x4x8x128xf32, #tpu.memory_space<vmem>>, vector<16xf32>,
        tpu.vector_store %arg9[%parallel_loop3A_777, %parallel_loop3A_778, %parallel_loop3A_779, %parallel_loop3A_780], %parallel_loop3A_733 {strides = array<i32>} : memref<4x4x8x128xf32, #tpu.memory_space<vmem>>, vector<16xf32>,
        %parallel_loop3A_782 = arith.constant 4 : i32
        %parallel_loop3A_783 = arith.shli %parallel_loop3A_561, %parallel_loop3A_782 : i32
        %parallel_loop3A_784 = arith.constant 2 : i32
        %parallel_loop3A_785 = arith.constant 5 : i32
        %parallel_loop3A_786 = arith.index_cast %parallel_loop3A_784 : i32 to index
        %parallel_loop3A_787 = arith.index_cast %parallel_loop3A_559 : i32 to index
        %parallel_loop3A_788 = arith.index_cast %parallel_loop3A_785 : i32 to index
        %parallel_loop3A_789 = arith.index_cast %parallel_loop3A_783 : i32 to index
        %parallel_loop3A_790 = tpu.vector_load %arg9[%parallel_loop3A_786, %parallel_loop3A_787, %parallel_loop3A_788, %parallel_loop3A_789] {strides = array<i32>} : memref<4x4x8x128xf32, #tpu.memory_space<vmem>>, vector<16xf32>,
        tpu.vector_store %arg9[%parallel_loop3A_786, %parallel_loop3A_787, %parallel_loop3A_788, %parallel_loop3A_789], %parallel_loop3A_734 {strides = array<i32>} : memref<4x4x8x128xf32, #tpu.memory_space<vmem>>, vector<16xf32>,
        %parallel_loop3A_791 = arith.constant 4 : i32
        %parallel_loop3A_792 = arith.shli %parallel_loop3A_561, %parallel_loop3A_791 : i32
        %parallel_loop3A_793 = arith.constant 2 : i32
        %parallel_loop3A_794 = arith.constant 6 : i32
        %parallel_loop3A_795 = arith.index_cast %parallel_loop3A_793 : i32 to index
        %parallel_loop3A_796 = arith.index_cast %parallel_loop3A_559 : i32 to index
        %parallel_loop3A_797 = arith.index_cast %parallel_loop3A_794 : i32 to index
        %parallel_loop3A_798 = arith.index_cast %parallel_loop3A_792 : i32 to index
        %parallel_loop3A_799 = tpu.vector_load %arg9[%parallel_loop3A_795, %parallel_loop3A_796, %parallel_loop3A_797, %parallel_loop3A_798] {strides = array<i32>} : memref<4x4x8x128xf32, #tpu.memory_space<vmem>>, vector<16xf32>,
        tpu.vector_store %arg9[%parallel_loop3A_795, %parallel_loop3A_796, %parallel_loop3A_797, %parallel_loop3A_798], %parallel_loop3A_735 {strides = array<i32>} : memref<4x4x8x128xf32, #tpu.memory_space<vmem>>, vector<16xf32>,
        %parallel_loop3A_800 = arith.constant 4 : i32
        %parallel_loop3A_801 = arith.shli %parallel_loop3A_561, %parallel_loop3A_800 : i32
        %parallel_loop3A_802 = arith.constant 2 : i32
        %parallel_loop3A_803 = arith.constant 7 : i32
        %parallel_loop3A_804 = arith.index_cast %parallel_loop3A_802 : i32 to index
        %parallel_loop3A_805 = arith.index_cast %parallel_loop3A_559 : i32 to index
        %parallel_loop3A_806 = arith.index_cast %parallel_loop3A_803 : i32 to index
        %parallel_loop3A_807 = arith.index_cast %parallel_loop3A_801 : i32 to index
        %parallel_loop3A_808 = tpu.vector_load %arg9[%parallel_loop3A_804, %parallel_loop3A_805, %parallel_loop3A_806, %parallel_loop3A_807] {strides = array<i32>} : memref<4x4x8x128xf32, #tpu.memory_space<vmem>>, vector<16xf32>,
        tpu.vector_store %arg9[%parallel_loop3A_804, %parallel_loop3A_805, %parallel_loop3A_806, %parallel_loop3A_807], %parallel_loop3A_736 {strides = array<i32>} : memref<4x4x8x128xf32, #tpu.memory_space<vmem>>, vector<16xf32>,
        %parallel_loop3A_809 = tpu.vector_load_idx %arg7[%parallel_loop3A_568, %broadcast_in_dim3A_49] : memref<512x32xf32, #tpu.memory_space<vmem>>[vector<16xi32>, vector<16xi32>], vector<16xf32>,
        %parallel_loop3A_810 = tpu.vector_load_idx %arg7[%parallel_loop3A_568, %broadcast_in_dim3A_51] : memref<512x32xf32, #tpu.memory_space<vmem>>[vector<16xi32>, vector<16xi32>], vector<16xf32>,
        %parallel_loop3A_811 = tpu.vector_load_idx %arg7[%parallel_loop3A_568, %broadcast_in_dim3A_53] : memref<512x32xf32, #tpu.memory_space<vmem>>[vector<16xi32>, vector<16xi32>], vector<16xf32>,
        %parallel_loop3A_812 = tpu.vector_load_idx %arg7[%parallel_loop3A_568, %broadcast_in_dim3A_55] : memref<512x32xf32, #tpu.memory_space<vmem>>[vector<16xi32>, vector<16xi32>], vector<16xf32>,
        %parallel_loop3A_813 = tpu.vector_load_idx %arg7[%parallel_loop3A_568, %broadcast_in_dim3A_57] : memref<512x32xf32, #tpu.memory_space<vmem>>[vector<16xi32>, vector<16xi32>], vector<16xf32>,
        %parallel_loop3A_814 = tpu.vector_load_idx %arg7[%parallel_loop3A_568, %broadcast_in_dim3A_59] : memref<512x32xf32, #tpu.memory_space<vmem>>[vector<16xi32>, vector<16xi32>], vector<16xf32>,
        %parallel_loop3A_815 = tpu.vector_load_idx %arg7[%parallel_loop3A_568, %broadcast_in_dim3A_61] : memref<512x32xf32, #tpu.memory_space<vmem>>[vector<16xi32>, vector<16xi32>], vector<16xf32>,
        %parallel_loop3A_816 = tpu.vector_load_idx %arg7[%parallel_loop3A_568, %broadcast_in_dim3A_63] : memref<512x32xf32, #tpu.memory_space<vmem>>[vector<16xi32>, vector<16xi32>], vector<16xf32>,
        %parallel_loop3A_817 = arith.constant 4 : i32
        %parallel_loop3A_818 = arith.shli %parallel_loop3A_561, %parallel_loop3A_817 : i32
        %parallel_loop3A_819 = arith.constant 3 : i32
        %parallel_loop3A_820 = arith.constant 0 : i32
        %parallel_loop3A_821 = arith.index_cast %parallel_loop3A_819 : i32 to index
        %parallel_loop3A_822 = arith.index_cast %parallel_loop3A_559 : i32 to index
        %parallel_loop3A_823 = arith.index_cast %parallel_loop3A_820 : i32 to index
        %parallel_loop3A_824 = arith.index_cast %parallel_loop3A_818 : i32 to index
        %parallel_loop3A_825 = tpu.vector_load %arg9[%parallel_loop3A_821, %parallel_loop3A_822, %parallel_loop3A_823, %parallel_loop3A_824] {strides = array<i32>} : memref<4x4x8x128xf32, #tpu.memory_space<vmem>>, vector<16xf32>,
        tpu.vector_store %arg9[%parallel_loop3A_821, %parallel_loop3A_822, %parallel_loop3A_823, %parallel_loop3A_824], %parallel_loop3A_809 {strides = array<i32>} : memref<4x4x8x128xf32, #tpu.memory_space<vmem>>, vector<16xf32>,
        %parallel_loop3A_826 = arith.constant 4 : i32
        %parallel_loop3A_827 = arith.shli %parallel_loop3A_561, %parallel_loop3A_826 : i32
        %parallel_loop3A_828 = arith.constant 3 : i32
        %parallel_loop3A_829 = arith.constant 1 : i32
        %parallel_loop3A_830 = arith.index_cast %parallel_loop3A_828 : i32 to index
        %parallel_loop3A_831 = arith.index_cast %parallel_loop3A_559 : i32 to index
        %parallel_loop3A_832 = arith.index_cast %parallel_loop3A_829 : i32 to index
        %parallel_loop3A_833 = arith.index_cast %parallel_loop3A_827 : i32 to index
        %parallel_loop3A_834 = tpu.vector_load %arg9[%parallel_loop3A_830, %parallel_loop3A_831, %parallel_loop3A_832, %parallel_loop3A_833] {strides = array<i32>} : memref<4x4x8x128xf32, #tpu.memory_space<vmem>>, vector<16xf32>,
        tpu.vector_store %arg9[%parallel_loop3A_830, %parallel_loop3A_831, %parallel_loop3A_832, %parallel_loop3A_833], %parallel_loop3A_810 {strides = array<i32>} : memref<4x4x8x128xf32, #tpu.memory_space<vmem>>, vector<16xf32>,
        %parallel_loop3A_835 = arith.constant 4 : i32
        %parallel_loop3A_836 = arith.shli %parallel_loop3A_561, %parallel_loop3A_835 : i32
        %parallel_loop3A_837 = arith.constant 3 : i32
        %parallel_loop3A_838 = arith.constant 2 : i32
        %parallel_loop3A_839 = arith.index_cast %parallel_loop3A_837 : i32 to index
        %parallel_loop3A_840 = arith.index_cast %parallel_loop3A_559 : i32 to index
        %parallel_loop3A_841 = arith.index_cast %parallel_loop3A_838 : i32 to index
        %parallel_loop3A_842 = arith.index_cast %parallel_loop3A_836 : i32 to index
        %parallel_loop3A_843 = tpu.vector_load %arg9[%parallel_loop3A_839, %parallel_loop3A_840, %parallel_loop3A_841, %parallel_loop3A_842] {strides = array<i32>} : memref<4x4x8x128xf32, #tpu.memory_space<vmem>>, vector<16xf32>,
        tpu.vector_store %arg9[%parallel_loop3A_839, %parallel_loop3A_840, %parallel_loop3A_841, %parallel_loop3A_842], %parallel_loop3A_811 {strides = array<i32>} : memref<4x4x8x128xf32, #tpu.memory_space<vmem>>, vector<16xf32>,
        %parallel_loop3A_844 = arith.constant 4 : i32
        %parallel_loop3A_845 = arith.shli %parallel_loop3A_561, %parallel_loop3A_844 : i32
        %parallel_loop3A_846 = arith.constant 3 : i32
        %parallel_loop3A_847 = arith.constant 3 : i32
        %parallel_loop3A_848 = arith.index_cast %parallel_loop3A_846 : i32 to index
        %parallel_loop3A_849 = arith.index_cast %parallel_loop3A_559 : i32 to index
        %parallel_loop3A_850 = arith.index_cast %parallel_loop3A_847 : i32 to index
        %parallel_loop3A_851 = arith.index_cast %parallel_loop3A_845 : i32 to index
        %parallel_loop3A_852 = tpu.vector_load %arg9[%parallel_loop3A_848, %parallel_loop3A_849, %parallel_loop3A_850, %parallel_loop3A_851] {strides = array<i32>} : memref<4x4x8x128xf32, #tpu.memory_space<vmem>>, vector<16xf32>,
        tpu.vector_store %arg9[%parallel_loop3A_848, %parallel_loop3A_849, %parallel_loop3A_850, %parallel_loop3A_851], %parallel_loop3A_812 {strides = array<i32>} : memref<4x4x8x128xf32, #tpu.memory_space<vmem>>, vector<16xf32>,
        %parallel_loop3A_853 = arith.constant 4 : i32
        %parallel_loop3A_854 = arith.shli %parallel_loop3A_561, %parallel_loop3A_853 : i32
        %parallel_loop3A_855 = arith.constant 3 : i32
        %parallel_loop3A_856 = arith.constant 4 : i32
        %parallel_loop3A_857 = arith.index_cast %parallel_loop3A_855 : i32 to index
        %parallel_loop3A_858 = arith.index_cast %parallel_loop3A_559 : i32 to index
        %parallel_loop3A_859 = arith.index_cast %parallel_loop3A_856 : i32 to index
        %parallel_loop3A_860 = arith.index_cast %parallel_loop3A_854 : i32 to index
        %parallel_loop3A_861 = tpu.vector_load %arg9[%parallel_loop3A_857, %parallel_loop3A_858, %parallel_loop3A_859, %parallel_loop3A_860] {strides = array<i32>} : memref<4x4x8x128xf32, #tpu.memory_space<vmem>>, vector<16xf32>,
        tpu.vector_store %arg9[%parallel_loop3A_857, %parallel_loop3A_858, %parallel_loop3A_859, %parallel_loop3A_860], %parallel_loop3A_813 {strides = array<i32>} : memref<4x4x8x128xf32, #tpu.memory_space<vmem>>, vector<16xf32>,
        %parallel_loop3A_862 = arith.constant 4 : i32
        %parallel_loop3A_863 = arith.shli %parallel_loop3A_561, %parallel_loop3A_862 : i32
        %parallel_loop3A_864 = arith.constant 3 : i32
        %parallel_loop3A_865 = arith.constant 5 : i32
        %parallel_loop3A_866 = arith.index_cast %parallel_loop3A_864 : i32 to index
        %parallel_loop3A_867 = arith.index_cast %parallel_loop3A_559 : i32 to index
        %parallel_loop3A_868 = arith.index_cast %parallel_loop3A_865 : i32 to index
        %parallel_loop3A_869 = arith.index_cast %parallel_loop3A_863 : i32 to index
        %parallel_loop3A_870 = tpu.vector_load %arg9[%parallel_loop3A_866, %parallel_loop3A_867, %parallel_loop3A_868, %parallel_loop3A_869] {strides = array<i32>} : memref<4x4x8x128xf32, #tpu.memory_space<vmem>>, vector<16xf32>,
        tpu.vector_store %arg9[%parallel_loop3A_866, %parallel_loop3A_867, %parallel_loop3A_868, %parallel_loop3A_869], %parallel_loop3A_814 {strides = array<i32>} : memref<4x4x8x128xf32, #tpu.memory_space<vmem>>, vector<16xf32>,
        %parallel_loop3A_871 = arith.constant 4 : i32
        %parallel_loop3A_872 = arith.shli %parallel_loop3A_561, %parallel_loop3A_871 : i32
        %parallel_loop3A_873 = arith.constant 3 : i32
        %parallel_loop3A_874 = arith.constant 6 : i32
        %parallel_loop3A_875 = arith.index_cast %parallel_loop3A_873 : i32 to index
        %parallel_loop3A_876 = arith.index_cast %parallel_loop3A_559 : i32 to index
        %parallel_loop3A_877 = arith.index_cast %parallel_loop3A_874 : i32 to index
        %parallel_loop3A_878 = arith.index_cast %parallel_loop3A_872 : i32 to index
        %parallel_loop3A_879 = tpu.vector_load %arg9[%parallel_loop3A_875, %parallel_loop3A_876, %parallel_loop3A_877, %parallel_loop3A_878] {strides = array<i32>} : memref<4x4x8x128xf32, #tpu.memory_space<vmem>>, vector<16xf32>,
        tpu.vector_store %arg9[%parallel_loop3A_875, %parallel_loop3A_876, %parallel_loop3A_877, %parallel_loop3A_878], %parallel_loop3A_815 {strides = array<i32>} : memref<4x4x8x128xf32, #tpu.memory_space<vmem>>, vector<16xf32>,
        %parallel_loop3A_880 = arith.constant 4 : i32
        %parallel_loop3A_881 = arith.shli %parallel_loop3A_561, %parallel_loop3A_880 : i32
        %parallel_loop3A_882 = arith.constant 3 : i32
        %parallel_loop3A_883 = arith.constant 7 : i32
        %parallel_loop3A_884 = arith.index_cast %parallel_loop3A_882 : i32 to index
        %parallel_loop3A_885 = arith.index_cast %parallel_loop3A_559 : i32 to index
        %parallel_loop3A_886 = arith.index_cast %parallel_loop3A_883 : i32 to index
        %parallel_loop3A_887 = arith.index_cast %parallel_loop3A_881 : i32 to index
        %parallel_loop3A_888 = tpu.vector_load %arg9[%parallel_loop3A_884, %parallel_loop3A_885, %parallel_loop3A_886, %parallel_loop3A_887] {strides = array<i32>} : memref<4x4x8x128xf32, #tpu.memory_space<vmem>>, vector<16xf32>,
        tpu.vector_store %arg9[%parallel_loop3A_884, %parallel_loop3A_885, %parallel_loop3A_886, %parallel_loop3A_887], %parallel_loop3A_816 {strides = array<i32>} : memref<4x4x8x128xf32, #tpu.memory_space<vmem>>, vector<16xf32>,
      } {sc.loop_unroll_factor = 2 : i64, sc.parallel_access}
      %mul3A_426 = arith.constant 50 : i32
      %mul3A_427 = arith.muli %add3A, %mul3A_426 : i32
      %add3A_428 = arith.addi %mul3A_427, %add3A_404 : i32
      %jit3A_429 = arith.constant 8 : i32
      %div3A_430 = arith.divsi %add3A_428, %jit3A_429 : i32
      %sign3A_431 = arith.constant 0 : i32
      %sign3A_432 = arith.cmpi sgt, %add3A_428, %sign3A_431 : i32
      %sign3A_433 = arith.extui %sign3A_432 : i1 to i32
      %sign3A_434 = arith.constant 0 : i32
      %sign3A_435 = arith.cmpi slt, %add3A_428, %sign3A_434 : i32
      %sign3A_436 = arith.extui %sign3A_435 : i1 to i32
      %sign3A_437 = arith.subi %sign3A_433, %sign3A_436 : i32
      %sign3A_438 = arith.constant 0 : i32
      %sign3A_439 = arith.cmpi sgt, %jit3A_429, %sign3A_438 : i32
      %sign3A_440 = arith.extui %sign3A_439 : i1 to i32
      %sign3A_441 = arith.constant 0 : i32
      %sign3A_442 = arith.cmpi slt, %jit3A_429, %sign3A_441 : i32
      %sign3A_443 = arith.extui %sign3A_442 : i1 to i32
      %sign3A_444 = arith.subi %sign3A_440, %sign3A_443 : i32
      %ne3A_445 = arith.cmpi ne, %sign3A_437, %sign3A_444 : i32
      %rem3A_446 = arith.remsi %add3A_428, %jit3A_429 : i32
      %ne3A_447 = arith.constant 0 : i32
      %ne3A_448 = arith.cmpi ne, %rem3A_446, %ne3A_447 : i32
      %and3A_449 = arith.andi %ne3A_445, %ne3A_448 : i1
      %sub3A_450 = arith.constant 1 : i32
      %sub3A_451 = arith.subi %div3A_430, %sub3A_450 : i32
      %select_n3A_452 = arith.select %and3A_449, %sub3A_451, %div3A_430 : i32
      %jit3A_453 = arith.constant 8 : i32
      %eq3A_454 = arith.constant 0 : i32
      %eq3A_455 = arith.cmpi eq, %jit3A_453, %eq3A_454 : i32
      %jit3A_456 = arith.constant 1 : i32
      %select_n3A_457 = arith.select %eq3A_455, %jit3A_456, %jit3A_453 : i32
      %rem3A_458 = arith.remsi %add3A_428, %select_n3A_457 : i32
      %ne3A_459 = arith.constant 0 : i32
      %ne3A_460 = arith.cmpi ne, %rem3A_458, %ne3A_459 : i32
      %lt3A_461 = arith.constant 0 : i32
      %lt3A_462 = arith.cmpi slt, %rem3A_458, %lt3A_461 : i32
      %lt3A_463 = arith.constant 0 : i32
      %lt3A_464 = arith.cmpi slt, %select_n3A_457, %lt3A_463 : i32
      %ne3A_465 = arith.xori %lt3A_462, %lt3A_464 : i1
      %and3A_466 = arith.andi %ne3A_465, %ne3A_460 : i1
      %add3A_467 = arith.addi %rem3A_458, %select_n3A_457 : i32
      %select_n3A_468 = arith.select %and3A_466, %add3A_467, %rem3A_458 : i32
      %mul3A_469 = arith.constant 4 : i32
      %mul3A_470 = arith.muli %select_n3A_468, %mul3A_469 : i32
      %dma_start3A_471 = arith.constant 0 : i32
      %dma_start3A_472 = arith.constant 0 : i32
      %dma_start3A_473 = arith.constant 0 : i32
      %dma_start3A_474 = arith.constant 0 : i32
      %dma_start3A_475 = arith.constant 0 : i32
      %dma_start3A_476 = tpu.memref_slice %arg9[%dma_start3A_471, %dma_start3A_473, %dma_start3A_474, %dma_start3A_475] : memref<4x4x8x128xf32, #tpu.memory_space<vmem>> -> memref<1x4x8x128xf32, #tpu.memory_space<vmem>>
      %dma_start3A_477 = tpu.memref_squeeze %dma_start3A_476 : memref<1x4x8x128xf32, #tpu.memory_space<vmem>> -> memref<4x8x128xf32, #tpu.memory_space<vmem>>
      %dma_start3A_478 = arith.constant 0 : i32
      %dma_start3A_479 = arith.constant 0 : i32
      %dma_start3A_480 = tpu.memref_slice %arg4[%select_n3A_452, %dma_start3A_472, %mul3A_470, %dma_start3A_478, %dma_start3A_479] : memref<200x4x32x8x128xf32, #tpu.memory_space<hbm>> -> memref<1x1x4x8x128xf32, #tpu.memory_space<hbm>>
      %dma_start3A_481 = tpu.memref_squeeze %dma_start3A_480 : memref<1x1x4x8x128xf32, #tpu.memory_space<hbm>> -> memref<4x8x128xf32, #tpu.memory_space<hbm>>
      %dma_start3A_482 = arith.constant 0 : i32
      %dma_start3A_483 = arith.constant 0 : i32
      %dma_start3A_484 = tpu.memref_slice %arg4[%select_n3A_452, %dma_start3A_472, %mul3A_470, %dma_start3A_482, %dma_start3A_483] : memref<200x4x32x8x128xf32, #tpu.memory_space<hbm>> -> memref<1x1x4x8x128xf32, #tpu.memory_space<hbm>>
      %dma_start3A_485 = tpu.memref_squeeze %dma_start3A_484 : memref<1x1x4x8x128xf32, #tpu.memory_space<hbm>> -> memref<4x8x128xf32, #tpu.memory_space<hbm>>
      %dma_start3A_486 = arith.constant 0 : i32
      %dma_start3A_487 = arith.constant 0 : i32
      %dma_start3A_488 = arith.constant 0 : i32
      %dma_start3A_489 = tpu.memref_slice %arg9[%dma_start3A_471, %dma_start3A_486, %dma_start3A_487, %dma_start3A_488] : memref<4x4x8x128xf32, #tpu.memory_space<vmem>> -> memref<1x4x8x128xf32, #tpu.memory_space<vmem>>
      %dma_start3A_490 = tpu.memref_squeeze %dma_start3A_489 : memref<1x4x8x128xf32, #tpu.memory_space<vmem>> -> memref<4x8x128xf32, #tpu.memory_space<vmem>>
      tpu.enqueue_dma source(%dma_start3A_490 : memref<4x8x128xf32, #tpu.memory_space<vmem>>) target(%dma_start3A_485 : memref<4x8x128xf32, #tpu.memory_space<hbm>>) target_semaphore(%arg13 : memref<!tpu.dma_semaphore, #tpu.memory_space<semaphore_mem>>)
      %mul3A_491 = arith.constant 4 : i32
      %mul3A_492 = arith.muli %select_n3A_468, %mul3A_491 : i32
      %dma_start3A_493 = arith.constant 1 : i32
      %dma_start3A_494 = arith.constant 1 : i32
      %dma_start3A_495 = arith.constant 0 : i32
      %dma_start3A_496 = arith.constant 0 : i32
      %dma_start3A_497 = arith.constant 0 : i32
      %dma_start3A_498 = tpu.memref_slice %arg9[%dma_start3A_493, %dma_start3A_495, %dma_start3A_496, %dma_start3A_497] : memref<4x4x8x128xf32, #tpu.memory_space<vmem>> -> memref<1x4x8x128xf32, #tpu.memory_space<vmem>>
      %dma_start3A_499 = tpu.memref_squeeze %dma_start3A_498 : memref<1x4x8x128xf32, #tpu.memory_space<vmem>> -> memref<4x8x128xf32, #tpu.memory_space<vmem>>
      %dma_start3A_500 = arith.constant 0 : i32
      %dma_start3A_501 = arith.constant 0 : i32
      %dma_start3A_502 = tpu.memref_slice %arg4[%select_n3A_452, %dma_start3A_494, %mul3A_492, %dma_start3A_500, %dma_start3A_501] : memref<200x4x32x8x128xf32, #tpu.memory_space<hbm>> -> memref<1x1x4x8x128xf32, #tpu.memory_space<hbm>>
      %dma_start3A_503 = tpu.memref_squeeze %dma_start3A_502 : memref<1x1x4x8x128xf32, #tpu.memory_space<hbm>> -> memref<4x8x128xf32, #tpu.memory_space<hbm>>
      %dma_start3A_504 = arith.constant 0 : i32
      %dma_start3A_505 = arith.constant 0 : i32
      %dma_start3A_506 = tpu.memref_slice %arg4[%select_n3A_452, %dma_start3A_494, %mul3A_492, %dma_start3A_504, %dma_start3A_505] : memref<200x4x32x8x128xf32, #tpu.memory_space<hbm>> -> memref<1x1x4x8x128xf32, #tpu.memory_space<hbm>>
      %dma_start3A_507 = tpu.memref_squeeze %dma_start3A_506 : memref<1x1x4x8x128xf32, #tpu.memory_space<hbm>> -> memref<4x8x128xf32, #tpu.memory_space<hbm>>
      %dma_start3A_508 = arith.constant 0 : i32
      %dma_start3A_509 = arith.constant 0 : i32
      %dma_start3A_510 = arith.constant 0 : i32
      %dma_start3A_511 = tpu.memref_slice %arg9[%dma_start3A_493, %dma_start3A_508, %dma_start3A_509, %dma_start3A_510] : memref<4x4x8x128xf32, #tpu.memory_space<vmem>> -> memref<1x4x8x128xf32, #tpu.memory_space<vmem>>
      %dma_start3A_512 = tpu.memref_squeeze %dma_start3A_511 : memref<1x4x8x128xf32, #tpu.memory_space<vmem>> -> memref<4x8x128xf32, #tpu.memory_space<vmem>>
      tpu.enqueue_dma source(%dma_start3A_512 : memref<4x8x128xf32, #tpu.memory_space<vmem>>) target(%dma_start3A_507 : memref<4x8x128xf32, #tpu.memory_space<hbm>>) target_semaphore(%arg13 : memref<!tpu.dma_semaphore, #tpu.memory_space<semaphore_mem>>)
      %mul3A_513 = arith.constant 4 : i32
      %mul3A_514 = arith.muli %select_n3A_468, %mul3A_513 : i32
      %dma_start3A_515 = arith.constant 2 : i32
      %dma_start3A_516 = arith.constant 2 : i32
      %dma_start3A_517 = arith.constant 0 : i32
      %dma_start3A_518 = arith.constant 0 : i32
      %dma_start3A_519 = arith.constant 0 : i32
      %dma_start3A_520 = tpu.memref_slice %arg9[%dma_start3A_515, %dma_start3A_517, %dma_start3A_518, %dma_start3A_519] : memref<4x4x8x128xf32, #tpu.memory_space<vmem>> -> memref<1x4x8x128xf32, #tpu.memory_space<vmem>>
      %dma_start3A_521 = tpu.memref_squeeze %dma_start3A_520 : memref<1x4x8x128xf32, #tpu.memory_space<vmem>> -> memref<4x8x128xf32, #tpu.memory_space<vmem>>
      %dma_start3A_522 = arith.constant 0 : i32
      %dma_start3A_523 = arith.constant 0 : i32
      %dma_start3A_524 = tpu.memref_slice %arg4[%select_n3A_452, %dma_start3A_516, %mul3A_514, %dma_start3A_522, %dma_start3A_523] : memref<200x4x32x8x128xf32, #tpu.memory_space<hbm>> -> memref<1x1x4x8x128xf32, #tpu.memory_space<hbm>>
      %dma_start3A_525 = tpu.memref_squeeze %dma_start3A_524 : memref<1x1x4x8x128xf32, #tpu.memory_space<hbm>> -> memref<4x8x128xf32, #tpu.memory_space<hbm>>
      %dma_start3A_526 = arith.constant 0 : i32
      %dma_start3A_527 = arith.constant 0 : i32
      %dma_start3A_528 = tpu.memref_slice %arg4[%select_n3A_452, %dma_start3A_516, %mul3A_514, %dma_start3A_526, %dma_start3A_527] : memref<200x4x32x8x128xf32, #tpu.memory_space<hbm>> -> memref<1x1x4x8x128xf32, #tpu.memory_space<hbm>>
      %dma_start3A_529 = tpu.memref_squeeze %dma_start3A_528 : memref<1x1x4x8x128xf32, #tpu.memory_space<hbm>> -> memref<4x8x128xf32, #tpu.memory_space<hbm>>
      %dma_start3A_530 = arith.constant 0 : i32
      %dma_start3A_531 = arith.constant 0 : i32
      %dma_start3A_532 = arith.constant 0 : i32
      %dma_start3A_533 = tpu.memref_slice %arg9[%dma_start3A_515, %dma_start3A_530, %dma_start3A_531, %dma_start3A_532] : memref<4x4x8x128xf32, #tpu.memory_space<vmem>> -> memref<1x4x8x128xf32, #tpu.memory_space<vmem>>
      %dma_start3A_534 = tpu.memref_squeeze %dma_start3A_533 : memref<1x4x8x128xf32, #tpu.memory_space<vmem>> -> memref<4x8x128xf32, #tpu.memory_space<vmem>>
      tpu.enqueue_dma source(%dma_start3A_534 : memref<4x8x128xf32, #tpu.memory_space<vmem>>) target(%dma_start3A_529 : memref<4x8x128xf32, #tpu.memory_space<hbm>>) target_semaphore(%arg13 : memref<!tpu.dma_semaphore, #tpu.memory_space<semaphore_mem>>)
      %mul3A_535 = arith.constant 4 : i32
      %mul3A_536 = arith.muli %select_n3A_468, %mul3A_535 : i32
      %dma_start3A_537 = arith.constant 3 : i32
      %dma_start3A_538 = arith.constant 3 : i32
      %dma_start3A_539 = arith.constant 0 : i32
      %dma_start3A_540 = arith.constant 0 : i32
      %dma_start3A_541 = arith.constant 0 : i32
      %dma_start3A_542 = tpu.memref_slice %arg9[%dma_start3A_537, %dma_start3A_539, %dma_start3A_540, %dma_start3A_541] : memref<4x4x8x128xf32, #tpu.memory_space<vmem>> -> memref<1x4x8x128xf32, #tpu.memory_space<vmem>>
      %dma_start3A_543 = tpu.memref_squeeze %dma_start3A_542 : memref<1x4x8x128xf32, #tpu.memory_space<vmem>> -> memref<4x8x128xf32, #tpu.memory_space<vmem>>
      %dma_start3A_544 = arith.constant 0 : i32
      %dma_start3A_545 = arith.constant 0 : i32
      %dma_start3A_546 = tpu.memref_slice %arg4[%select_n3A_452, %dma_start3A_538, %mul3A_536, %dma_start3A_544, %dma_start3A_545] : memref<200x4x32x8x128xf32, #tpu.memory_space<hbm>> -> memref<1x1x4x8x128xf32, #tpu.memory_space<hbm>>
      %dma_start3A_547 = tpu.memref_squeeze %dma_start3A_546 : memref<1x1x4x8x128xf32, #tpu.memory_space<hbm>> -> memref<4x8x128xf32, #tpu.memory_space<hbm>>
      %dma_start3A_548 = arith.constant 0 : i32
      %dma_start3A_549 = arith.constant 0 : i32
      %dma_start3A_550 = tpu.memref_slice %arg4[%select_n3A_452, %dma_start3A_538, %mul3A_536, %dma_start3A_548, %dma_start3A_549] : memref<200x4x32x8x128xf32, #tpu.memory_space<hbm>> -> memref<1x1x4x8x128xf32, #tpu.memory_space<hbm>>
      %dma_start3A_551 = tpu.memref_squeeze %dma_start3A_550 : memref<1x1x4x8x128xf32, #tpu.memory_space<hbm>> -> memref<4x8x128xf32, #tpu.memory_space<hbm>>
      %dma_start3A_552 = arith.constant 0 : i32
      %dma_start3A_553 = arith.constant 0 : i32
      %dma_start3A_554 = arith.constant 0 : i32
      %dma_start3A_555 = tpu.memref_slice %arg9[%dma_start3A_537, %dma_start3A_552, %dma_start3A_553, %dma_start3A_554] : memref<4x4x8x128xf32, #tpu.memory_space<vmem>> -> memref<1x4x8x128xf32, #tpu.memory_space<vmem>>
      %dma_start3A_556 = tpu.memref_squeeze %dma_start3A_555 : memref<1x4x8x128xf32, #tpu.memory_space<vmem>> -> memref<4x8x128xf32, #tpu.memory_space<vmem>>
      tpu.enqueue_dma source(%dma_start3A_556 : memref<4x8x128xf32, #tpu.memory_space<vmem>>) target(%dma_start3A_551 : memref<4x8x128xf32, #tpu.memory_space<hbm>>) target_semaphore(%arg13 : memref<!tpu.dma_semaphore, #tpu.memory_space<semaphore_mem>>)
    }
    %scan3A_74 = arith.constant 25 : i32
    %dma_wait3A = arith.constant 0 : i32
    %dma_wait3A_75 = arith.constant 0 : i32
    %dma_wait3A_76 = arith.constant 0 : i32
    %dma_wait3A_77 = arith.constant 0 : i32
    %dma_wait3A_78 = arith.constant 0 : i32
    %dma_wait3A_79 = arith.constant 0 : i32
    %dma_wait3A_80 = tpu.memref_slice %arg8[%dma_wait3A, %dma_wait3A_77, %dma_wait3A_78, %dma_wait3A_79] : memref<4x4x8x128xf32, #tpu.memory_space<vmem>> -> memref<1x4x8x128xf32, #tpu.memory_space<vmem>>
    %dma_wait3A_81 = tpu.memref_squeeze %dma_wait3A_80 : memref<1x4x8x128xf32, #tpu.memory_space<vmem>> -> memref<4x8x128xf32, #tpu.memory_space<vmem>>
    %dma_wait3A_82 = arith.constant 0 : i32
    %dma_wait3A_83 = arith.constant 0 : i32
    %dma_wait3A_84 = arith.constant 0 : i32
    %dma_wait3A_85 = tpu.memref_slice %arg4[%dma_wait3A_75, %dma_wait3A_76, %dma_wait3A_82, %dma_wait3A_83, %dma_wait3A_84] : memref<200x4x32x8x128xf32, #tpu.memory_space<hbm>> -> memref<1x1x4x8x128xf32, #tpu.memory_space<hbm>>
    %dma_wait3A_86 = tpu.memref_squeeze %dma_wait3A_85 : memref<1x1x4x8x128xf32, #tpu.memory_space<hbm>> -> memref<4x8x128xf32, #tpu.memory_space<hbm>>
    %dma_wait3A_87 = arith.constant 0 : i32
    %dma_wait3A_88 = arith.constant 0 : i32
    %dma_wait3A_89 = arith.constant 0 : i32
    %dma_wait3A_90 = tpu.memref_slice %arg4[%dma_wait3A_75, %dma_wait3A_76, %dma_wait3A_87, %dma_wait3A_88, %dma_wait3A_89] : memref<200x4x32x8x128xf32, #tpu.memory_space<hbm>> -> memref<1x1x4x8x128xf32, #tpu.memory_space<hbm>>
    %dma_wait3A_91 = tpu.memref_squeeze %dma_wait3A_90 : memref<1x1x4x8x128xf32, #tpu.memory_space<hbm>> -> memref<4x8x128xf32, #tpu.memory_space<hbm>>
    %dma_wait3A_92 = arith.constant 0 : i32
    %dma_wait3A_93 = arith.constant 0 : i32
    %dma_wait3A_94 = arith.constant 0 : i32
    %dma_wait3A_95 = tpu.memref_slice %arg8[%dma_wait3A, %dma_wait3A_92, %dma_wait3A_93, %dma_wait3A_94] : memref<4x4x8x128xf32, #tpu.memory_space<vmem>> -> memref<1x4x8x128xf32, #tpu.memory_space<vmem>>
    %dma_wait3A_96 = tpu.memref_squeeze %dma_wait3A_95 : memref<1x4x8x128xf32, #tpu.memory_space<vmem>> -> memref<4x8x128xf32, #tpu.memory_space<vmem>>
    tpu.wait_dma2 semaphore(%arg12 : memref<!tpu.dma_semaphore, #tpu.memory_space<semaphore_mem>>) src(%dma_wait3A_96 : memref<4x8x128xf32, #tpu.memory_space<vmem>>) dst(%dma_wait3A_91 : memref<4x8x128xf32, #tpu.memory_space<hbm>>)
    %dma_wait3A_97 = arith.constant 1 : i32
    %dma_wait3A_98 = arith.constant 0 : i32
    %dma_wait3A_99 = arith.constant 0 : i32
    %dma_wait3A_100 = arith.constant 0 : i32
    %dma_wait3A_101 = arith.constant 0 : i32
    %dma_wait3A_102 = arith.constant 0 : i32
    %dma_wait3A_103 = tpu.memref_slice %arg8[%dma_wait3A_97, %dma_wait3A_100, %dma_wait3A_101, %dma_wait3A_102] : memref<4x4x8x128xf32, #tpu.memory_space<vmem>> -> memref<1x4x8x128xf32, #tpu.memory_space<vmem>>
    %dma_wait3A_104 = tpu.memref_squeeze %dma_wait3A_103 : memref<1x4x8x128xf32, #tpu.memory_space<vmem>> -> memref<4x8x128xf32, #tpu.memory_space<vmem>>
    %dma_wait3A_105 = arith.constant 0 : i32
    %dma_wait3A_106 = arith.constant 0 : i32
    %dma_wait3A_107 = arith.constant 0 : i32
    %dma_wait3A_108 = tpu.memref_slice %arg4[%dma_wait3A_98, %dma_wait3A_99, %dma_wait3A_105, %dma_wait3A_106, %dma_wait3A_107] : memref<200x4x32x8x128xf32, #tpu.memory_space<hbm>> -> memref<1x1x4x8x128xf32, #tpu.memory_space<hbm>>
    %dma_wait3A_109 = tpu.memref_squeeze %dma_wait3A_108 : memref<1x1x4x8x128xf32, #tpu.memory_space<hbm>> -> memref<4x8x128xf32, #tpu.memory_space<hbm>>
    %dma_wait3A_110 = arith.constant 0 : i32
    %dma_wait3A_111 = arith.constant 0 : i32
    %dma_wait3A_112 = arith.constant 0 : i32
    %dma_wait3A_113 = tpu.memref_slice %arg4[%dma_wait3A_98, %dma_wait3A_99, %dma_wait3A_110, %dma_wait3A_111, %dma_wait3A_112] : memref<200x4x32x8x128xf32, #tpu.memory_space<hbm>> -> memref<1x1x4x8x128xf32, #tpu.memory_space<hbm>>
    %dma_wait3A_114 = tpu.memref_squeeze %dma_wait3A_113 : memref<1x1x4x8x128xf32, #tpu.memory_space<hbm>> -> memref<4x8x128xf32, #tpu.memory_space<hbm>>
    %dma_wait3A_115 = arith.constant 0 : i32
    %dma_wait3A_116 = arith.constant 0 : i32
    %dma_wait3A_117 = arith.constant 0 : i32
    %dma_wait3A_118 = tpu.memref_slice %arg8[%dma_wait3A_97, %dma_wait3A_115, %dma_wait3A_116, %dma_wait3A_117] : memref<4x4x8x128xf32, #tpu.memory_space<vmem>> -> memref<1x4x8x128xf32, #tpu.memory_space<vmem>>
    %dma_wait3A_119 = tpu.memref_squeeze %dma_wait3A_118 : memref<1x4x8x128xf32, #tpu.memory_space<vmem>> -> memref<4x8x128xf32, #tpu.memory_space<vmem>>
    tpu.wait_dma2 semaphore(%arg12 : memref<!tpu.dma_semaphore, #tpu.memory_space<semaphore_mem>>) src(%dma_wait3A_119 : memref<4x8x128xf32, #tpu.memory_space<vmem>>) dst(%dma_wait3A_114 : memref<4x8x128xf32, #tpu.memory_space<hbm>>)
    %dma_wait3A_120 = arith.constant 2 : i32
    %dma_wait3A_121 = arith.constant 0 : i32
    %dma_wait3A_122 = arith.constant 0 : i32
    %dma_wait3A_123 = arith.constant 0 : i32
    %dma_wait3A_124 = arith.constant 0 : i32
    %dma_wait3A_125 = arith.constant 0 : i32
    %dma_wait3A_126 = tpu.memref_slice %arg8[%dma_wait3A_120, %dma_wait3A_123, %dma_wait3A_124, %dma_wait3A_125] : memref<4x4x8x128xf32, #tpu.memory_space<vmem>> -> memref<1x4x8x128xf32, #tpu.memory_space<vmem>>
    %dma_wait3A_127 = tpu.memref_squeeze %dma_wait3A_126 : memref<1x4x8x128xf32, #tpu.memory_space<vmem>> -> memref<4x8x128xf32, #tpu.memory_space<vmem>>
    %dma_wait3A_128 = arith.constant 0 : i32
    %dma_wait3A_129 = arith.constant 0 : i32
    %dma_wait3A_130 = arith.constant 0 : i32
    %dma_wait3A_131 = tpu.memref_slice %arg4[%dma_wait3A_121, %dma_wait3A_122, %dma_wait3A_128, %dma_wait3A_129, %dma_wait3A_130] : memref<200x4x32x8x128xf32, #tpu.memory_space<hbm>> -> memref<1x1x4x8x128xf32, #tpu.memory_space<hbm>>
    %dma_wait3A_132 = tpu.memref_squeeze %dma_wait3A_131 : memref<1x1x4x8x128xf32, #tpu.memory_space<hbm>> -> memref<4x8x128xf32, #tpu.memory_space<hbm>>
    %dma_wait3A_133 = arith.constant 0 : i32
    %dma_wait3A_134 = arith.constant 0 : i32
    %dma_wait3A_135 = arith.constant 0 : i32
    %dma_wait3A_136 = tpu.memref_slice %arg4[%dma_wait3A_121, %dma_wait3A_122, %dma_wait3A_133, %dma_wait3A_134, %dma_wait3A_135] : memref<200x4x32x8x128xf32, #tpu.memory_space<hbm>> -> memref<1x1x4x8x128xf32, #tpu.memory_space<hbm>>
    %dma_wait3A_137 = tpu.memref_squeeze %dma_wait3A_136 : memref<1x1x4x8x128xf32, #tpu.memory_space<hbm>> -> memref<4x8x128xf32, #tpu.memory_space<hbm>>
    %dma_wait3A_138 = arith.constant 0 : i32
    %dma_wait3A_139 = arith.constant 0 : i32
    %dma_wait3A_140 = arith.constant 0 : i32
    %dma_wait3A_141 = tpu.memref_slice %arg8[%dma_wait3A_120, %dma_wait3A_138, %dma_wait3A_139, %dma_wait3A_140] : memref<4x4x8x128xf32, #tpu.memory_space<vmem>> -> memref<1x4x8x128xf32, #tpu.memory_space<vmem>>
    %dma_wait3A_142 = tpu.memref_squeeze %dma_wait3A_141 : memref<1x4x8x128xf32, #tpu.memory_space<vmem>> -> memref<4x8x128xf32, #tpu.memory_space<vmem>>
    tpu.wait_dma2 semaphore(%arg12 : memref<!tpu.dma_semaphore, #tpu.memory_space<semaphore_mem>>) src(%dma_wait3A_142 : memref<4x8x128xf32, #tpu.memory_space<vmem>>) dst(%dma_wait3A_137 : memref<4x8x128xf32, #tpu.memory_space<hbm>>)
    %dma_wait3A_143 = arith.constant 3 : i32
    %dma_wait3A_144 = arith.constant 0 : i32
    %dma_wait3A_145 = arith.constant 0 : i32
    %dma_wait3A_146 = arith.constant 0 : i32
    %dma_wait3A_147 = arith.constant 0 : i32
    %dma_wait3A_148 = arith.constant 0 : i32
    %dma_wait3A_149 = tpu.memref_slice %arg8[%dma_wait3A_143, %dma_wait3A_146, %dma_wait3A_147, %dma_wait3A_148] : memref<4x4x8x128xf32, #tpu.memory_space<vmem>> -> memref<1x4x8x128xf32, #tpu.memory_space<vmem>>
    %dma_wait3A_150 = tpu.memref_squeeze %dma_wait3A_149 : memref<1x4x8x128xf32, #tpu.memory_space<vmem>> -> memref<4x8x128xf32, #tpu.memory_space<vmem>>
    %dma_wait3A_151 = arith.constant 0 : i32
    %dma_wait3A_152 = arith.constant 0 : i32
    %dma_wait3A_153 = arith.constant 0 : i32
    %dma_wait3A_154 = tpu.memref_slice %arg4[%dma_wait3A_144, %dma_wait3A_145, %dma_wait3A_151, %dma_wait3A_152, %dma_wait3A_153] : memref<200x4x32x8x128xf32, #tpu.memory_space<hbm>> -> memref<1x1x4x8x128xf32, #tpu.memory_space<hbm>>
    %dma_wait3A_155 = tpu.memref_squeeze %dma_wait3A_154 : memref<1x1x4x8x128xf32, #tpu.memory_space<hbm>> -> memref<4x8x128xf32, #tpu.memory_space<hbm>>
    %dma_wait3A_156 = arith.constant 0 : i32
    %dma_wait3A_157 = arith.constant 0 : i32
    %dma_wait3A_158 = arith.constant 0 : i32
    %dma_wait3A_159 = tpu.memref_slice %arg4[%dma_wait3A_144, %dma_wait3A_145, %dma_wait3A_156, %dma_wait3A_157, %dma_wait3A_158] : memref<200x4x32x8x128xf32, #tpu.memory_space<hbm>> -> memref<1x1x4x8x128xf32, #tpu.memory_space<hbm>>
    %dma_wait3A_160 = tpu.memref_squeeze %dma_wait3A_159 : memref<1x1x4x8x128xf32, #tpu.memory_space<hbm>> -> memref<4x8x128xf32, #tpu.memory_space<hbm>>
    %dma_wait3A_161 = arith.constant 0 : i32
    %dma_wait3A_162 = arith.constant 0 : i32
    %dma_wait3A_163 = arith.constant 0 : i32
    %dma_wait3A_164 = tpu.memref_slice %arg8[%dma_wait3A_143, %dma_wait3A_161, %dma_wait3A_162, %dma_wait3A_163] : memref<4x4x8x128xf32, #tpu.memory_space<vmem>> -> memref<1x4x8x128xf32, #tpu.memory_space<vmem>>
    %dma_wait3A_165 = tpu.memref_squeeze %dma_wait3A_164 : memref<1x4x8x128xf32, #tpu.memory_space<vmem>> -> memref<4x8x128xf32, #tpu.memory_space<vmem>>
    tpu.wait_dma2 semaphore(%arg12 : memref<!tpu.dma_semaphore, #tpu.memory_space<semaphore_mem>>) src(%dma_wait3A_165 : memref<4x8x128xf32, #tpu.memory_space<vmem>>) dst(%dma_wait3A_160 : memref<4x8x128xf32, #tpu.memory_space<hbm>>)
    %dma_wait3A_166 = arith.constant 0 : i32
    %dma_wait3A_167 = arith.constant 0 : i32
    %dma_wait3A_168 = arith.constant 0 : i32
    %dma_wait3A_169 = arith.constant 0 : i32
    %dma_wait3A_170 = arith.constant 0 : i32
    %dma_wait3A_171 = arith.constant 0 : i32
    %dma_wait3A_172 = tpu.memref_slice %arg9[%dma_wait3A_166, %dma_wait3A_169, %dma_wait3A_170, %dma_wait3A_171] : memref<4x4x8x128xf32, #tpu.memory_space<vmem>> -> memref<1x4x8x128xf32, #tpu.memory_space<vmem>>
    %dma_wait3A_173 = tpu.memref_squeeze %dma_wait3A_172 : memref<1x4x8x128xf32, #tpu.memory_space<vmem>> -> memref<4x8x128xf32, #tpu.memory_space<vmem>>
    %dma_wait3A_174 = arith.constant 0 : i32
    %dma_wait3A_175 = arith.constant 0 : i32
    %dma_wait3A_176 = arith.constant 0 : i32
    %dma_wait3A_177 = tpu.memref_slice %arg4[%dma_wait3A_167, %dma_wait3A_168, %dma_wait3A_174, %dma_wait3A_175, %dma_wait3A_176] : memref<200x4x32x8x128xf32, #tpu.memory_space<hbm>> -> memref<1x1x4x8x128xf32, #tpu.memory_space<hbm>>
    %dma_wait3A_178 = tpu.memref_squeeze %dma_wait3A_177 : memref<1x1x4x8x128xf32, #tpu.memory_space<hbm>> -> memref<4x8x128xf32, #tpu.memory_space<hbm>>
    %dma_wait3A_179 = arith.constant 0 : i32
    %dma_wait3A_180 = arith.constant 0 : i32
    %dma_wait3A_181 = arith.constant 0 : i32
    %dma_wait3A_182 = tpu.memref_slice %arg4[%dma_wait3A_167, %dma_wait3A_168, %dma_wait3A_179, %dma_wait3A_180, %dma_wait3A_181] : memref<200x4x32x8x128xf32, #tpu.memory_space<hbm>> -> memref<1x1x4x8x128xf32, #tpu.memory_space<hbm>>
    %dma_wait3A_183 = tpu.memref_squeeze %dma_wait3A_182 : memref<1x1x4x8x128xf32, #tpu.memory_space<hbm>> -> memref<4x8x128xf32, #tpu.memory_space<hbm>>
    %dma_wait3A_184 = arith.constant 0 : i32
    %dma_wait3A_185 = arith.constant 0 : i32
    %dma_wait3A_186 = arith.constant 0 : i32
    %dma_wait3A_187 = tpu.memref_slice %arg9[%dma_wait3A_166, %dma_wait3A_184, %dma_wait3A_185, %dma_wait3A_186] : memref<4x4x8x128xf32, #tpu.memory_space<vmem>> -> memref<1x4x8x128xf32, #tpu.memory_space<vmem>>
    %dma_wait3A_188 = tpu.memref_squeeze %dma_wait3A_187 : memref<1x4x8x128xf32, #tpu.memory_space<vmem>> -> memref<4x8x128xf32, #tpu.memory_space<vmem>>
    tpu.wait_dma2 semaphore(%arg13 : memref<!tpu.dma_semaphore, #tpu.memory_space<semaphore_mem>>) src(%dma_wait3A_188 : memref<4x8x128xf32, #tpu.memory_space<vmem>>) dst(%dma_wait3A_183 : memref<4x8x128xf32, #tpu.memory_space<hbm>>)
    %dma_wait3A_189 = arith.constant 1 : i32
    %dma_wait3A_190 = arith.constant 0 : i32
    %dma_wait3A_191 = arith.constant 0 : i32
    %dma_wait3A_192 = arith.constant 0 : i32
    %dma_wait3A_193 = arith.constant 0 : i32
    %dma_wait3A_194 = arith.constant 0 : i32
    %dma_wait3A_195 = tpu.memref_slice %arg9[%dma_wait3A_189, %dma_wait3A_192, %dma_wait3A_193, %dma_wait3A_194] : memref<4x4x8x128xf32, #tpu.memory_space<vmem>> -> memref<1x4x8x128xf32, #tpu.memory_space<vmem>>
    %dma_wait3A_196 = tpu.memref_squeeze %dma_wait3A_195 : memref<1x4x8x128xf32, #tpu.memory_space<vmem>> -> memref<4x8x128xf32, #tpu.memory_space<vmem>>
    %dma_wait3A_197 = arith.constant 0 : i32
    %dma_wait3A_198 = arith.constant 0 : i32
    %dma_wait3A_199 = arith.constant 0 : i32
    %dma_wait3A_200 = tpu.memref_slice %arg4[%dma_wait3A_190, %dma_wait3A_191, %dma_wait3A_197, %dma_wait3A_198, %dma_wait3A_199] : memref<200x4x32x8x128xf32, #tpu.memory_space<hbm>> -> memref<1x1x4x8x128xf32, #tpu.memory_space<hbm>>
    %dma_wait3A_201 = tpu.memref_squeeze %dma_wait3A_200 : memref<1x1x4x8x128xf32, #tpu.memory_space<hbm>> -> memref<4x8x128xf32, #tpu.memory_space<hbm>>
    %dma_wait3A_202 = arith.constant 0 : i32
    %dma_wait3A_203 = arith.constant 0 : i32
    %dma_wait3A_204 = arith.constant 0 : i32
    %dma_wait3A_205 = tpu.memref_slice %arg4[%dma_wait3A_190, %dma_wait3A_191, %dma_wait3A_202, %dma_wait3A_203, %dma_wait3A_204] : memref<200x4x32x8x128xf32, #tpu.memory_space<hbm>> -> memref<1x1x4x8x128xf32, #tpu.memory_space<hbm>>
    %dma_wait3A_206 = tpu.memref_squeeze %dma_wait3A_205 : memref<1x1x4x8x128xf32, #tpu.memory_space<hbm>> -> memref<4x8x128xf32, #tpu.memory_space<hbm>>
    %dma_wait3A_207 = arith.constant 0 : i32
    %dma_wait3A_208 = arith.constant 0 : i32
    %dma_wait3A_209 = arith.constant 0 : i32
    %dma_wait3A_210 = tpu.memref_slice %arg9[%dma_wait3A_189, %dma_wait3A_207, %dma_wait3A_208, %dma_wait3A_209] : memref<4x4x8x128xf32, #tpu.memory_space<vmem>> -> memref<1x4x8x128xf32, #tpu.memory_space<vmem>>
    %dma_wait3A_211 = tpu.memref_squeeze %dma_wait3A_210 : memref<1x4x8x128xf32, #tpu.memory_space<vmem>> -> memref<4x8x128xf32, #tpu.memory_space<vmem>>
    tpu.wait_dma2 semaphore(%arg13 : memref<!tpu.dma_semaphore, #tpu.memory_space<semaphore_mem>>) src(%dma_wait3A_211 : memref<4x8x128xf32, #tpu.memory_space<vmem>>) dst(%dma_wait3A_206 : memref<4x8x128xf32, #tpu.memory_space<hbm>>)
    %dma_wait3A_212 = arith.constant 2 : i32
    %dma_wait3A_213 = arith.constant 0 : i32
    %dma_wait3A_214 = arith.constant 0 : i32
    %dma_wait3A_215 = arith.constant 0 : i32
    %dma_wait3A_216 = arith.constant 0 : i32
    %dma_wait3A_217 = arith.constant 0 : i32
    %dma_wait3A_218 = tpu.memref_slice %arg9[%dma_wait3A_212, %dma_wait3A_215, %dma_wait3A_216, %dma_wait3A_217] : memref<4x4x8x128xf32, #tpu.memory_space<vmem>> -> memref<1x4x8x128xf32, #tpu.memory_space<vmem>>
    %dma_wait3A_219 = tpu.memref_squeeze %dma_wait3A_218 : memref<1x4x8x128xf32, #tpu.memory_space<vmem>> -> memref<4x8x128xf32, #tpu.memory_space<vmem>>
    %dma_wait3A_220 = arith.constant 0 : i32
    %dma_wait3A_221 = arith.constant 0 : i32
    %dma_wait3A_222 = arith.constant 0 : i32
    %dma_wait3A_223 = tpu.memref_slice %arg4[%dma_wait3A_213, %dma_wait3A_214, %dma_wait3A_220, %dma_wait3A_221, %dma_wait3A_222] : memref<200x4x32x8x128xf32, #tpu.memory_space<hbm>> -> memref<1x1x4x8x128xf32, #tpu.memory_space<hbm>>
    %dma_wait3A_224 = tpu.memref_squeeze %dma_wait3A_223 : memref<1x1x4x8x128xf32, #tpu.memory_space<hbm>> -> memref<4x8x128xf32, #tpu.memory_space<hbm>>
    %dma_wait3A_225 = arith.constant 0 : i32
    %dma_wait3A_226 = arith.constant 0 : i32
    %dma_wait3A_227 = arith.constant 0 : i32
    %dma_wait3A_228 = tpu.memref_slice %arg4[%dma_wait3A_213, %dma_wait3A_214, %dma_wait3A_225, %dma_wait3A_226, %dma_wait3A_227] : memref<200x4x32x8x128xf32, #tpu.memory_space<hbm>> -> memref<1x1x4x8x128xf32, #tpu.memory_space<hbm>>
    %dma_wait3A_229 = tpu.memref_squeeze %dma_wait3A_228 : memref<1x1x4x8x128xf32, #tpu.memory_space<hbm>> -> memref<4x8x128xf32, #tpu.memory_space<hbm>>
    %dma_wait3A_230 = arith.constant 0 : i32
    %dma_wait3A_231 = arith.constant 0 : i32
    %dma_wait3A_232 = arith.constant 0 : i32
    %dma_wait3A_233 = tpu.memref_slice %arg9[%dma_wait3A_212, %dma_wait3A_230, %dma_wait3A_231, %dma_wait3A_232] : memref<4x4x8x128xf32, #tpu.memory_space<vmem>> -> memref<1x4x8x128xf32, #tpu.memory_space<vmem>>
    %dma_wait3A_234 = tpu.memref_squeeze %dma_wait3A_233 : memref<1x4x8x128xf32, #tpu.memory_space<vmem>> -> memref<4x8x128xf32, #tpu.memory_space<vmem>>
    tpu.wait_dma2 semaphore(%arg13 : memref<!tpu.dma_semaphore, #tpu.memory_space<semaphore_mem>>) src(%dma_wait3A_234 : memref<4x8x128xf32, #tpu.memory_space<vmem>>) dst(%dma_wait3A_229 : memref<4x8x128xf32, #tpu.memory_space<hbm>>)
    %dma_wait3A_235 = arith.constant 3 : i32
    %dma_wait3A_236 = arith.constant 0 : i32
    %dma_wait3A_237 = arith.constant 0 : i32
    %dma_wait3A_238 = arith.constant 0 : i32
    %dma_wait3A_239 = arith.constant 0 : i32
    %dma_wait3A_240 = arith.constant 0 : i32
    %dma_wait3A_241 = tpu.memref_slice %arg9[%dma_wait3A_235, %dma_wait3A_238, %dma_wait3A_239, %dma_wait3A_240] : memref<4x4x8x128xf32, #tpu.memory_space<vmem>> -> memref<1x4x8x128xf32, #tpu.memory_space<vmem>>
    %dma_wait3A_242 = tpu.memref_squeeze %dma_wait3A_241 : memref<1x4x8x128xf32, #tpu.memory_space<vmem>> -> memref<4x8x128xf32, #tpu.memory_space<vmem>>
    %dma_wait3A_243 = arith.constant 0 : i32
    %dma_wait3A_244 = arith.constant 0 : i32
    %dma_wait3A_245 = arith.constant 0 : i32
    %dma_wait3A_246 = tpu.memref_slice %arg4[%dma_wait3A_236, %dma_wait3A_237, %dma_wait3A_243, %dma_wait3A_244, %dma_wait3A_245] : memref<200x4x32x8x128xf32, #tpu.memory_space<hbm>> -> memref<1x1x4x8x128xf32, #tpu.memory_space<hbm>>
    %dma_wait3A_247 = tpu.memref_squeeze %dma_wait3A_246 : memref<1x1x4x8x128xf32, #tpu.memory_space<hbm>> -> memref<4x8x128xf32, #tpu.memory_space<hbm>>
    %dma_wait3A_248 = arith.constant 0 : i32
    %dma_wait3A_249 = arith.constant 0 : i32
    %dma_wait3A_250 = arith.constant 0 : i32
    %dma_wait3A_251 = tpu.memref_slice %arg4[%dma_wait3A_236, %dma_wait3A_237, %dma_wait3A_248, %dma_wait3A_249, %dma_wait3A_250] : memref<200x4x32x8x128xf32, #tpu.memory_space<hbm>> -> memref<1x1x4x8x128xf32, #tpu.memory_space<hbm>>
    %dma_wait3A_252 = tpu.memref_squeeze %dma_wait3A_251 : memref<1x1x4x8x128xf32, #tpu.memory_space<hbm>> -> memref<4x8x128xf32, #tpu.memory_space<hbm>>
    %dma_wait3A_253 = arith.constant 0 : i32
    %dma_wait3A_254 = arith.constant 0 : i32
    %dma_wait3A_255 = arith.constant 0 : i32
    %dma_wait3A_256 = tpu.memref_slice %arg9[%dma_wait3A_235, %dma_wait3A_253, %dma_wait3A_254, %dma_wait3A_255] : memref<4x4x8x128xf32, #tpu.memory_space<vmem>> -> memref<1x4x8x128xf32, #tpu.memory_space<vmem>>
    %dma_wait3A_257 = tpu.memref_squeeze %dma_wait3A_256 : memref<1x4x8x128xf32, #tpu.memory_space<vmem>> -> memref<4x8x128xf32, #tpu.memory_space<vmem>>
    tpu.wait_dma2 semaphore(%arg13 : memref<!tpu.dma_semaphore, #tpu.memory_space<semaphore_mem>>) src(%dma_wait3A_257 : memref<4x8x128xf32, #tpu.memory_space<vmem>>) dst(%dma_wait3A_252 : memref<4x8x128xf32, #tpu.memory_space<hbm>>)
    return
  }
}

</mosaic_0001>

<sc_bundles>
// kernel: kernel.3.cloned.1.call-start
scs
__scs_entry_jumppad:
0x0: {  	(pc) =	sbr.rel $0x88, $3  }
0x1: {  	(tag) =	ssettag $0x0;
	lr =	simm.s32 $0x1  }
0x2: {  	[smem:$0x3F9F] =	sst lr;
	_ =	strace $0xD0000000  }
0x3: {  	_ = 	snop  }
0x4: {  	_ = 	snop  }
0x5: {  	_ = 	snop  }
0x6: {  	_ = 	snop  }
0x7: {  	_ = 	snop  }
__scs_overlays_trampoline_lowered:
0x8: {  	[smem:$0x3FAE] =	sst s0  }
0x9: {  	[smem:$0x3FAF] =	sst s1  }
0xa: {  	[smem:$0x3FB0] =	sst s2  }
0xb: {  	[smem:$0x3FB1] =	sst s3  }
0xc: {  	[smem:$0x3FB2] =	sst s4  }
0xd: {  	[smem:$0x3FB3] =	sst s5  }
0xe: {  	[smem:$0x3FB4] =	sst s6  }
0xf: {  	[smem:$0x3FB5] =	sst s7  }
0x10: {  	[smem:$0x3FB6] =	sst s8  }
0x11: {  	[smem:$0x3FB7] =	sst s9;
	s0 =	simm.s32 @!p0 $0x0  }
0x12: {  	s1 =	sld [smem:$0x3F9D];
	s0 =	simm.s32 @p0 $0x1  }
0x13: {  	[smem:$0x3FB8] =	sst s0;
	s0 =	simm.s32 @!p1 $0x0  }
0x14: {  	s2 =	sld [smem:$0x3F9C];
	s0 =	simm.s32 @p1 $0x1  }
0x15: {  	[smem:$0x3FB9] =	sst s0;
	s0 =	simm.s32 @!p2 $0x0  }
0x16: {  	s3 =	sld [smem:$0x3FDB];
	s0 =	simm.s32 @p2 $0x1  }
0x17: {  	s4 =	simm.s32 $0x1BF5;
	[smem:$0x3FBB] =	sst s0  }
0x18: {  	s0 =	sld [smem:$0x3F9E];
	_ =	swait.ge [sflag:s4], $0x0  }
0x19: {  	s7 =	sld [smem:$0x3F9F]  }
0x1a: {  	s8 =	sadd.s32 $0xFFFFE003, lr  }
0x1b: {  	s9 =	sadd.s32 $0xFFFFFEF7, lr;
	s5 =	simm.s32 $0xFFFFFFFF;
	p2 =	slt.u32 s8, $0xFFFFF086  }
0x1c: {  	p1 =	slt.u32 s9, $0xF7A;
	s5 =	simm.s32 @!p2 $0x0  }
0x1d: {  	s5 =	simm.s32 @p1 $0x1;
	p0 =	seq.s32 s7, s2  }
0x1e: {  	s7 =	smul.u32 @!p0 $0xF7A, s2;
	p2 =	seq.s32 @!p0 s5, $0x0  }
0x1f: {  	s9 =	smul.u32 $0xF7A, s1;
	s8 =	simm.s32 @!p0 $0x1BF5;
	p2 =	por !p2, p0  }
0x20: {  	[sflag:s8] =	ssyncset.s32 @!p0 $0xFFFFF086;
	s6 =	sadd.s32 @!p0 s3, s7;
	s7 =	simm.s32 @!p0 $0x108  }
0x21: {  	s3 =	sadd.s32 s3, s9;
	s6 =	sadd.s32 @!p0 $0x88, s6;
	s7 =	simm.s32 @p2 $0x1082  }
0x22: {  	[simem:s7], [sflag:s8] =	dma.local @!p0 [hbm:s6], $0xF7A  }
0x23: {  	s9 =	sor.u32 $0xD0000000, s2;
	s6 =	simm.s32 $0x108;
	_ =	swait.ge @!p0 [sflag:s8], $0x0  }
0x24: {  	s3 =	sadd.s32 $0x88, s3;
	s6 =	simm.s32 @!p1 $0x1082;
	[sflag:s4] =	ssyncset.s32 $0xFFFFF086  }
0x25: {  	[simem:s6], [sflag:s4] =	dma.local [hbm:s3], $0xF7A  }
0x26: {  	[smem:$0x3F9F] =	sst s1;
	(tag) =	ssettag s2;
	_ =	strace s9  }
0x27: {  	s1 =	sld [smem:$0x3FAF]  }
0x28: {  	s2 =	sld [smem:$0x3FB0]  }
0x29: {  	s4 =	sld [smem:$0x3FB2]  }
0x2a: {  	p0 =	seq.s32 s5, $0x0;
	s5 =	sld [smem:$0x3FB3]  }
0x2b: {  	s6 =	sld [smem:$0x3FB4]  }
0x2c: {  	s7 =	sld [smem:$0x3FB5]  }
0x2d: {  	s3 =	simm.s32 $0x108;
	s8 =	sld [smem:$0x3FB6]  }
0x2e: {  	s3 =	simm.s32 @!p0 $0x1082;
	s9 =	sld [smem:$0x3FB7]  }
0x2f: {  	lr =	sadd.s32 s0, s3;
	s0 =	sld [smem:$0x3FAE]  }
0x30: {  	s3 =	sld [smem:$0x3FB1]  }
0x31: {  	[smem:$0x3FBA] =	sst s10  }
0x32: {  	s10 =	sld [smem:$0x3FB8];
	_ =	sdelay $0x3  }
0x33: {  	p0 =	seq.s32 s10, $0x1;
	s10 =	sld [smem:$0x3FBA];
	_ =	sdelay $0x3  }
0x34: {  	[smem:$0x3FBA] =	sst s10  }
0x35: {  	s10 =	sld [smem:$0x3FB9];
	_ =	sdelay $0x3  }
0x36: {  	p1 =	seq.s32 s10, $0x1;
	s10 =	sld [smem:$0x3FBA];
	_ =	sdelay $0x3  }
0x37: {  	[smem:$0x3FBA] =	sst s10  }
0x38: {  	s10 =	sld [smem:$0x3FBB]  }
0x39: {  	_ = 	snop;
	(pc) =	sbr.ind lr, $3  }
0x3a: {  	_ = 	snop  }
0x3b: {  	_ = 	snop  }
0x3c: {  	p2 =	seq.s32 s10, $0x1;
	s10 =	sld [smem:$0x3FBA]  }
0x3d: {  	_ =	shalt  }
0x3e: {  	_ =	shalt  }
0x3f: {  	_ =	shalt  }
0x40: {  	_ =	shalt  }
0x41: {  	_ =	shalt  }
0x42: {  	_ =	shalt  }
0x43: {  	_ =	shalt  }
0x44: {  	_ =	shalt  }
0x45: {  	_ =	shalt  }
0x46: {  	_ =	shalt  }
0x47: {  	_ =	shalt  }
0x48: {  	_ =	shalt  }
0x49: {  	_ =	shalt  }
0x4a: {  	_ =	shalt  }
0x4b: {  	_ =	shalt  }
0x4c: {  	_ =	shalt  }
0x4d: {  	_ =	shalt  }
0x4e: {  	_ =	shalt  }
0x4f: {  	_ =	shalt  }
0x50: {  	_ =	shalt  }
0x51: {  	_ =	shalt  }
0x52: {  	_ =	shalt  }
0x53: {  	_ =	shalt  }
0x54: {  	_ =	shalt  }
0x55: {  	_ =	shalt  }
0x56: {  	_ =	shalt  }
0x57: {  	_ =	shalt  }
0x58: {  	_ =	shalt  }
0x59: {  	_ =	shalt  }
0x5a: {  	_ =	shalt  }
0x5b: {  	_ =	shalt  }
0x5c: {  	_ =	shalt  }
0x5d: {  	_ =	shalt  }
0x5e: {  	_ =	shalt  }
0x5f: {  	_ =	shalt  }
0x60: {  	_ =	shalt  }
0x61: {  	_ =	shalt  }
0x62: {  	_ =	shalt  }
0x63: {  	_ =	shalt  }
0x64: {  	_ =	shalt  }
0x65: {  	_ =	shalt  }
0x66: {  	_ =	shalt  }
0x67: {  	_ =	shalt  }
0x68: {  	_ =	shalt  }
0x69: {  	_ =	shalt  }
0x6a: {  	_ =	shalt  }
0x6b: {  	_ =	shalt  }
0x6c: {  	_ =	shalt  }
0x6d: {  	_ =	shalt  }
0x6e: {  	_ =	shalt  }
0x6f: {  	_ =	shalt  }
0x70: {  	_ =	shalt  }
0x71: {  	_ =	shalt  }
0x72: {  	_ =	shalt  }
0x73: {  	_ =	shalt  }
0x74: {  	_ =	shalt  }
0x75: {  	_ =	shalt  }
0x76: {  	_ =	shalt  }
0x77: {  	_ =	shalt  }
0x78: {  	_ =	shalt  }
0x79: {  	_ =	shalt  }
0x7a: {  	_ =	shalt  }
0x7b: {  	_ =	shalt  }
0x7c: {  	_ =	shalt  }
0x7d: {  	_ =	shalt  }
0x7e: {  	_ =	shalt  }
0x7f: {  	_ =	shalt  }
0x80: {  	_ =	shalt  }
0x81: {  	_ =	shalt  }
0x82: {  	_ =	shalt  }
0x83: {  	_ =	shalt  }
0x84: {  	_ =	shalt  }
0x85: {  	_ =	shalt  }
0x86: {  	_ =	shalt  }
0x87: {  	_ =	shalt  }
.Lfunc_end0:
.L_simem_size_0:
called_computation_lowered:
.L_overlay_start_0:
0x88: {  	s2 =	sld [smem:$0x3FD9]  }
0x89: {  	s3 =	sld [smem:$0x3FFE];
	_ =	sdelay $0x1  }
0x8a: {  	s1 =	srdreg.scid  }
0x8b: {  	s0 =	sand.u32 $0x1, s1  }
0x8c: {  	s17 =	sshll.u32 s0, $0xA;
	s2 =	sadd.s32 s3, s2  }
0x8d: {  	s2 =	sadd.s32 s2, s17  }
0x8e: {  	[smem:$0x3FC6] =	sst s2  }
0x8f: {  	_ = 	snop  }
0x90: {  	s2 =	sld [smem:$0x3FD0];
	(tm) =	ssettm $0x1  }
0x91: {  	s18 =	sld [smem:$0x3FFB];
	_ =	sdelay $0x3  }
0x92: {  	_ =	strace s18  }
0x93: {  	s3 =	sld [smem:$0x3FFC];
	_ =	sdelay $0x3  }
0x94: {  	_ =	strace s3  }
0x95: {  	s3 =	sld [smem:$0x3FFD];
	_ =	sdelay $0x3  }
0x96: {  	_ =	strace s3  }
0x97: {  	_ =	strace $0x8FFFFFFF  }
0x98: {  	s19 =	sld [smem:$0x3FDB];
	_ =	sdelay $0x1  }
0x99: {  	s4 =	simm.s32 $_scs_section_size  }
0x9a: {  	s5 =	simm.s32 $_size__tile_overlayer_lowered;
	s6 =	simm.s32 $_tile_overlayer_lowered  }
0x9b: {  	s22 =	simm.s32 $0x1BFF;
	s21 =	sshll.u32 s6, $0x1;
	s3 =	sadd.s32 s4, s19  }
0x9c: {  	s7 =	simm.s32 $0x0;
	s20 =	sshll.u32 s5, $0x1;
	s5 =	sadd.s32 s21, s3  }
0x9d: {  	[timem:s7], [sflag:s22] =	dma.local [hbm:s5], s20  }
0x9e: {  	_ =	swait.ge [sflag:s22], s20  }
0x9f: {  	s4 =	ssub.s32 $0x0, s20;
	[sflag:s22] =	ssyncset.done $0x0  }
0xa0: {  	[sflag:s22] =	ssyncadd.s32 s4;
	_ =	sdelay $0x1  }
0xa1: {  	s23 =	simm.s32 $0x1B8B  }
0xa2: {  	_ =	swait.ge [sflag:s23], $0x1  }
0xa3: {  	[sflag:s23] =	ssyncset.done $0x0  }
0xa4: {  	s25 =	simm.s32 $0x1B8E;
	s24 =	sld [smem:$0x3FFE];
	[sflag:s23] =	ssyncadd.s32 $0xFFFFFFFF  }
0xa5: {  	s26 =	simm.s32 $execute0_lowered;
	[smem:$0x3FD2] =	sst s25  }
0xa6: {  	s5 =	sshll.u32 s26, $0x1;
	_ =	strace $0x80000046;
	[dreg:$0x1] =	wrdreg $0xFFFFFFFF  }
0xa7: {  	s28 =	simm.s32 $_size_execute0_lowered;
	s3 =	sadd.s32 s3, s5;
	[dreg:$0x0] =	wrdreg $0x0  }
0xa8: {  	s5 =	sshll.u32 s28, $0x1;
	[dreg:$0x2] =	wrdreg s3  }
0xa9: {  	[dreg:$0x3] =	wrdreg s5  }
0xaa: {  	[dreg:$0x4] =	wrdreg $0xC0  }
0xab: {  	_ =	task [dreg:s7], $0x5FFFF  }
0xac: {  	[dreg:$0x1] =	wrdreg $0xFFFFFFFF  }
0xad: {  	[dreg:$0x0] =	wrdreg $0x60  }
0xae: {  	[dreg:$0x2] =	wrdreg s24  }
0xaf: {  	[dreg:$0x3] =	wrdreg s2  }
0xb0: {  	[dreg:$0x4] =	wrdreg $0x9  }
0xb1: {  	_ =	task.clear_ibuf [dreg:s7], $0x5FFFF;
	_ =	strace $0x90000046  }
0xb2: {  	s29 =	simm.s32 $0x9;
	_ =	strace $0x80000048  }
0xb3: {  	_ =	swait.ge [sflag:s29], $0x1  }
0xb4: {  	[sflag:s29] =	ssyncadd.s32 $0xFFFFFFFF  }
0xb5: {  	_ =	strace $0x90000048  }
0xb6: {  	_ =	sfence  }
0xb7: {  	s30 =	sld [smem:$0x0];
	_ =	sdelay $0x2  }
0xb8: {  	s31 =	sshll.u32 s1, $0xD;
	s1 =	sshrl.u32 s1, $0x2  }
0xb9: {  	s3 =	sand.u32 $0x4000, s31;
	s1 =	sadd.s32 s1, s30  }
0xba: {  	s0 =	sor.u32 s3, s0;
	s1 =	sshll.u32 s1, $0x11  }
0xbb: {  	s0 =	sor.u32 s1, s0  }
0xbc: {  	s0 =	sadd.s32 $0x8F2B, s0  }
0xbd: {  	[sflag:s0] =	ssyncadd.remote.s32 $0x1  }
0xbe: {  	_ =	sfence.sel $0xFFFF  }
0xbf: {  	[dreg:$0x0] =	wrdreg $0xFFFFFFFF;
	(pc) =	sbr.abs _section_cstart, $3  }
0xc0: {  	[dreg:$0x1] =	wrdreg $0xFFFFFFFF  }
0xc1: {  	_ =	task.clear_ibuf [dreg:s7], $0x2FFFF;
	_ =	strace $0x9FFFFFFF  }
0xc2: {  	(tm) =	ssettm $0x7FFFFFFF  }
0xc3: {  	_ =	shalt  }
tec
execute0_lowered:
.L_overlay_start_1:
0x0: {  	(tag) =	ssettag $0x1  }
0x1: {  	s0 =	rddreg [dreg:$0x0]  }
0x2: {  	s1 =	srdreg.scid;
	s2 =	stileid.u32  }
0x3: {  	s4 =	rddreg [dreg:$0x1];
	s3 =	simm.s32 $0x0;
	s1 =	sand.u32 $0x1, s1  }
0x4: {  	s2 =	sshll.u32 s2, $0x1;
	[smem:$0x7FF] =	sst s3;
	s29 =	sadd.s32 $0x1000, s4  }
0x5: {  	s30 =	sadd.s32 $0x2000, s4;
	s31 =	sadd.s32 $0x3000, s4;
	s2 =	sor.u32 s1, s2  }
0x6: {  	_ =	strace $0x80000047;
	[smem:$0x7FA] =	sst s29;
	s24 =	smul.u32 $0xC80, s2  }
0x7: {  	s1 =	ssub.s32 $0x2, s1;
	[smem:$0x7FB] =	sst s30;
	s28 =	smul.u32 $0x32, s2  }
0x8: {  	[smem:$0x7FC] =	sst s31;
	s25 =	sshrl.u32 s1, $0x1  }
0x9: {  	v0 =	vlaneseq.u32;
	s3 =	sadd.s32 s24, s0;
	s0 =	sadd.s32 $0xF42A00, s0;
	[smem:$0x7F9] =	sst s28  }
0xa: {  	v53 =	vmul.u32 $0x20, v0;
	[smem:$0x7F7] =	sst s0;
	s0 =	ssub.s32 s1, s25;
	s26 =	sadd.s32 $0x600, s3  }
0xb: {  	s13 =	simm.s32 $0x6400;
	[smem:$0x7F8] =	sst s26;
	s0 =	smax.u32 s0, $0x1  }
0xc: {  	s14 =	simm.s32 $0xA400;
	s2 =	simm.s32 $0x0;
	[tilespmem:$0x1FFF0] =	vst v53;
	[smem:$0x7FD] =	sst s0  }
.LBB2_1:
0xd: {  	s1 =	sld [smem:$0x7F8];
	_ =	sdelay $0x1  }
0xe: {  	[smem:$0x7F6] =	sst s2;
	s0 =	simm.s32 $0x0;
	s29 =	simm.s32 $0x5  }
0xf: {  	[tilespmem:s0], [sflag:$0x5] =	stream.linear.gather [hbm4b:s1+s0], $0x6400, $0x38;
	[tilespmem:$0x16400] =	vst v63  }
0x10: {  	_ =	swait.ge [sflag:s29], $0x6400  }
0x11: {  	s30 =	sld [smem:$0x7F7]  }
0x12: {  	[sflag:s29] =	ssyncset.done $0x0  }
0x13: {  	s31 =	simm.s32 $0x200;
	[sflag:s29] =	ssyncadd.s32 $0xFFFF9C00  }
0x14: {  	[tilespmem:s13], [sflag:$0x1] =	stream.indirect.gather [hbm4b:s30+s31], $0x20, s0, s31, $0xb8;
	[tilespmem:$0x16400] =	vst v63  }
0x15: {  	s0 =	simm.s32 $0x0  }
.LBB2_2:
0x16: {  	s1 =	sshllo.u32 s0, $0x1;
	s3 =	smov.u32 s0;
	s12 =	sld [smem:$0x7F7]  }
0x17: {  	[smem:$0x7F4] =	sst s0;
	s2 =	simm.s32 $0x200;
	s11 =	sshll.u32 s1, $0x9  }
0x18: {  	s15 =	simm.s32 $0x1;
	[smem:$0x7D2] =	sst s1;
	s0 =	sand.u32 $0x3FFFFE00, s11  }
0x19: {  	[tilespmem:s14], [sflag:$0x2] =	stream.indirect.gather [hbm4b:s12+s2], $0x20, s0, s2, $0xb8;
	[tilespmem:$0x16400] =	vst v63  }
0x1a: {  	_ =	swait.ge [sflag:s15], $0x4000  }
0x1b: {  	p0 =	seq.s32 s3, $0x0;
	[sflag:s15] =	ssyncset.done $0x0  }
0x1c: {  	s2 =	simm.s32 @!p0 $0x3;
	[sflag:s15] =	ssyncadd.s32 $0xFFFFC000  }
0x1d: {  	_ =	swait.ge @!p0 [sflag:s2], $0x1000  }
0x1e: {  	s16 =	simm.s32 $0x0;
	[sflag:s2] =	ssyncset.done @!p0 $0x0  }
0x1f: {  	s17 =	simm.s32 $0x0;
	s24 =	sand.u32 $0x60, s16;
	[sflag:s2] =	ssyncadd.s32 @!p0 $0xFFFFF000  }
0x20: {  	s1 =	sor.u32 $0x10, s24;
	s0 =	sand.u32 $0xFFFFFF80, s17;
	_ =	swait.ge @!p0 [sflag:s2], $0x1000  }
0x21: {  	s18 =	sor.u32 s0, s1;
	[sflag:s2] =	ssyncset.done @!p0 $0x0  }
0x22: {  	v1 =	vmov s18;
	[sflag:s2] =	ssyncadd.s32 @!p0 $0xFFFFF000  }
0x23: {  	v1 =	vshll.u32 v1, $0x5;
	_ =	swait.ge @!p0 [sflag:s2], $0x1000  }
0x24: {  	v2 =	vor.u32 v53, v1;
	[sflag:s2] =	ssyncset.done @!p0 $0x0  }
0x25: {  	v1 =	vor.u32 $0x1, v2;
	[sflag:s2] =	ssyncadd.s32 @!p0 $0xFFFFF000  }
0x26: {  	v3 =	vor.u32 $0x2, v2;
	_ =	swait.ge @!p0 [sflag:s2], $0x1000  }
0x27: {  	v4 =	vor.u32 $0x3, v2;
	[sflag:s2] =	ssyncset.done @!p0 $0x0  }
0x28: {  	v5 =	vor.u32 $0x4, v2;
	[sflag:s2] =	ssyncadd.s32 @!p0 $0xFFFFF000  }
0x29: {  	v7 =	vor.u32 $0x5, v2;
	v6 =	vld.idx.msk [tilespmem:v2+s13+$0x0], $0xffff  }
0x2a: {  	v8 =	vor.u32 $0x6, v2;
	v1 =	vld.idx.msk [tilespmem:v1+s13+$0x0], $0xffff  }
0x2b: {  	v9 =	vor.u32 $0x7, v2;
	v3 =	vld.idx.msk [tilespmem:v3+s13+$0x0], $0xffff  }
0x2c: {  	s19 =	simm.s32 $0x0;
	v4 =	vld.idx.msk [tilespmem:v4+s13+$0x0], $0xffff  }
0x2d: {  	s3 =	sand.u32 $0x3FFFFC00, s19;
	v5 =	vld.idx.msk [tilespmem:v5+s13+$0x0], $0xffff  }
0x2e: {  	s6 =	sadd.s32 $0xE400, s3;
	v7 =	vld.idx.msk [tilespmem:v7+s13+$0x0], $0xffff  }
0x2f: {  	s20 =	sor.u32 s1, s6;
	v8 =	vld.idx.msk [tilespmem:v8+s13+$0x0], $0xffff  }
0x30: {  	v9 =	vld.idx.msk [tilespmem:v9+s13+$0x0], $0xffff;
	[tilespmem:s20+$0x0] =	vst v6  }
0x31: {  	[tilespmem:s20+$0x80] =	vst v1  }
0x32: {  	[tilespmem:s20+$0x100] =	vst v3  }
0x33: {  	v58 =	vor.u32 $0x8, v2;
	[tilespmem:s20+$0x180] =	vst v4  }
0x34: {  	v59 =	vor.u32 $0x9, v2;
	[tilespmem:s20+$0x200] =	vst v5  }
0x35: {  	v60 =	vor.u32 $0xA, v2;
	[tilespmem:s20+$0x280] =	vst v7  }
0x36: {  	v61 =	vor.u32 $0xB, v2;
	[tilespmem:s20+$0x300] =	vst v8  }
0x37: {  	[tilespmem:s20+$0x380] =	vst v9;
	v6 =	vor.u32 $0xC, v2  }
0x38: {  	v7 =	vor.u32 $0xD, v2;
	v1 =	vld.idx.msk [tilespmem:v58+s13+$0x0], $0xffff  }
0x39: {  	v8 =	vor.u32 $0xE, v2;
	v3 =	vld.idx.msk [tilespmem:v59+s13+$0x0], $0xffff  }
0x3a: {  	v9 =	vor.u32 $0xF, v2;
	v4 =	vld.idx.msk [tilespmem:v60+s13+$0x0], $0xffff  }
0x3b: {  	v5 =	vld.idx.msk [tilespmem:v61+s13+$0x0], $0xffff  }
0x3c: {  	v6 =	vld.idx.msk [tilespmem:v6+s13+$0x0], $0xffff  }
0x3d: {  	s30 =	sadd.s32 $0xF400, s3;
	v7 =	vld.idx.msk [tilespmem:v7+s13+$0x0], $0xffff  }
0x3e: {  	s29 =	sadd.s32 $0xF480, s3;
	s21 =	sor.u32 s1, s30;
	v8 =	vld.idx.msk [tilespmem:v8+s13+$0x0], $0xffff  }
0x3f: {  	s28 =	sadd.s32 $0xF500, s3;
	s22 =	sor.u32 s1, s29;
	v9 =	vld.idx.msk [tilespmem:v9+s13+$0x0], $0xffff;
	[tilespmem:s21+$0x0] =	vst v1  }
0x40: {  	s26 =	sadd.s32 $0xF580, s3;
	s23 =	sor.u32 s1, s28;
	[tilespmem:s22+$0x0] =	vst v3  }
0x41: {  	s25 =	sadd.s32 $0xF600, s3;
	s4 =	sor.u32 s1, s26;
	[tilespmem:s23+$0x0] =	vst v4  }
0x42: {  	s11 =	sadd.s32 $0xF680, s3;
	s5 =	sor.u32 s1, s25;
	v62 =	vor.u32 $0x10, v2;
	[tilespmem:s4+$0x0] =	vst v5  }
0x43: {  	s12 =	sadd.s32 $0xF700, s3;
	s7 =	sor.u32 s1, s11;
	v63 =	vor.u32 $0x11, v2;
	[tilespmem:s5+$0x0] =	vst v6  }
0x44: {  	s16 =	sadd.s32 $0xF780, s3;
	s8 =	sor.u32 s1, s12;
	v32 =	vor.u32 $0x12, v2;
	[tilespmem:s7+$0x0] =	vst v7  }
0x45: {  	s9 =	sor.u32 s1, s16;
	v33 =	vor.u32 $0x13, v2;
	[tilespmem:s8+$0x0] =	vst v8  }
0x46: {  	s0 =	sor.u32 s24, s0;
	v10 =	vor.u32 $0x17, v2;
	[tilespmem:s9+$0x0] =	vst v9  }
0x47: {  	v6 =	vor.u32 $0x14, v2;
	v7 =	vmov s0;
	v8 =	vld.idx.msk [tilespmem:v62+s13+$0x0], $0xffff  }
0x48: {  	v34 =	vshll.u32 v7, $0x5;
	v7 =	vor.u32 $0x16, v2;
	v3 =	vld.idx.msk [tilespmem:v63+s13+$0x0], $0xffff  }
0x49: {  	v9 =	vor.u32 $0x15, v2;
	v1 =	vor.u32 v53, v34;
	v4 =	vld.idx.msk [tilespmem:v32+s13+$0x0], $0xffff  }
0x4a: {  	v11 =	vor.u32 $0x1, v1;
	v5 =	vld.idx.msk [tilespmem:v33+s13+$0x0], $0xffff  }
0x4b: {  	v12 =	vor.u32 $0x2, v1;
	v10 =	vld.idx.msk [tilespmem:v10+s13+$0x0], $0xffff  }
0x4c: {  	v13 =	vor.u32 $0x3, v1;
	v6 =	vld.idx.msk [tilespmem:v6+s13+$0x0], $0xffff  }
0x4d: {  	s18 =	sadd.s32 $0x10400, s3;
	v14 =	vor.u32 $0x4, v1;
	v7 =	vld.idx.msk [tilespmem:v7+s13+$0x0], $0xffff  }
0x4e: {  	s10 =	sor.u32 s1, s18;
	s0 =	sadd.s32 $0x10480, s3;
	v15 =	vor.u32 $0x5, v1;
	v9 =	vld.idx.msk [tilespmem:v9+s13+$0x0], $0xffff  }
0x4f: {  	s4 =	sadd.s32 $0x10500, s3;
	s15 =	sor.u32 s1, s0;
	v11 =	vld.idx.msk [tilespmem:v11+s13+$0x0], $0xffff;
	[tilespmem:s10+$0x0] =	vst v8  }
0x50: {  	s22 =	sadd.s32 $0x10580, s3;
	s17 =	sor.u32 s1, s4;
	v16 =	vor.u32 $0x6, v1;
	v12 =	vld.idx.msk [tilespmem:v12+s13+$0x0], $0xffff;
	[tilespmem:s15+$0x0] =	vst v3  }
0x51: {  	s19 =	sor.u32 s1, s22;
	v8 =	vor.u32 $0x7, v1;
	v35 =	vld.idx.msk [tilespmem:v13+s13+$0x0], $0xffff;
	[tilespmem:s17+$0x0] =	vst v4  }
0x52: {  	s23 =	sadd.s32 $0x10600, s3;
	s7 =	sadd.s32 $0x10700, s3;
	v36 =	vld.idx.msk [tilespmem:v14+s13+$0x0], $0xffff;
	[tilespmem:s19+$0x0] =	vst v5  }
0x53: {  	s20 =	sor.u32 s1, s23;
	v13 =	vld.idx.msk [tilespmem:v15+s13+$0x0], $0xffff;
	[smem:$0x7D7] =	sst s7  }
0x54: {  	s5 =	sadd.s32 $0x10780, s3;
	s9 =	sadd.s32 $0x10680, s3;
	[tilespmem:s20+$0x0] =	vst v6  }
0x55: {  	v37 =	vor.u32 $0x18, v2;
	s21 =	sor.u32 s1, s9;
	v14 =	vld.idx.msk [tilespmem:v16+s13+$0x0], $0xffff;
	[smem:$0x7D8] =	sst s5  }
0x56: {  	s6 =	sor.u32 s24, s6;
	v6 =	vor.u32 $0x19, v2;
	[tilespmem:s21+$0x0] =	vst v9;
	v8 =	vld.idx.msk [tilespmem:v8+s13+$0x0], $0xffff  }
0x57: {  	s8 =	sor.u32 s1, s7;
	s10 =	simm.s32 $0x20;
	v16 =	vor.u32 $0x1D, v2;
	v15 =	vld.idx.msk [tilespmem:v1+s13+$0x0], $0xffff;
	[tilespmem:s6+$0x80] =	vst v11  }
0x58: {  	v17 =	vor.u32 $0x1E, v2;
	s15 =	simm.s32 $0x20;
	[tilespmem:s8+$0x0] =	vst v7;
	s8 =	sor.u32 s1, s5;
	s5 =	sand.u32 $0x60, s10  }
0x59: {  	v19 =	vor.u32 $0x1F, v2;
	s17 =	sand.u32 $0xFFFFFF80, s15;
	[tilespmem:s8+$0x0] =	vst v10;
	s10 =	sor.u32 $0x10, s5  }
0x5a: {  	v9 =	vor.u32 $0x1A, v2;
	[tilespmem:s6+$0x100] =	vst v12;
	v5 =	vld.idx.msk [tilespmem:v37+s13+$0x0], $0xffff;
	s7 =	sor.u32 s17, s10  }
0x5b: {  	[tilespmem:s6+$0x180] =	vst v35;
	v7 =	vor.u32 $0x1B, v2;
	v6 =	vld.idx.msk [tilespmem:v6+s13+$0x0], $0xffff;
	v18 =	vmov s7  }
0x5c: {  	v24 =	vor.u32 $0x8, v1;
	[tilespmem:s6+$0x200] =	vst v36;
	v16 =	vld.idx.msk [tilespmem:v16+s13+$0x0], $0xffff;
	v38 =	vshll.u32 v18, $0x5  }
0x5d: {  	[tilespmem:s6+$0x280] =	vst v13;
	v10 =	vor.u32 $0x1C, v2;
	v17 =	vld.idx.msk [tilespmem:v17+s13+$0x0], $0xffff;
	v2 =	vor.u32 v53, v38  }
0x5e: {  	v19 =	vld.idx.msk [tilespmem:v19+s13+$0x0], $0xffff;
	[tilespmem:s6+$0x300] =	vst v14;
	v18 =	vor.u32 $0x1, v2  }
0x5f: {  	v9 =	vld.idx.msk [tilespmem:v9+s13+$0x0], $0xffff;
	[tilespmem:s6+$0x380] =	vst v8;
	v20 =	vor.u32 $0x2, v2  }
0x60: {  	[tilespmem:s6+$0x0] =	vst v15;
	v7 =	vld.idx.msk [tilespmem:v7+s13+$0x0], $0xffff;
	v21 =	vor.u32 $0x3, v2  }
0x61: {  	v24 =	vld.idx.msk [tilespmem:v24+s13+$0x0], $0xffff;
	v22 =	vor.u32 $0x4, v2  }
0x62: {  	v23 =	vor.u32 $0x5, v2;
	v11 =	vld.idx.msk [tilespmem:v2+s13+$0x0], $0xffff  }
0x63: {  	v12 =	vld.idx.msk [tilespmem:v18+s13+$0x0], $0xffff;
	v18 =	vor.u32 $0x6, v2  }
0x64: {  	v39 =	vld.idx.msk [tilespmem:v20+s13+$0x0], $0xffff;
	v20 =	vor.u32 $0x7, v2  }
0x65: {  	s19 =	simm.s32 $0x100;
	v40 =	vld.idx.msk [tilespmem:v21+s13+$0x0], $0xffff  }
0x66: {  	s21 =	sand.u32 $0x3FFFFC00, s19;
	v21 =	vor.u32 $0x9, v1;
	v13 =	vld.idx.msk [tilespmem:v22+s13+$0x0], $0xffff  }
0x67: {  	s7 =	sadd.s32 $0xE400, s21;
	v22 =	vor.u32 $0xA, v1;
	v14 =	vld.idx.msk [tilespmem:v23+s13+$0x0], $0xffff  }
0x68: {  	s20 =	sor.u32 s10, s7;
	v23 =	vor.u32 $0xB, v1;
	v8 =	vld.idx.msk [tilespmem:v18+s13+$0x0], $0xffff  }
0x69: {  	v18 =	vor.u32 $0xC, v1;
	v15 =	vld.idx.msk [tilespmem:v20+s13+$0x0], $0xffff;
	[tilespmem:s20+$0x0] =	vst v11  }
0x6a: {  	v10 =	vld.idx.msk [tilespmem:v10+s13+$0x0], $0xffff;
	v20 =	vor.u32 $0xD, v1;
	[tilespmem:s20+$0x80] =	vst v12  }
0x6b: {  	v11 =	vor.u32 $0xE, v1;
	v21 =	vld.idx.msk [tilespmem:v21+s13+$0x0], $0xffff;
	[tilespmem:s20+$0x100] =	vst v39  }
0x6c: {  	v22 =	vld.idx.msk [tilespmem:v22+s13+$0x0], $0xffff;
	[tilespmem:s20+$0x180] =	vst v40  }
0x6d: {  	v12 =	vor.u32 $0xF, v1;
	v41 =	vld.idx.msk [tilespmem:v23+s13+$0x0], $0xffff;
	[tilespmem:s20+$0x200] =	vst v13  }
0x6e: {  	[tilespmem:s20+$0x280] =	vst v14;
	v18 =	vld.idx.msk [tilespmem:v18+s13+$0x0], $0xffff  }
0x6f: {  	s15 =	sadd.s32 $0x11400, s3;
	v42 =	vor.u32 $0x8, v2;
	v20 =	vld.idx.msk [tilespmem:v20+s13+$0x0], $0xffff;
	[tilespmem:s20+$0x300] =	vst v8  }
0x70: {  	v11 =	vld.idx.msk [tilespmem:v11+s13+$0x0], $0xffff;
	[smem:$0x7D9] =	sst s15  }
0x71: {  	s2 =	sor.u32 s5, s17;
	s17 =	sadd.s32 $0x11480, s3;
	v13 =	vor.u32 $0x9, v2;
	[tilespmem:s20+$0x380] =	vst v15  }
0x72: {  	s19 =	sor.u32 s1, s15;
	v12 =	vld.idx.msk [tilespmem:v12+s13+$0x0], $0xffff;
	[smem:$0x7DA] =	sst s17  }
0x73: {  	v14 =	vor.u32 $0xA, v2;
	s20 =	sadd.s32 $0x11500, s3;
	[tilespmem:s19+$0x0] =	vst v5  }
0x74: {  	s15 =	sor.u32 s1, s17;
	v4 =	vld.idx.msk [tilespmem:v42+s13+$0x0], $0xffff;
	[smem:$0x7DB] =	sst s20  }
0x75: {  	v23 =	vor.u32 $0xB, v2;
	s17 =	sadd.s32 $0x11580, s3;
	[tilespmem:s15+$0x0] =	vst v6  }
0x76: {  	s19 =	sor.u32 s1, s20;
	v6 =	vld.idx.msk [tilespmem:v13+s13+$0x0], $0xffff;
	[smem:$0x7DC] =	sst s17  }
0x77: {  	v15 =	vor.u32 $0xC, v2;
	s20 =	sadd.s32 $0x11600, s3;
	[tilespmem:s19+$0x0] =	vst v9  }
0x78: {  	s15 =	sor.u32 s1, s17;
	v44 =	vld.idx.msk [tilespmem:v14+s13+$0x0], $0xffff;
	[smem:$0x7DD] =	sst s20  }
0x79: {  	s17 =	sadd.s32 $0x11680, s3;
	[tilespmem:s15+$0x0] =	vst v7  }
0x7a: {  	v25 =	vor.u32 $0xD, v2;
	s19 =	sor.u32 s1, s20;
	v14 =	vld.idx.msk [tilespmem:v23+s13+$0x0], $0xffff;
	[smem:$0x7DE] =	sst s17  }
0x7b: {  	v43 =	vmov s2;
	v13 =	vor.u32 $0xE, v2;
	s20 =	sadd.s32 $0x11700, s3;
	[tilespmem:s19+$0x0] =	vst v10  }
0x7c: {  	v5 =	vshll.u32 v43, $0x5;
	v9 =	vor.u32 $0xF, v2;
	s2 =	sor.u32 s1, s17;
	v15 =	vld.idx.msk [tilespmem:v15+s13+$0x0], $0xffff;
	[smem:$0x7DF] =	sst s20  }
0x7d: {  	v8 =	vor.u32 v53, v5;
	s15 =	sadd.s32 $0x11780, s3;
	[tilespmem:s2+$0x0] =	vst v16  }
0x7e: {  	v7 =	vor.u32 $0x1, v8;
	[smem:$0x7E0] =	sst s15  }
0x7f: {  	s3 =	sadd.s32 $0xF400, s21;
	s17 =	sor.u32 s1, s20;
	v23 =	vld.idx.msk [tilespmem:v25+s13+$0x0], $0xffff  }
0x80: {  	v10 =	vor.u32 $0x2, v8;
	s19 =	sor.u32 s10, s3;
	[tilespmem:s17+$0x0] =	vst v17;
	v13 =	vld.idx.msk [tilespmem:v13+s13+$0x0], $0xffff  }
0x81: {  	s1 =	sor.u32 s1, s15;
	v9 =	vld.idx.msk [tilespmem:v9+s13+$0x0], $0xffff;
	[tilespmem:s19+$0x0] =	vst v4  }
0x82: {  	s20 =	sadd.s32 $0xF480, s21;
	v16 =	vor.u32 $0x3, v8;
	s2 =	sadd.s32 $0xF500, s21;
	[tilespmem:s1+$0x0] =	vst v19  }
0x83: {  	s8 =	sor.u32 s10, s20;
	v7 =	vld.idx.msk [tilespmem:v7+s13+$0x0], $0xffff;
	[smem:$0x7D3] =	sst s2  }
0x84: {  	s15 =	sadd.s32 $0xF580, s21;
	v17 =	vor.u32 $0x4, v8;
	[tilespmem:s8+$0x0] =	vst v6  }
0x85: {  	s17 =	sor.u32 s10, s2;
	v10 =	vld.idx.msk [tilespmem:v10+s13+$0x0], $0xffff;
	[smem:$0x7D4] =	sst s15  }
0x86: {  	s19 =	sadd.s32 $0xF600, s21;
	v19 =	vor.u32 $0x5, v8;
	[tilespmem:s17+$0x0] =	vst v44  }
0x87: {  	v45 =	vor.u32 $0x6, v8;
	s2 =	sor.u32 s10, s15;
	v46 =	vld.idx.msk [tilespmem:v16+s13+$0x0], $0xffff;
	[smem:$0x7D5] =	sst s19  }
0x88: {  	v6 =	vor.u32 $0x7, v8;
	s8 =	sadd.s32 $0xF680, s21;
	[tilespmem:s2+$0x0] =	vst v14  }
0x89: {  	s15 =	sor.u32 s10, s19;
	v14 =	vld.idx.msk [tilespmem:v17+s13+$0x0], $0xffff;
	[smem:$0x7D6] =	sst s8  }
0x8a: {  	v16 =	vor.u32 $0x10, v2;
	s17 =	sor.u32 s10, s8;
	s8 =	sor.u32 s24, s30;
	[tilespmem:s15+$0x0] =	vst v15  }
0x8b: {  	s19 =	sadd.s32 $0xF700, s21;
	v17 =	vor.u32 $0x11, v2;
	v15 =	vld.idx.msk [tilespmem:v19+s13+$0x0], $0xffff;
	[tilespmem:s8+$0x0] =	vst v24  }
0x8c: {  	v47 =	vor.u32 $0x12, v2;
	s2 =	sor.u32 s10, s19;
	v19 =	vld.idx.msk [tilespmem:v45+s13+$0x0], $0xffff;
	s15 =	sadd.s32 $0xF780, s21;
	[tilespmem:s17+$0x0] =	vst v23  }
0x8d: {  	v6 =	vld.idx.msk [tilespmem:v6+s13+$0x0], $0xffff;
	v24 =	vor.u32 $0x15, v2;
	s6 =	sor.u32 s10, s15;
	[tilespmem:s2+$0x0] =	vst v13  }
0x8e: {  	v23 =	vor.u32 $0x14, v2;
	s17 =	sor.u32 s24, s29;
	[tilespmem:s6+$0x0] =	vst v9;
	v9 =	vld.idx.msk [tilespmem:v8+s13+$0x0], $0xffff  }
0x8f: {  	v13 =	vor.u32 $0x13, v2;
	[tilespmem:s17+$0x0] =	vst v21;
	s2 =	sor.u32 s24, s28;
	v16 =	vld.idx.msk [tilespmem:v16+s13+$0x0], $0xffff  }
0x90: {  	v21 =	vor.u32 $0x16, v2;
	[tilespmem:s2+$0x0] =	vst v22;
	s6 =	sor.u32 s24, s26;
	v17 =	vld.idx.msk [tilespmem:v17+s13+$0x0], $0xffff  }
0x91: {  	s8 =	sor.u32 s24, s25;
	v22 =	vor.u32 $0x17, v2;
	v4 =	vld.idx.msk [tilespmem:v47+s13+$0x0], $0xffff;
	[tilespmem:s6+$0x0] =	vst v41  }
0x92: {  	s11 =	sor.u32 s24, s11;
	[tilespmem:s8+$0x0] =	vst v18;
	v24 =	vld.idx.msk [tilespmem:v24+s13+$0x0], $0xffff  }
0x93: {  	s12 =	sor.u32 s24, s12;
	v48 =	vor.u32 $0x10, v1;
	v23 =	vld.idx.msk [tilespmem:v23+s13+$0x0], $0xffff;
	[tilespmem:s11+$0x0] =	vst v20  }
0x94: {  	s16 =	sor.u32 s24, s16;
	v13 =	vld.idx.msk [tilespmem:v13+s13+$0x0], $0xffff;
	[tilespmem:s12+$0x0] =	vst v11  }
0x95: {  	s30 =	sadd.s32 $0x10400, s21;
	s17 =	sadd.s32 $0x10480, s21;
	v18 =	vor.u32 $0x11, v1;
	v21 =	vld.idx.msk [tilespmem:v21+s13+$0x0], $0xffff;
	[tilespmem:s16+$0x0] =	vst v12  }
0x96: {  	s25 =	sor.u32 s10, s30;
	v22 =	vld.idx.msk [tilespmem:v22+s13+$0x0], $0xffff;
	[smem:$0x7E2] =	sst s17  }
0x97: {  	s26 =	sadd.s32 $0x10500, s21;
	v20 =	vor.u32 $0x12, v1;
	[tilespmem:s25+$0x0] =	vst v16  }
0x98: {  	s2 =	sor.u32 s10, s17;
	v25 =	vld.idx.msk [tilespmem:v48+s13+$0x0], $0xffff;
	[smem:$0x7E3] =	sst s26  }
0x99: {  	s8 =	sadd.s32 $0x10580, s21;
	v11 =	vor.u32 $0x13, v1;
	[tilespmem:s2+$0x0] =	vst v17  }
0x9a: {  	s11 =	sor.u32 s10, s26;
	v17 =	vld.idx.msk [tilespmem:v18+s13+$0x0], $0xffff;
	[smem:$0x7E4] =	sst s8  }
0x9b: {  	s12 =	sadd.s32 $0x10600, s21;
	v12 =	vor.u32 $0x14, v1;
	[tilespmem:s11+$0x0] =	vst v4  }
0x9c: {  	s16 =	sor.u32 s10, s8;
	v18 =	vld.idx.msk [tilespmem:v20+s13+$0x0], $0xffff;
	[smem:$0x7E5] =	sst s12  }
0x9d: {  	s17 =	sadd.s32 $0x10680, s21;
	v16 =	vor.u32 $0x15, v1;
	[tilespmem:s16+$0x0] =	vst v13  }
0x9e: {  	s25 =	sor.u32 s10, s12;
	v11 =	vld.idx.msk [tilespmem:v11+s13+$0x0], $0xffff;
	[smem:$0x7E6] =	sst s17  }
0x9f: {  	v49 =	vor.u32 $0x16, v1;
	s26 =	sadd.s32 $0x10700, s21;
	[tilespmem:s25+$0x0] =	vst v23  }
0xa0: {  	v50 =	vor.u32 $0x17, v1;
	s8 =	sor.u32 s10, s17;
	v12 =	vld.idx.msk [tilespmem:v12+s13+$0x0], $0xffff;
	[smem:$0x7E7] =	sst s26  }
0xa1: {  	s11 =	sadd.s32 $0x10780, s21;
	v13 =	vor.u32 $0x18, v2;
	[tilespmem:s8+$0x0] =	vst v24  }
0xa2: {  	v20 =	vor.u32 $0x19, v2;
	s12 =	sor.u32 s10, s26;
	v16 =	vld.idx.msk [tilespmem:v16+s13+$0x0], $0xffff;
	[smem:$0x7E9] =	sst s11  }
0xa3: {  	s7 =	sor.u32 s5, s7;
	s16 =	simm.s32 $0x40;
	v23 =	vor.u32 $0x1A, v2;
	[tilespmem:s12+$0x0] =	vst v21  }
0xa4: {  	s31 =	sand.u32 $0x60, s16;
	s17 =	sor.u32 s10, s11;
	s25 =	simm.s32 $0x40;
	v3 =	vld.idx.msk [tilespmem:v49+s13+$0x0], $0xffff;
	v21 =	vor.u32 $0x1B, v2;
	[tilespmem:s7+$0x80] =	vst v7  }
0xa5: {  	s1 =	sor.u32 $0x10, s31;
	s6 =	sand.u32 $0xFFFFFF80, s25;
	v4 =	vld.idx.msk [tilespmem:v50+s13+$0x0], $0xffff;
	[tilespmem:s17+$0x0] =	vst v22;
	v22 =	vor.u32 $0x1C, v2  }
0xa6: {  	s26 =	sor.u32 s6, s1;
	[tilespmem:s7+$0x100] =	vst v10;
	v7 =	vld.idx.msk [tilespmem:v13+s13+$0x0], $0xffff;
	v13 =	vor.u32 $0x1D, v2  }
0xa7: {  	v24 =	vmov s26;
	[tilespmem:s7+$0x180] =	vst v46;
	v10 =	vld.idx.msk [tilespmem:v20+s13+$0x0], $0xffff;
	v20 =	vor.u32 $0x1E, v2  }
0xa8: {  	[tilespmem:s7+$0x200] =	vst v14;
	v51 =	vld.idx.msk [tilespmem:v23+s13+$0x0], $0xffff;
	v2 =	vor.u32 $0x1F, v2;
	v23 =	vshll.u32 v24, $0x5  }
0xa9: {  	[tilespmem:s7+$0x280] =	vst v15;
	v43 =	vor.u32 v53, v23;
	v14 =	vld.idx.msk [tilespmem:v21+s13+$0x0], $0xffff  }
0xaa: {  	[tilespmem:s7+$0x300] =	vst v19;
	v19 =	vor.u32 $0x2, v43;
	v15 =	vld.idx.msk [tilespmem:v22+s13+$0x0], $0xffff  }
0xab: {  	[tilespmem:s7+$0x380] =	vst v6;
	v21 =	vor.u32 $0x1, v43;
	v13 =	vld.idx.msk [tilespmem:v13+s13+$0x0], $0xffff  }
0xac: {  	s2 =	sor.u32 s24, s18;
	[tilespmem:s7+$0x0] =	vst v9;
	v9 =	vor.u32 $0x4, v43;
	v6 =	vld.idx.msk [tilespmem:v20+s13+$0x0], $0xffff  }
0xad: {  	s0 =	sor.u32 s24, s0;
	[tilespmem:s2+$0x0] =	vst v25;
	v20 =	vor.u32 $0x3, v43;
	v2 =	vld.idx.msk [tilespmem:v2+s13+$0x0], $0xffff  }
0xae: {  	s4 =	sor.u32 s24, s4;
	[tilespmem:s0+$0x0] =	vst v17;
	v22 =	vld.idx.msk [tilespmem:v43+s13+$0x0], $0xffff  }
0xaf: {  	s7 =	sor.u32 s24, s22;
	[tilespmem:s4+$0x0] =	vst v18;
	v23 =	vor.u32 $0x5, v43;
	v18 =	vld.idx.msk [tilespmem:v19+s13+$0x0], $0xffff  }
0xb0: {  	s8 =	sor.u32 s24, s23;
	[tilespmem:s7+$0x0] =	vst v11;
	v17 =	vld.idx.msk [tilespmem:v21+s13+$0x0], $0xffff;
	v21 =	vor.u32 $0x6, v43  }
0xb1: {  	s12 =	sadd.s32 $0x11400, s21;
	[tilespmem:s8+$0x0] =	vst v12;
	v19 =	vor.u32 $0x7, v43;
	v9 =	vld.idx.msk [tilespmem:v9+s13+$0x0], $0xffff  }
0xb2: {  	s16 =	simm.s32 $0x200;
	s11 =	sor.u32 s24, s9;
	v20 =	vld.idx.msk [tilespmem:v20+s13+$0x0], $0xffff;
	[smem:$0x7EB] =	sst s12  }
0xb3: {  	s0 =	sand.u32 $0x3FFFFC00, s16;
	s17 =	sadd.s32 $0x11480, s21;
	v11 =	vor.u32 $0x8, v8;
	[tilespmem:s11+$0x0] =	vst v16  }
0xb4: {  	s18 =	sor.u32 s10, s12;
	s2 =	sadd.s32 $0xE400, s0;
	v12 =	vor.u32 $0x9, v8;
	v23 =	vld.idx.msk [tilespmem:v23+s13+$0x0], $0xffff;
	[smem:$0x7EC] =	sst s17  }
0xb5: {  	v24 =	vor.u32 $0xD, v8;
	s23 =	sor.u32 s1, s2;
	[tilespmem:s18+$0x0] =	vst v7;
	v21 =	vld.idx.msk [tilespmem:v21+s13+$0x0], $0xffff  }
0xb6: {  	v16 =	vor.u32 $0xA, v8;
	v19 =	vld.idx.msk [tilespmem:v19+s13+$0x0], $0xffff;
	[tilespmem:s23+$0x0] =	vst v22  }
0xb7: {  	v7 =	vor.u32 $0xB, v8;
	[tilespmem:s23+$0x80] =	vst v17  }
0xb8: {  	s22 =	sor.u32 s10, s17;
	v11 =	vld.idx.msk [tilespmem:v11+s13+$0x0], $0xffff;
	v22 =	vor.u32 $0xE, v8;
	[tilespmem:s23+$0x100] =	vst v18  }
0xb9: {  	v12 =	vld.idx.msk [tilespmem:v12+s13+$0x0], $0xffff;
	[tilespmem:s22+$0x0] =	vst v10;
	v10 =	vor.u32 $0xC, v8  }
0xba: {  	[tilespmem:s23+$0x180] =	vst v20;
	v20 =	vld.idx.msk [tilespmem:v24+s13+$0x0], $0xffff  }
0xbb: {  	v17 =	vor.u32 $0xF, v8;
	[tilespmem:s23+$0x200] =	vst v9;
	v16 =	vld.idx.msk [tilespmem:v16+s13+$0x0], $0xffff  }
0xbc: {  	[tilespmem:s23+$0x280] =	vst v23;
	v7 =	vld.idx.msk [tilespmem:v7+s13+$0x0], $0xffff  }
0xbd: {  	s25 =	sadd.s32 $0x11500, s21;
	v18 =	vor.u32 $0x8, v43;
	v22 =	vld.idx.msk [tilespmem:v22+s13+$0x0], $0xffff;
	[tilespmem:s23+$0x300] =	vst v21  }
0xbe: {  	v10 =	vld.idx.msk [tilespmem:v10+s13+$0x0], $0xffff;
	[smem:$0x7ED] =	sst s25  }
0xbf: {  	s26 =	sadd.s32 $0x11580, s21;
	v9 =	vor.u32 $0x9, v43;
	[tilespmem:s23+$0x380] =	vst v19  }
0xc0: {  	s7 =	sor.u32 s10, s25;
	v17 =	vld.idx.msk [tilespmem:v17+s13+$0x0], $0xffff;
	[smem:$0x7EE] =	sst s26  }
0xc1: {  	s9 =	sadd.s32 $0x11600, s21;
	[tilespmem:s7+$0x0] =	vst v51  }
0xc2: {  	s11 =	sor.u32 s10, s26;
	v23 =	vor.u32 $0xA, v43;
	v52 =	vld.idx.msk [tilespmem:v18+s13+$0x0], $0xffff;
	[smem:$0x7EF] =	sst s9  }
0xc3: {  	s16 =	sadd.s32 $0x11680, s21;
	v21 =	vor.u32 $0xB, v43;
	[tilespmem:s11+$0x0] =	vst v14  }
0xc4: {  	s17 =	sor.u32 s10, s9;
	v19 =	vor.u32 $0xC, v43;
	v9 =	vld.idx.msk [tilespmem:v9+s13+$0x0], $0xffff;
	[smem:$0x7F0] =	sst s16  }
0xc5: {  	s18 =	sor.u32 s10, s16;
	v18 =	vor.u32 $0xD, v43;
	[tilespmem:s17+$0x0] =	vst v15  }
0xc6: {  	s28 =	sadd.s32 $0x11700, s21;
	s21 =	sadd.s32 $0x11780, s21;
	s12 =	sor.u32 s31, s6;
	v14 =	vor.u32 $0xE, v43;
	[tilespmem:s18+$0x0] =	vst v13  }
0xc7: {  	v24 =	vor.u32 $0xF, v43;
	v15 =	vmov s12;
	v23 =	vld.idx.msk [tilespmem:v23+s13+$0x0], $0xffff;
	[smem:$0x7F1] =	sst s21  }
0xc8: {  	s22 =	sor.u32 s10, s28;
	v13 =	vshll.u32 v15, $0x5;
	v15 =	vld.idx.msk [tilespmem:v21+s13+$0x0], $0xffff  }
0xc9: {  	[tilespmem:s22+$0x0] =	vst v6;
	v6 =	vld.idx.msk [tilespmem:v19+s13+$0x0], $0xffff  }
0xca: {  	s3 =	sor.u32 s5, s3;
	s26 =	sadd.s32 $0xF400, s0;
	v25 =	vor.u32 v53, v13;
	v13 =	vld.idx.msk [tilespmem:v18+s13+$0x0], $0xffff  }
0xcb: {  	s4 =	sor.u32 s1, s26;
	[tilespmem:s3+$0x0] =	vst v11;
	v14 =	vld.idx.msk [tilespmem:v14+s13+$0x0], $0xffff  }
0xcc: {  	s23 =	sor.u32 s10, s21;
	v18 =	vld.idx.msk [tilespmem:v24+s13+$0x0], $0xffff;
	[tilespmem:s4+$0x0] =	vst v52  }
0xcd: {  	s25 =	sor.u32 s5, s20;
	s11 =	sadd.s32 $0xF480, s0;
	[tilespmem:s23+$0x0] =	vst v2  }
0xce: {  	s16 =	sadd.s32 $0xF500, s0;
	s6 =	sor.u32 s1, s11;
	[tilespmem:s25+$0x0] =	vst v12  }
0xcf: {  	s29 =	sadd.s32 $0xF580, s0;
	s7 =	sor.u32 s1, s16;
	[tilespmem:s6+$0x0] =	vst v9  }
0xd0: {  	s8 =	sor.u32 s1, s29;
	s10 =	sadd.s32 $0xF600, s0;
	[tilespmem:s7+$0x0] =	vst v23  }
0xd1: {  	s9 =	sor.u32 s1, s10;
	s17 =	sadd.s32 $0xF680, s0;
	[tilespmem:s8+$0x0] =	vst v15  }
0xd2: {  	s18 =	sadd.s32 $0xF700, s0;
	s12 =	sor.u32 s1, s17;
	[tilespmem:s9+$0x0] =	vst v6  }
0xd3: {  	s20 =	sor.u32 s1, s18;
	s25 =	sadd.s32 $0xF780, s0;
	[tilespmem:s12+$0x0] =	vst v13  }
0xd4: {  	s21 =	sor.u32 s1, s25;
	[tilespmem:s20+$0x0] =	vst v14  }
0xd5: {  	[tilespmem:s21+$0x0] =	vst v18  }
0xd6: {  	s3 =	sld [smem:$0x7D3];
	_ =	sdelay $0x2  }
0xd7: {  	s3 =	sor.u32 s5, s3  }
0xd8: {  	[tilespmem:s3+$0x0] =	vst v16  }
0xd9: {  	s3 =	sld [smem:$0x7D4];
	_ =	sdelay $0x2  }
0xda: {  	s3 =	sor.u32 s5, s3  }
0xdb: {  	[tilespmem:s3+$0x0] =	vst v7  }
0xdc: {  	v11 =	vor.u32 $0x2, v25;
	s3 =	sld [smem:$0x7D5];
	_ =	sdelay $0x2  }
0xdd: {  	v9 =	vor.u32 $0x5, v25;
	s3 =	sor.u32 s5, s3  }
0xde: {  	[tilespmem:s3+$0x0] =	vst v10  }
0xdf: {  	v15 =	vld.idx.msk [tilespmem:v11+s13+$0x0], $0xffff;
	v11 =	vor.u32 $0x10, v43;
	s3 =	sld [smem:$0x7D6]  }
0xe0: {  	v56 =	vor.u32 $0x12, v43  }
0xe1: {  	v6 =	vor.u32 $0x11, v43  }
0xe2: {  	v14 =	vld.idx.msk [tilespmem:v9+s13+$0x0], $0xffff;
	v9 =	vor.u32 $0x13, v43;
	s3 =	sor.u32 s5, s3  }
0xe3: {  	s22 =	sor.u32 s5, s19;
	v18 =	vor.u32 $0x14, v43;
	[tilespmem:s3+$0x0] =	vst v20  }
0xe4: {  	s23 =	sor.u32 s5, s15;
	v11 =	vld.idx.msk [tilespmem:v11+s13+$0x0], $0xffff;
	v16 =	vor.u32 $0x15, v43;
	[tilespmem:s22+$0x0] =	vst v22  }
0xe5: {  	v5 =	vld.idx.msk [tilespmem:v56+s13+$0x0], $0xffff;
	v7 =	vor.u32 $0x16, v43;
	[tilespmem:s23+$0x0] =	vst v17  }
0xe6: {  	v6 =	vld.idx.msk [tilespmem:v6+s13+$0x0], $0xffff;
	v10 =	vor.u32 $0x17, v43;
	s3 =	sld [smem:$0x7D7]  }
0xe7: {  	v12 =	vor.u32 $0x3, v25;
	v9 =	vld.idx.msk [tilespmem:v9+s13+$0x0], $0xffff  }
0xe8: {  	v19 =	vor.u32 $0x6, v25;
	v18 =	vld.idx.msk [tilespmem:v18+s13+$0x0], $0xffff  }
0xe9: {  	s9 =	sadd.s32 $0x10400, s0;
	v16 =	vld.idx.msk [tilespmem:v16+s13+$0x0], $0xffff;
	s3 =	sor.u32 s24, s3  }
0xea: {  	s8 =	sadd.s32 $0x10480, s0;
	s4 =	sor.u32 s1, s9;
	v7 =	vld.idx.msk [tilespmem:v7+s13+$0x0], $0xffff;
	[tilespmem:s3+$0x0] =	vst v3  }
0xeb: {  	v54 =	vor.u32 $0x1, v25;
	s6 =	sor.u32 s1, s8;
	v10 =	vld.idx.msk [tilespmem:v10+s13+$0x0], $0xffff;
	s22 =	sadd.s32 $0x10500, s0;
	s3 =	sld [smem:$0x7D8];
	[tilespmem:s4+$0x0] =	vst v11  }
0xec: {  	v55 =	vor.u32 $0x4, v25;
	v21 =	vld.idx.msk [tilespmem:v12+s13+$0x0], $0xffff;
	s23 =	sadd.s32 $0x10580, s0;
	s7 =	sor.u32 s1, s22;
	[tilespmem:s6+$0x0] =	vst v6  }
0xed: {  	v12 =	vld.idx.msk [tilespmem:v19+s13+$0x0], $0xffff;
	v19 =	vor.u32 $0x7, v25;
	s12 =	sor.u32 s1, s23;
	[tilespmem:s7+$0x0] =	vst v5  }
0xee: {  	s20 =	sadd.s32 $0x10600, s0;
	s3 =	sor.u32 s24, s3;
	[tilespmem:s12+$0x0] =	vst v9  }
0xef: {  	v57 =	vor.u32 $0x11, v8;
	s15 =	sor.u32 s1, s20;
	s12 =	sadd.s32 $0x10680, s0;
	[tilespmem:s3+$0x0] =	vst v4  }
0xf0: {  	v58 =	vor.u32 $0x12, v8;
	v2 =	vld.idx.msk [tilespmem:v54+s13+$0x0], $0xffff;
	[tilespmem:s15+$0x0] =	vst v18;
	s19 =	sor.u32 s1, s12  }
0xf1: {  	v13 =	vld.idx.msk [tilespmem:v55+s13+$0x0], $0xffff;
	v17 =	vor.u32 $0x10, v8;
	[tilespmem:s19+$0x0] =	vst v16  }
0xf2: {  	v19 =	vld.idx.msk [tilespmem:v19+s13+$0x0], $0xffff;
	s3 =	sld [smem:$0x7D9]  }
0xf3: {  	v20 =	vld.idx.msk [tilespmem:v25+s13+$0x0], $0xffff  }
0xf4: {  	v23 =	vld.idx.msk [tilespmem:v57+s13+$0x0], $0xffff  }
0xf5: {  	v26 =	vld.idx.msk [tilespmem:v58+s13+$0x0], $0xffff;
	s15 =	sadd.s32 $0x10700, s0;
	s3 =	sor.u32 s24, s3  }
0xf6: {  	v22 =	vld.idx.msk [tilespmem:v17+s13+$0x0], $0xffff;
	s21 =	sor.u32 s1, s15;
	[dreg:$0x3] =	wrdreg s3  }
0xf7: {  	v11 =	vor.u32 $0x13, v8;
	[tilespmem:s21+$0x0] =	vst v7  }
0xf8: {  	s3 =	sld [smem:$0x7DA]  }
0xf9: {  	s4 =	sld [smem:$0x7DB];
	_ =	sdelay $0x1  }
0xfa: {  	s3 =	sor.u32 s24, s3  }
0xfb: {  	s6 =	sadd.s32 $0x10780, s0;
	v29 =	vld.idx.msk [tilespmem:v11+s13+$0x0], $0xffff;
	[dreg:$0x5] =	wrdreg s3;
	s3 =	sor.u32 s24, s4  }
0xfc: {  	s7 =	sor.u32 s1, s6;
	[dreg:$0x4] =	wrdreg s3  }
0xfd: {  	[tilespmem:s7+$0x0] =	vst v10  }
0xfe: {  	v6 =	vor.u32 $0x14, v8;
	s3 =	sld [smem:$0x7DC]  }
0xff: {  	s19 =	sld [smem:$0x7DD]  }
0x100: {  	v59 =	vor.u32 $0x15, v8;
	s21 =	sld [smem:$0x7DE]  }
0x101: {  	s4 =	sld [smem:$0x7DF]  }
0x102: {  	s7 =	sld [smem:$0x7E0];
	s3 =	sor.u32 s24, s3  }
0x103: {  	v50 =	vld.idx.msk [tilespmem:v6+s13+$0x0], $0xffff;
	[dreg:$0x9] =	wrdreg s3;
	s3 =	sor.u32 s24, s19  }
0x104: {  	[dreg:$0x7] =	wrdreg s3;
	s3 =	sor.u32 s24, s21  }
0x105: {  	v44 =	vld.idx.msk [tilespmem:v59+s13+$0x0], $0xffff;
	[dreg:$0xb] =	wrdreg s3;
	s3 =	sor.u32 s24, s4  }
0x106: {  	[dreg:$0xa] =	wrdreg s3;
	s3 =	sor.u32 s24, s7  }
0x107: {  	s2 =	sor.u32 s31, s2;
	[smem:$0x7E1] =	sst s3  }
0x108: {  	[tilespmem:s2+$0x80] =	vst v2  }
0x109: {  	s4 =	sld [smem:$0x7E2]  }
0x10a: {  	s19 =	sld [smem:$0x7E3];
	[tilespmem:s2+$0x100] =	vst v15  }
0x10b: {  	s21 =	sld [smem:$0x7E4]  }
0x10c: {  	v17 =	vor.u32 $0x16, v8  }
0x10d: {  	v18 =	vor.u32 $0x17, v8;
	s24 =	sld [smem:$0x7E5]  }
0x10e: {  	v16 =	vor.u32 $0x18, v1;
	s7 =	sor.u32 s5, s19;
	s19 =	sor.u32 s5, s21;
	s21 =	sld [smem:$0x7E6];
	[tilespmem:s2+$0x180] =	vst v21  }
0x10f: {  	s3 =	sor.u32 s5, s30;
	s30 =	sld [smem:$0x7E7];
	_ =	sdelay $0x1  }
0x110: {  	v38 =	vld.idx.msk [tilespmem:v17+s13+$0x0], $0xffff  }
0x111: {  	v40 =	vld.idx.msk [tilespmem:v18+s13+$0x0], $0xffff;
	s30 =	sor.u32 s5, s30  }
0x112: {  	v42 =	vld.idx.msk [tilespmem:v16+s13+$0x0], $0xffff;
	[smem:$0x7E8] =	sst s30  }
0x113: {  	s30 =	sld [smem:$0x7E9];
	_ =	sdelay $0x2  }
0x114: {  	s30 =	sor.u32 s5, s30  }
0x115: {  	[smem:$0x7EA] =	sst s30  }
0x116: {  	s30 =	sld [smem:$0x7EB];
	_ =	sdelay $0x2  }
0x117: {  	s30 =	sor.u32 s5, s30  }
0x118: {  	[dreg:$0x17] =	wrdreg s30  }
0x119: {  	v24 =	vor.u32 $0x19, v1;
	[tilespmem:s2+$0x200] =	vst v13  }
0x11a: {  	s30 =	sld [smem:$0x7EC];
	_ =	sdelay $0x2  }
0x11b: {  	s30 =	sor.u32 s5, s30  }
0x11c: {  	v36 =	vld.idx.msk [tilespmem:v24+s13+$0x0], $0xffff;
	[dreg:$0x13] =	wrdreg s30  }
0x11d: {  	s30 =	sld [smem:$0x7ED];
	_ =	sdelay $0x2  }
0x11e: {  	s30 =	sor.u32 s5, s30  }
0x11f: {  	[dreg:$0x12] =	wrdreg s30  }
0x120: {  	s30 =	sld [smem:$0x7EE];
	_ =	sdelay $0x2  }
0x121: {  	s30 =	sor.u32 s5, s30  }
0x122: {  	[dreg:$0x11] =	wrdreg s30  }
0x123: {  	v27 =	vor.u32 $0x1A, v1;
	[tilespmem:s2+$0x280] =	vst v14  }
0x124: {  	s30 =	sld [smem:$0x7EF];
	_ =	sdelay $0x2  }
0x125: {  	s30 =	sor.u32 s5, s30  }
0x126: {  	v37 =	vld.idx.msk [tilespmem:v27+s13+$0x0], $0xffff;
	[dreg:$0x18] =	wrdreg s30  }
0x127: {  	s30 =	sld [smem:$0x7F0];
	_ =	sdelay $0x2  }
0x128: {  	s30 =	sor.u32 s5, s30  }
0x129: {  	[dreg:$0x15] =	wrdreg s30  }
0x12a: {  	v39 =	vor.u32 $0x1B, v1;
	[tilespmem:s2+$0x300] =	vst v12  }
0x12b: {  	s30 =	sor.u32 s5, s28;
	s28 =	sld [smem:$0x7F1];
	_ =	sdelay $0x1  }
0x12c: {  	v41 =	vor.u32 $0x1C, v1;
	s4 =	sor.u32 s5, s4  }
0x12d: {  	v15 =	vor.u32 $0x18, v43;
	s24 =	sor.u32 s5, s24;
	s21 =	sor.u32 s5, s21;
	s5 =	sor.u32 s5, s28  }
0x12e: {  	v13 =	vor.u32 $0x19, v43;
	v39 =	vld.idx.msk [tilespmem:v39+s13+$0x0], $0xffff;
	[dreg:$0x1e] =	wrdreg s5  }
0x12f: {  	v61 =	vor.u32 $0x1E, v1;
	v14 =	vor.u32 $0x1A, v43;
	[tilespmem:s2+$0x380] =	vst v19  }
0x130: {  	v63 =	vor.u32 $0x1F, v1;
	v49 =	vor.u32 $0x1C, v43;
	v51 =	vor.u32 $0x1E, v43;
	[tilespmem:s2+$0x0] =	vst v20  }
0x131: {  	v34 =	vor.u32 $0x8, v25;
	v35 =	vor.u32 $0x9, v25;
	v32 =	vor.u32 $0xA, v25;
	v41 =	vld.idx.msk [tilespmem:v41+s13+$0x0], $0xffff;
	[tilespmem:s3+$0x0] =	vst v22  }
0x132: {  	v33 =	vor.u32 $0xB, v25;
	v30 =	vor.u32 $0xC, v25;
	v31 =	vor.u32 $0xD, v25;
	v45 =	vld.idx.msk [tilespmem:v15+s13+$0x0], $0xffff;
	[tilespmem:s4+$0x0] =	vst v23  }
0x133: {  	v28 =	vor.u32 $0xE, v25;
	v52 =	vor.u32 $0x1D, v43;
	v54 =	vor.u32 $0x18, v8;
	s5 =	sor.u32 s31, s25;
	s25 =	sor.u32 s31, s9;
	v46 =	vld.idx.msk [tilespmem:v13+s13+$0x0], $0xffff;
	[tilespmem:s7+$0x0] =	vst v26;
	s7 =	sor.u32 s31, s23  }
0x134: {  	v55 =	vor.u32 $0x1D, v1;
	v56 =	vor.u32 $0x1A, v8;
	v58 =	vor.u32 $0x1C, v8;
	s9 =	sor.u32 s31, s8;
	s8 =	sor.u32 s31, s20;
	v47 =	vld.idx.msk [tilespmem:v14+s13+$0x0], $0xffff;
	[smem:$0x7F2] =	sst s7  }
0x135: {  	v9 =	vor.u32 $0x1E, v8;
	v11 =	vor.u32 $0x1B, v8;
	v16 =	vor.u32 $0x1B, v43;
	[smem:$0x7F3] =	sst s8  }
0x136: {  	v10 =	vor.u32 $0x1D, v8;
	v59 =	vor.u32 $0x19, v8;
	v8 =	vor.u32 $0x1F, v8;
	[tilespmem:s19+$0x0] =	vst v29  }
0x137: {  	s10 =	sor.u32 s31, s10;
	v17 =	vor.u32 $0x10, v25;
	v18 =	vor.u32 $0x12, v25;
	v21 =	vor.u32 $0x14, v25;
	s20 =	sld [smem:$0x7F4]  }
0x138: {  	s16 =	sor.u32 s31, s16;
	s17 =	sor.u32 s31, s17;
	s18 =	sor.u32 s31, s18;
	v24 =	vor.u32 $0x16, v25;
	v27 =	vor.u32 $0xF, v25;
	v12 =	vor.u32 $0x18, v25  }
0x139: {  	s28 =	sor.u32 s31, s26;
	s26 =	sor.u32 s31, s11;
	s11 =	sor.u32 s31, s29;
	v19 =	vor.u32 $0x11, v25;
	v22 =	vor.u32 $0x13, v25;
	v20 =	vor.u32 $0x15, v25  }
0x13a: {  	s29 =	simm.s32 $0x60;
	s3 =	sor.u32 s31, s22;
	v15 =	vor.u32 $0x19, v25;
	v14 =	vor.u32 $0x1A, v25;
	v13 =	vor.u32 $0x1B, v25;
	v48 =	vld.idx.msk [tilespmem:v16+s13+$0x0], $0xffff;
	s2 =	sshll.u32 s20, $0x1  }
0x13b: {  	s22 =	sor.u32 s31, s6;
	v23 =	vor.u32 $0x17, v25;
	s4 =	simm.s32 $0x4;
	v26 =	vor.u32 $0x1E, v25;
	v16 =	vor.u32 $0x1C, v25;
	v49 =	vld.idx.msk [tilespmem:v49+s13+$0x0], $0xffff;
	[smem:$0x7F5] =	sst s2  }
0x13c: {  	s23 =	sor.u32 s31, s12;
	s12 =	sadd.s32 $0x11400, s0;
	v29 =	vor.u32 $0x1D, v25;
	s19 =	sor.u32 s31, s15;
	v25 =	vor.u32 $0x1F, v25;
	[tilespmem:s24+$0x0] =	vst v50;
	v50 =	vor.u32 $0x1F, v43;
	v43 =	vld.idx.msk [tilespmem:v52+s13+$0x0], $0xffff  }
.LBB2_3:
0x13d: {  	[tilespmem:$0x1FFA0] =	vst v59  }
0x13e: {  	[tilespmem:$0x1FFC0] =	vst v13  }
0x13f: {  	[tilespmem:$0x1FFB0] =	vst v11  }
0x140: {  	[tilespmem:$0x1FFD0] =	vst v58;
	v51 =	vld.idx.msk [tilespmem:v51+s13+$0x0], $0xffff  }
0x141: {  	[tilespmem:s21+$0x0] =	vst v44;
	v4 =	vld.idx.msk [tilespmem:v50+s13+$0x0], $0xffff;
	v2 =	vmov v29  }
0x142: {  	v1 =	vmov v26;
	v34 =	vld.idx.msk [tilespmem:v34+s13+$0x0], $0xffff;
	[tilespmem:$0x1FF80] =	vst v2  }
0x143: {  	v0 =	vmov v25;
	v35 =	vld.idx.msk [tilespmem:v35+s13+$0x0], $0xffff;
	[tilespmem:$0x1FF70] =	vst v1  }
0x144: {  	s2 =	sadd.s32 $0x11480, s0;
	s6 =	sor.u32 s1, s12;
	v32 =	vld.idx.msk [tilespmem:v32+s13+$0x0], $0xffff;
	[tilespmem:$0x1FF90] =	vst v0  }
0x145: {  	[smem:$0x7D0] =	sst s9;
	s9 =	sor.u32 s1, s2;
	v33 =	vld.idx.msk [tilespmem:v33+s13+$0x0], $0xffff;
	[tilespmem:s6+$0x0] =	vst v45  }
0x146: {  	s15 =	sadd.s32 $0x11500, s0;
	v30 =	vld.idx.msk [tilespmem:v30+s13+$0x0], $0xffff;
	v3 =	vmov v10;
	[tilespmem:s9+$0x0] =	vst v46  }
0x147: {  	[smem:$0x7D1] =	sst s3;
	s4 =	sadd.s32 $0x2, s4;
	s20 =	sor.u32 s1, s15;
	v31 =	vld.idx.msk [tilespmem:v31+s13+$0x0], $0xffff;
	[tilespmem:$0x1FFE0] =	vst v3  }
0x148: {  	s21 =	sand.u32 $0x60, s29;
	s24 =	sadd.s32 $0x11580, s0;
	s7 =	sshll.u32 s4, $0x4;
	v28 =	vld.idx.msk [tilespmem:v28+s13+$0x0], $0xffff;
	[tilespmem:s20+$0x0] =	vst v47  }
0x149: {  	s8 =	sor.u32 $0x10, s21;
	s3 =	sor.u32 s1, s24;
	s7 =	sand.u32 $0xFFFFFF80, s7;
	v46 =	vld.idx.msk [tilespmem:v27+s13+$0x0], $0xffff;
	[tilespmem:s28+$0x0] =	vst v34  }
0x14a: {  	[smem:$0x7CF] =	sst s25;
	s25 =	sadd.s32 $0x11600, s0;
	s20 =	sor.u32 s7, s8;
	[tilespmem:s3+$0x0] =	vst v48  }
0x14b: {  	s6 =	sor.u32 s1, s25;
	s9 =	sadd.s32 $0x11680, s0;
	v5 =	vmov s20;
	[tilespmem:s26+$0x0] =	vst v35  }
0x14c: {  	s3 =	smov.u32 s30;
	s30 =	sadd.s32 $0x11700, s0;
	[tilespmem:s6+$0x0] =	vst v49;
	s6 =	sor.u32 s1, s9;
	v45 =	vshll.u32 v5, $0x5  }
0x14d: {  	s7 =	sor.u32 s21, s7;
	[tilespmem:s6+$0x0] =	vst v43;
	s6 =	sor.u32 s1, s30;
	v43 =	vor.u32 v53, v45  }
0x14e: {  	s25 =	sor.u32 s31, s25;
	s0 =	sadd.s32 $0x11780, s0;
	v48 =	vmov s7;
	[tilespmem:s6+$0x0] =	vst v51;
	v45 =	vor.u32 $0x1, v43  }
0x14f: {  	s7 =	sor.u32 s31, s12;
	s20 =	sor.u32 s31, s2;
	s26 =	sld [smem:$0x7E8];
	v49 =	vshll.u32 v48, $0x5;
	v27 =	vor.u32 $0x2, v43;
	v51 =	vld.idx.msk [tilespmem:v55+s13+$0x0], $0xffff;
	[tilespmem:s16+$0x0] =	vst v32  }
0x150: {  	s12 =	sor.u32 s1, s0;
	v44 =	vor.u32 v53, v49;
	s1 =	smov.u32 s8;
	s8 =	smov.u32 s19;
	v29 =	vor.u32 $0x3, v43;
	v53 =	vld.idx.msk [tilespmem:v61+s13+$0x0], $0xffff;
	[tilespmem:s11+$0x0] =	vst v33  }
0x151: {  	s2 =	sor.u32 s31, s9;
	s28 =	sor.u32 s31, s30;
	v26 =	vor.u32 $0x4, v43;
	[smem:$0x7E8] =	sst s8;
	[tilespmem:s12+$0x0] =	vst v4;
	v55 =	vld.idx.msk [tilespmem:v63+s13+$0x0], $0xffff  }
0x152: {  	s6 =	sor.u32 s31, s15;
	s15 =	sor.u32 s31, s24;
	v50 =	vor.u32 $0x5, v43;
	s16 =	rddreg [dreg:$0x3];
	[tilespmem:s10+$0x0] =	vst v30;
	v25 =	vld.idx.msk [tilespmem:v43+s13+$0x0], $0xffff  }
0x153: {  	v2 =	vor.u32 $0x7, v43;
	s24 =	sshll.u32 s4, $0x7;
	s11 =	smov.u32 s22;
	s22 =	rddreg [dreg:$0x5];
	[tilespmem:s17+$0x0] =	vst v31;
	v0 =	vld.idx.msk [tilespmem:v45+s13+$0x0], $0xffff  }
0x154: {  	s8 =	smov.u32 s20;
	s12 =	sor.u32 s31, s0;
	s10 =	sld [smem:$0x7EA];
	[tilespmem:s18+$0x0] =	vst v28;
	v45 =	vor.u32 $0x6, v43;
	v1 =	vld.idx.msk [tilespmem:v27+s13+$0x0], $0xffff  }
0x155: {  	v57 =	vor.u32 $0x1, v44;
	s31 =	smov.u32 s21;
	s21 =	smov.u32 s23;
	s23 =	rddreg [dreg:$0x13];
	v3 =	vld.idx.msk [tilespmem:v29+s13+$0x0], $0xffff;
	[tilespmem:s5+$0x0] =	vst v46  }
0x156: {  	v58 =	vor.u32 $0x2, v44;
	s0 =	sand.u32 $0x3FFFFC00, s24;
	[dreg:$0x13] =	wrdreg s8;
	v6 =	vld.idx.msk [tilespmem:v26+s13+$0x0], $0xffff;
	[tilespmem:s26+$0x0] =	vst v38  }
0x157: {  	v59 =	vor.u32 $0x3, v44;
	s8 =	rddreg [dreg:$0xb];
	s9 =	sadd.s32 $0xE400, s0;
	v7 =	vld.idx.msk [tilespmem:v50+s13+$0x0], $0xffff;
	[tilespmem:s10+$0x0] =	vst v40  }
0x158: {  	v60 =	vor.u32 $0x4, v44;
	[smem:$0x7EA] =	sst s11;
	s5 =	sor.u32 s1, s9;
	v2 =	vld.idx.msk [tilespmem:v2+s13+$0x0], $0xffff;
	[tilespmem:s16+$0x0] =	vst v42  }
0x159: {  	v13 =	vmov v12;
	v12 =	vmov v8;
	s19 =	smov.u32 s7;
	v61 =	vor.u32 $0x5, v44;
	s17 =	rddreg [dreg:$0x17];
	v8 =	vld.idx.msk [tilespmem:v45+s13+$0x0], $0xffff;
	[tilespmem:s5+$0x0] =	vst v25  }
0x15a: {  	v62 =	vor.u32 $0x6, v44;
	[dreg:$0x17] =	wrdreg s19;
	v42 =	vld.idx.msk [tilespmem:v57+s13+$0x0], $0xffff;
	[tilespmem:s5+$0x80] =	vst v0  }
0x15b: {  	v63 =	vor.u32 $0x7, v44;
	s18 =	smov.u32 s17;
	s17 =	rddreg [dreg:$0x9];
	v0 =	vld.idx.msk [tilespmem:v58+s13+$0x0], $0xffff;
	[tilespmem:s5+$0x100] =	vst v1  }
0x15c: {  	[dreg:$0x3] =	wrdreg s18;
	v1 =	vld.idx.msk [tilespmem:v59+s13+$0x0], $0xffff;
	[tilespmem:s5+$0x180] =	vst v3;
	v3 =	vor.u32 $0x8, v43  }
0x15d: {  	s24 =	sor.u32 s31, s9;
	s9 =	rddreg [dreg:$0x4];
	v58 =	vld.idx.msk [tilespmem:v60+s13+$0x0], $0xffff;
	[tilespmem:s5+$0x200] =	vst v6;
	v6 =	vor.u32 $0x9, v43  }
0x15e: {  	s20 =	smov.u32 s15;
	s18 =	rddreg [dreg:$0x11];
	v59 =	vld.idx.msk [tilespmem:v61+s13+$0x0], $0xffff;
	[tilespmem:s5+$0x280] =	vst v7;
	v7 =	vor.u32 $0xA, v43  }
0x15f: {  	[dreg:$0x11] =	wrdreg s20;
	v60 =	vld.idx.msk [tilespmem:v62+s13+$0x0], $0xffff;
	[tilespmem:s5+$0x380] =	vst v2;
	v2 =	vor.u32 $0xC, v43  }
0x160: {  	s19 =	smov.u32 s18;
	s10 =	rddreg [dreg:$0x12];
	v57 =	vor.u32 $0xD, v43;
	v61 =	vld.idx.msk [tilespmem:v63+s13+$0x0], $0xffff;
	[tilespmem:s5+$0x300] =	vst v8  }
0x161: {  	[dreg:$0x9] =	wrdreg s19;
	[tilespmem:s22+$0x0] =	vst v36;
	v8 =	vor.u32 $0xB, v43;
	v3 =	vld.idx.msk [tilespmem:v3+s13+$0x0], $0xffff  }
0x162: {  	s7 =	smov.u32 s25;
	s19 =	sld [smem:$0x7E1];
	v36 =	vor.u32 $0xE, v43;
	[tilespmem:s9+$0x0] =	vst v37;
	v6 =	vld.idx.msk [tilespmem:v6+s13+$0x0], $0xffff  }
0x163: {  	s15 =	sadd.s32 $0xF400, s0;
	s16 =	smov.u32 s6;
	v62 =	vor.u32 $0xF, v43;
	s22 =	rddreg [dreg:$0x7];
	[tilespmem:s17+$0x0] =	vst v39;
	v7 =	vld.idx.msk [tilespmem:v7+s13+$0x0], $0xffff  }
0x164: {  	s30 =	smov.u32 s28;
	s28 =	sor.u32 s31, s15;
	[dreg:$0x12] =	wrdreg s16;
	[tilespmem:s22+$0x0] =	vst v41;
	v2 =	vld.idx.msk [tilespmem:v2+s13+$0x0], $0xffff  }
0x165: {  	v34 =	vor.u32 $0x8, v44;
	s20 =	sadd.s32 $0xF500, s0;
	s26 =	smov.u32 s23;
	s16 =	rddreg [dreg:$0xa];
	[tilespmem:s8+$0x0] =	vst v51;
	v39 =	vld.idx.msk [tilespmem:v57+s13+$0x0], $0xffff  }
0x166: {  	v11 =	vmovc v56;
	v35 =	vor.u32 $0x9, v44;
	v32 =	vor.u32 $0xA, v44;
	v5 =	vor.u32 $0x11, v44;
	s23 =	rddreg [dreg:$0x18];
	s18 =	sadd.s32 $0xF480, s0;
	s11 =	smov.u32 s10;
	[tilespmem:s16+$0x0] =	vst v53;
	v8 =	vld.idx.msk [tilespmem:v8+s13+$0x0], $0xffff  }
0x167: {  	v10 =	vmovc v9;
	v9 =	vmovc v54;
	v56 =	vor.u32 $0x12, v44;
	v54 =	vor.u32 $0x13, v44;
	v52 =	vor.u32 $0x14, v44;
	[dreg:$0x4] =	wrdreg s11;
	s11 =	smov.u32 s2;
	s2 =	sor.u32 s1, s15;
	v36 =	vld.idx.msk [tilespmem:v36+s13+$0x0], $0xffff;
	[tilespmem:s19+$0x0] =	vst v55  }
0x168: {  	v49 =	vor.u32 $0x18, v44;
	v48 =	vor.u32 $0x19, v44;
	v47 =	vor.u32 $0x1A, v44;
	[dreg:$0x18] =	wrdreg s7;
	s25 =	sor.u32 s1, s20;
	s22 =	sor.u32 s1, s18;
	v37 =	vld.idx.msk [tilespmem:v62+s13+$0x0], $0xffff;
	[tilespmem:s2+$0x0] =	vst v3  }
0x169: {  	v33 =	vor.u32 $0xB, v44;
	v4 =	vor.u32 $0x10, v44;
	v30 =	vor.u32 $0xC, v44;
	[dreg:$0x5] =	wrdreg s26;
	s26 =	smov.u32 s23;
	s23 =	sadd.s32 $0xF580, s0;
	v51 =	vld.idx.msk [tilespmem:v44+s13+$0x0], $0xffff;
	[tilespmem:s22+$0x0] =	vst v6  }
0x16a: {  	v31 =	vor.u32 $0xD, v44;
	v28 =	vor.u32 $0xE, v44;
	v27 =	vor.u32 $0xF, v44;
	s17 =	smov.u32 s3;
	s3 =	sadd.s32 $0xF600, s0;
	s5 =	sor.u32 s1, s23;
	v53 =	vld.idx.msk [tilespmem:v17+s13+$0x0], $0xffff;
	[tilespmem:s25+$0x0] =	vst v7  }
0x16b: {  	v50 =	vor.u32 $0x17, v44;
	v46 =	vor.u32 $0x1C, v44;
	s7 =	sadd.s32 $0xF680, s0;
	s9 =	rddreg [dreg:$0x15];
	s8 =	sor.u32 s1, s3;
	v55 =	vld.idx.msk [tilespmem:v19+s13+$0x0], $0xffff;
	v3 =	vor.u32 $0x10, v43;
	[tilespmem:s5+$0x0] =	vst v8  }
0x16c: {  	v29 =	vor.u32 $0x1D, v44;
	v26 =	vor.u32 $0x1E, v44;
	s15 =	sor.u32 s1, s7;
	s10 =	smov.u32 s9;
	s9 =	sadd.s32 $0xF700, s0;
	v62 =	vor.u32 $0x11, v43;
	v57 =	vld.idx.msk [tilespmem:v18+s13+$0x0], $0xffff;
	[tilespmem:s8+$0x0] =	vst v2  }
0x16d: {  	v38 =	vor.u32 $0x15, v44;
	v40 =	vor.u32 $0x16, v44;
	v41 =	vor.u32 $0x12, v43;
	s16 =	sor.u32 s31, s20;
	s20 =	sor.u32 s1, s9;
	s19 =	sadd.s32 $0xF780, s0;
	v19 =	vmovc v5;
	v5 =	vld.idx.msk [tilespmem:v22+s13+$0x0], $0xffff;
	[tilespmem:s15+$0x0] =	vst v39  }
0x16e: {  	v45 =	vor.u32 $0x1B, v44;
	v25 =	vor.u32 $0x1F, v44;
	v44 =	vld.idx.msk [tilespmem:v20+s13+$0x0], $0xffff;
	s22 =	sor.u32 s1, s19;
	v6 =	vor.u32 $0x13, v43;
	[tilespmem:s20+$0x0] =	vst v36  }
0x16f: {  	v7 =	vld.idx.msk [tilespmem:v21+s13+$0x0], $0xffff;
	v8 =	vor.u32 $0x14, v43;
	[tilespmem:s22+$0x0] =	vst v37  }
0x170: {  	v21 =	vmov v52;
	v52 =	vor.u32 $0x15, v43;
	v3 =	vld.idx.msk [tilespmem:v3+s13+$0x0], $0xffff  }
0x171: {  	v18 =	vmov v56;
	v22 =	vmov v54;
	v56 =	vor.u32 $0x16, v43;
	v54 =	vld.idx.msk [tilespmem:v62+s13+$0x0], $0xffff  }
0x172: {  	[dreg:$0x7] =	wrdreg s26;
	[tilespmem:s24+$0x80] =	vst v42;
	v42 =	vor.u32 $0x17, v43;
	v41 =	vld.idx.msk [tilespmem:v41+s13+$0x0], $0xffff  }
0x173: {  	s26 =	sor.u32 s31, s18;
	[dreg:$0x15] =	wrdreg s11;
	v6 =	vld.idx.msk [tilespmem:v6+s13+$0x0], $0xffff  }
0x174: {  	s11 =	sor.u32 s31, s23;
	[dreg:$0xa] =	wrdreg s17;
	s17 =	sor.u32 s31, s7;
	v8 =	vld.idx.msk [tilespmem:v8+s13+$0x0], $0xffff  }
0x175: {  	s18 =	sor.u32 s31, s9;
	s7 =	smov.u32 s12;
	s8 =	sadd.s32 $0x10400, s0;
	v37 =	vld.idx.msk [tilespmem:v52+s13+$0x0], $0xffff  }
0x176: {  	s23 =	rddreg [dreg:$0x1e];
	s9 =	sadd.s32 $0x10480, s0;
	s12 =	sor.u32 s1, s8;
	v2 =	vld.idx.msk [tilespmem:v56+s13+$0x0], $0xffff  }
0x177: {  	v17 =	vmov v4;
	s5 =	sor.u32 s31, s19;
	s19 =	sor.u32 s1, s9;
	s15 =	sadd.s32 $0x10500, s0;
	v4 =	vld.idx.msk [tilespmem:v42+s13+$0x0], $0xffff;
	[tilespmem:s12+$0x0] =	vst v3  }
0x178: {  	s25 =	smov.u32 s23;
	s20 =	sadd.s32 $0x10580, s0;
	s22 =	sor.u32 s1, s15;
	[tilespmem:s19+$0x0] =	vst v54  }
0x179: {  	[smem:$0x7E1] =	sst s25;
	s25 =	sor.u32 s1, s20;
	[tilespmem:s22+$0x0] =	vst v41  }
0x17a: {  	[tilespmem:s25+$0x0] =	vst v6;
	v6 =	vld [tilespmem:$0x1FFB0];
	_ =	sdelay $0x1  }
0x17b: {  	[tilespmem:s24+$0x100] =	vst v0  }
0x17c: {  	[tilespmem:s24+$0x180] =	vst v1  }
0x17d: {  	[tilespmem:s24+$0x200] =	vst v58  }
0x17e: {  	[tilespmem:s24+$0x280] =	vst v59  }
0x17f: {  	[tilespmem:s24+$0x300] =	vst v60  }
0x180: {  	[tilespmem:s24+$0x380] =	vst v61  }
0x181: {  	v39 =	vld.idx.msk [tilespmem:v6+s13+$0x0], $0xffff  }
0x182: {  	v6 =	vld [tilespmem:$0x1FFC0]  }
0x183: {  	[dreg:$0xb] =	wrdreg s10;
	s10 =	sor.u32 s31, s3;
	s23 =	sadd.s32 $0x10600, s0;
	v59 =	vld [tilespmem:$0x1FFA0]  }
0x184: {  	s3 =	sadd.s32 $0x10680, s0;
	v61 =	vmov v10;
	v10 =	vld [tilespmem:$0x1FF80];
	s12 =	sor.u32 s31, s20;
	s20 =	sor.u32 s1, s23  }
0x185: {  	v20 =	vmov v38;
	v38 =	vld.idx.msk [tilespmem:v24+s13+$0x0], $0xffff;
	s25 =	sor.u32 s1, s3;
	[tilespmem:s20+$0x0] =	vst v8  }
0x186: {  	[tilespmem:s25+$0x0] =	vst v37;
	v37 =	vld.idx.msk [tilespmem:v11+s13+$0x0], $0xffff  }
0x187: {  	v11 =	vmov v6;
	v6 =	vld [tilespmem:$0x1FFD0]  }
0x188: {  	[dreg:$0x1e] =	wrdreg s7;
	s6 =	sor.u32 s31, s9;
	v24 =	vmov v40;
	v40 =	vld.idx.msk [tilespmem:v23+s13+$0x0], $0xffff;
	v23 =	vmov v50;
	v50 =	vor.u32 $0x18, v43  }
0x189: {  	s7 =	sor.u32 s31, s15;
	s15 =	sor.u32 s31, s23;
	v42 =	vld.idx.msk [tilespmem:v9+s13+$0x0], $0xffff;
	v52 =	vor.u32 $0x19, v43;
	s22 =	sadd.s32 $0x10700, s0  }
0x18a: {  	v9 =	vld [tilespmem:$0x1FF70];
	s23 =	sor.u32 s31, s3;
	s3 =	sadd.s32 $0x10780, s0;
	s9 =	sor.u32 s1, s22  }
0x18b: {  	v36 =	vld.idx.msk [tilespmem:v59+s13+$0x0], $0xffff;
	v3 =	vor.u32 $0x1A, v43;
	s20 =	sor.u32 s1, s3;
	[tilespmem:s9+$0x0] =	vst v2  }
0x18c: {  	v60 =	vor.u32 $0x1C, v43;
	v8 =	vld [tilespmem:$0x1FF90];
	[tilespmem:s20+$0x0] =	vst v4  }
0x18d: {  	v54 =	vmov v13;
	v13 =	vmov v45;
	s25 =	sld [smem:$0x7CF];
	v2 =	vor.u32 $0x1B, v43;
	v45 =	vld.idx.msk [tilespmem:v50+s13+$0x0], $0xffff  }
0x18e: {  	v58 =	vmov v16;
	v16 =	vmov v46;
	v62 =	vor.u32 $0x1D, v43;
	s19 =	sor.u32 s31, s22;
	s22 =	sor.u32 s31, s3;
	s3 =	sld [smem:$0x7D0];
	v46 =	vld.idx.msk [tilespmem:v52+s13+$0x0], $0xffff  }
0x18f: {  	v41 =	vld.idx.msk [tilespmem:v6+s13+$0x0], $0xffff;
	[tilespmem:s24+$0x0] =	vst v51  }
0x190: {  	p1 =	slt.u32 s4, $0x1E;
	v56 =	vmov v14;
	v14 =	vmov v47;
	s9 =	smov.u32 s6;
	s6 =	sld [smem:$0x7D1];
	v47 =	vld.idx.msk [tilespmem:v3+s13+$0x0], $0xffff;
	[tilespmem:s25+$0x0] =	vst v53  }
.Ltmp0:
0x191: {  	v63 =	vmov v12;
	v12 =	vmov v49;
	v49 =	vld.idx.msk [tilespmem:v60+s13+$0x0], $0xffff;
	[tilespmem:s3+$0x0] =	vst v55;
	s3 =	smov.u32 s7;
	s7 =	sld [smem:$0x7F2];
	(pc) =	sbr.rel @p1 .LBB2_3-.Ltmp0, $4  }
0x192: {  	v59 =	vmov v15;
	v15 =	vmov v48;
	s20 =	sld [smem:$0x7F3];
	v48 =	vld.idx.msk [tilespmem:v2+s13+$0x0], $0xffff  }
0x193: {  	s29 =	sadd.s32 $0x20, s29;
	v50 =	vor.u32 $0x1F, v43;
	v51 =	vor.u32 $0x1E, v43;
	v43 =	vld.idx.msk [tilespmem:v62+s13+$0x0], $0xffff;
	s24 =	smov.u32 s15;
	[tilespmem:s6+$0x0] =	vst v57  }
0x194: {  	s2 =	sor.u32 s31, s8;
	s8 =	smov.u32 s12;
	v53 =	vld [tilespmem:$0x1FFF0];
	[smem:$0x7F3] =	sst s24;
	[tilespmem:s7+$0x0] =	vst v5  }
0x195: {  	s12 =	sadd.s32 $0x11400, s0;
	s25 =	smov.u32 s2;
	v55 =	vld [tilespmem:$0x1FFE0];
	[smem:$0x7F2] =	sst s8;
	[tilespmem:s20+$0x0] =	vst v7  }
0x196: {  	_ =	sdelay $0x3  }
0x197: {  	v0 =	vld.idx.msk [tilespmem:v51+s13+$0x0], $0xffff  }
0x198: {  	v1 =	vld.idx.msk [tilespmem:v50+s13+$0x0], $0xffff  }
0x199: {  	v2 =	vld.idx.msk [tilespmem:v34+s13+$0x0], $0xffff  }
0x19a: {  	[tilespmem:s21+$0x0] =	vst v44;
	s2 =	sadd.s32 $0x11480, s0;
	s4 =	sor.u32 s1, s12;
	v3 =	vld.idx.msk [tilespmem:v35+s13+$0x0], $0xffff  }
0x19b: {  	v4 =	vld.idx.msk [tilespmem:v32+s13+$0x0], $0xffff;
	[tilespmem:s4+$0x0] =	vst v45;
	s4 =	sadd.s32 $0x11500, s0;
	s6 =	sor.u32 s1, s2  }
0x19c: {  	v5 =	vld.idx.msk [tilespmem:v33+s13+$0x0], $0xffff;
	[tilespmem:s6+$0x0] =	vst v46;
	s6 =	sadd.s32 $0x11580, s0;
	s7 =	sor.u32 s1, s4  }
0x19d: {  	v6 =	vld.idx.msk [tilespmem:v30+s13+$0x0], $0xffff;
	[tilespmem:s7+$0x0] =	vst v47;
	s7 =	sadd.s32 $0x11600, s0;
	s8 =	sor.u32 s1, s6  }
0x19e: {  	v7 =	vld.idx.msk [tilespmem:v31+s13+$0x0], $0xffff;
	[tilespmem:s8+$0x0] =	vst v48;
	s15 =	sor.u32 s1, s7  }
0x19f: {  	s20 =	sadd.s32 $0x11680, s0;
	v33 =	vld.idx.msk [tilespmem:v28+s13+$0x0], $0xffff;
	[tilespmem:s15+$0x0] =	vst v49  }
0x1a0: {  	v34 =	vld.idx.msk [tilespmem:v27+s13+$0x0], $0xffff;
	s21 =	sor.u32 s1, s20;
	[tilespmem:s28+$0x0] =	vst v2  }
0x1a1: {  	s15 =	sadd.s32 $0x11700, s0;
	[tilespmem:s21+$0x0] =	vst v43  }
0x1a2: {  	s29 =	sor.u32 s1, s15;
	[tilespmem:s26+$0x0] =	vst v3  }
0x1a3: {  	s24 =	sadd.s32 $0x11780, s0;
	[tilespmem:s29+$0x0] =	vst v0  }
0x1a4: {  	s8 =	sor.u32 s1, s24;
	[tilespmem:s16+$0x0] =	vst v4  }
0x1a5: {  	[tilespmem:s8+$0x0] =	vst v1  }
0x1a6: {  	[tilespmem:s11+$0x0] =	vst v5  }
0x1a7: {  	[tilespmem:s10+$0x0] =	vst v6  }
0x1a8: {  	[tilespmem:s17+$0x0] =	vst v7  }
0x1a9: {  	[tilespmem:s18+$0x0] =	vst v33  }
0x1aa: {  	[tilespmem:s5+$0x0] =	vst v34  }
0x1ab: {  	s1 =	sld [smem:$0x7E8];
	_ =	sdelay $0x2  }
0x1ac: {  	[tilespmem:s1+$0x0] =	vst v38  }
0x1ad: {  	s1 =	sld [smem:$0x7EA];
	_ =	sdelay $0x2  }
0x1ae: {  	v35 =	vld.idx.msk [tilespmem:v55+s13+$0x0], $0xffff;
	[tilespmem:s1+$0x0] =	vst v40  }
0x1af: {  	v43 =	vld.idx.msk [tilespmem:v63+s13+$0x0], $0xffff;
	s1 =	rddreg [dreg:$0x3]  }
0x1b0: {  	v38 =	vld.idx.msk [tilespmem:v61+s13+$0x0], $0xffff;
	[tilespmem:s1+$0x0] =	vst v42  }
0x1b1: {  	s1 =	rddreg [dreg:$0x5]  }
0x1b2: {  	[tilespmem:s1+$0x0] =	vst v36  }
0x1b3: {  	s1 =	rddreg [dreg:$0x4]  }
0x1b4: {  	[tilespmem:s1+$0x0] =	vst v37  }
0x1b5: {  	s1 =	rddreg [dreg:$0x9]  }
0x1b6: {  	v3 =	vld.idx.msk [tilespmem:v17+s13+$0x0], $0xffff;
	[tilespmem:s1+$0x0] =	vst v39  }
0x1b7: {  	v4 =	vld.idx.msk [tilespmem:v19+s13+$0x0], $0xffff;
	s1 =	rddreg [dreg:$0x7]  }
0x1b8: {  	v5 =	vld.idx.msk [tilespmem:v18+s13+$0x0], $0xffff;
	[tilespmem:s1+$0x0] =	vst v41  }
0x1b9: {  	v6 =	vld.idx.msk [tilespmem:v22+s13+$0x0], $0xffff;
	s1 =	rddreg [dreg:$0xb]  }
0x1ba: {  	v7 =	vld.idx.msk [tilespmem:v21+s13+$0x0], $0xffff;
	[tilespmem:s1+$0x0] =	vst v35  }
0x1bb: {  	v44 =	vld.idx.msk [tilespmem:v20+s13+$0x0], $0xffff;
	s1 =	rddreg [dreg:$0xa]  }
0x1bc: {  	v45 =	vld.idx.msk [tilespmem:v24+s13+$0x0], $0xffff;
	[tilespmem:s1+$0x0] =	vst v38  }
0x1bd: {  	v46 =	vld.idx.msk [tilespmem:v23+s13+$0x0], $0xffff;
	s1 =	sld [smem:$0x7E1];
	[tilespmem:s25+$0x0] =	vst v3  }
0x1be: {  	[tilespmem:s9+$0x0] =	vst v4  }
0x1bf: {  	[tilespmem:s3+$0x0] =	vst v5  }
0x1c0: {  	[tilespmem:s1+$0x0] =	vst v43  }
0x1c1: {  	s1 =	sld [smem:$0x7F2];
	_ =	sdelay $0x2  }
0x1c2: {  	[tilespmem:s1+$0x0] =	vst v6  }
0x1c3: {  	s1 =	sld [smem:$0x7F3]  }
0x1c4: {  	v47 =	vld.idx.msk [tilespmem:v54+s13+$0x0], $0xffff  }
0x1c5: {  	v48 =	vld.idx.msk [tilespmem:v59+s13+$0x0], $0xffff  }
0x1c6: {  	v49 =	vld.idx.msk [tilespmem:v56+s13+$0x0], $0xffff;
	[tilespmem:s1+$0x0] =	vst v7  }
0x1c7: {  	v50 =	vld.idx.msk [tilespmem:v11+s13+$0x0], $0xffff;
	[tilespmem:s23+$0x0] =	vst v44  }
0x1c8: {  	v51 =	vld.idx.msk [tilespmem:v58+s13+$0x0], $0xffff;
	[tilespmem:s19+$0x0] =	vst v45  }
0x1c9: {  	v52 =	vld.idx.msk [tilespmem:v10+s13+$0x0], $0xffff;
	[tilespmem:s22+$0x0] =	vst v46  }
0x1ca: {  	v54 =	vld.idx.msk [tilespmem:v9+s13+$0x0], $0xffff;
	s1 =	rddreg [dreg:$0x17]  }
0x1cb: {  	v55 =	vld.idx.msk [tilespmem:v8+s13+$0x0], $0xffff;
	[tilespmem:s1+$0x0] =	vst v47  }
0x1cc: {  	s1 =	rddreg [dreg:$0x13]  }
0x1cd: {  	[tilespmem:s1+$0x0] =	vst v48  }
0x1ce: {  	s1 =	rddreg [dreg:$0x12]  }
0x1cf: {  	[tilespmem:s1+$0x0] =	vst v49  }
0x1d0: {  	v56 =	vld.idx.msk [tilespmem:v12+s13+$0x0], $0xffff;
	s1 =	rddreg [dreg:$0x11]  }
0x1d1: {  	v57 =	vld.idx.msk [tilespmem:v15+s13+$0x0], $0xffff;
	[tilespmem:s1+$0x0] =	vst v50  }
0x1d2: {  	v58 =	vld.idx.msk [tilespmem:v14+s13+$0x0], $0xffff;
	s1 =	rddreg [dreg:$0x18]  }
0x1d3: {  	v59 =	vld.idx.msk [tilespmem:v13+s13+$0x0], $0xffff;
	[tilespmem:s1+$0x0] =	vst v51  }
0x1d4: {  	v60 =	vld.idx.msk [tilespmem:v16+s13+$0x0], $0xffff;
	s1 =	rddreg [dreg:$0x15]  }
0x1d5: {  	v61 =	vld.idx.msk [tilespmem:v29+s13+$0x0], $0xffff;
	[tilespmem:s1+$0x0] =	vst v52  }
0x1d6: {  	s10 =	sor.u32 s31, s12;
	v62 =	vld.idx.msk [tilespmem:v26+s13+$0x0], $0xffff;
	[tilespmem:s30+$0x0] =	vst v54  }
0x1d7: {  	v63 =	vld.idx.msk [tilespmem:v25+s13+$0x0], $0xffff;
	s1 =	rddreg [dreg:$0x1e];
	[tilespmem:s10+$0x0] =	vst v56  }
0x1d8: {  	s11 =	sor.u32 s31, s2;
	[tilespmem:s1+$0x0] =	vst v55  }
0x1d9: {  	s12 =	sor.u32 s31, s4;
	[tilespmem:s11+$0x0] =	vst v57  }
0x1da: {  	s16 =	sor.u32 s31, s6;
	[tilespmem:s12+$0x0] =	vst v58  }
0x1db: {  	[tilespmem:s16+$0x0] =	vst v59  }
0x1dc: {  	s18 =	sld [smem:$0x7F9]  }
0x1dd: {  	s3 =	sld [smem:$0x7F5]  }
0x1de: {  	s17 =	sor.u32 s31, s7  }
0x1df: {  	s19 =	sor.u32 s31, s20;
	[tilespmem:s17+$0x0] =	vst v60  }
0x1e0: {  	s21 =	sor.u32 s31, s15;
	[tilespmem:s19+$0x0] =	vst v61;
	s2 =	sadd.s32 s18, s3  }
0x1e1: {  	s0 =	sor.u32 s31, s24;
	[tilespmem:s21+$0x0] =	vst v62;
	s20 =	sshll.u32 s2, $0x9;
	s2 =	sshll.u32 s2, $0xB  }
0x1e2: {  	s22 =	rddreg [dreg:$0x1];
	[tilespmem:s0+$0x0] =	vst v63;
	s1 =	sand.u32 $0xC00, s20;
	s2 =	sand.u32 $0xFFFC000, s2  }
0x1e3: {  	s24 =	simm.s32 $0xE400;
	s25 =	sld [smem:$0x7FA];
	s1 =	sor.u32 s1, s2  }
0x1e4: {  	s23 =	simm.s32 $0x0;
	s28 =	sld [smem:$0x7FB];
	s0 =	sadd.s32 s22, s1  }
0x1e5: {  	[hbm4b:s0+s23] =	stream.linear.scatter [tilespmem:s24], [sflag:$0x3], $0x1000, $0x38;
	[tilespmem:$0x16400] =	vst v63  }
0x1e6: {  	s26 =	simm.s32 $0xF400;
	s30 =	sld [smem:$0x7FC];
	s0 =	sadd.s32 s1, s25  }
0x1e7: {  	[hbm4b:s0+s23] =	stream.linear.scatter [tilespmem:s26], [sflag:$0x3], $0x1000, $0x38;
	[tilespmem:$0x16400] =	vst v63  }
0x1e8: {  	s29 =	simm.s32 $0x10400;
	s0 =	sadd.s32 s1, s28  }
0x1e9: {  	[hbm4b:s0+s23] =	stream.linear.scatter [tilespmem:s29], [sflag:$0x3], $0x1000, $0x38;
	[tilespmem:$0x16400] =	vst v63  }
0x1ea: {  	s31 =	simm.s32 $0x11400;
	s0 =	sadd.s32 s1, s30  }
0x1eb: {  	[hbm4b:s0+s23] =	stream.linear.scatter [tilespmem:s31], [sflag:$0x3], $0x1000, $0x38;
	[tilespmem:$0x16400] =	vst v63  }
0x1ec: {  	s0 =	sld [smem:$0x7F4];
	_ =	sdelay $0x2  }
0x1ed: {  	p1 =	sne.s32 s0, $0x18  }
.Ltmp1:
0x1ee: {  	_ = 	snop;
	(pc) =	sbr.rel @p1 .LBB2_6-.Ltmp1, $1  }
0x1ef: {  	_ =	sdelay $0x3  }
.Ltmp2:
0x1f0: {  	(pc) =	sbr.rel .LBB2_7-.Ltmp2, $4  }
0x1f1: {  	s0 =	simm.s32 $0x2  }
0x1f2: {  	_ =	swait.ge [sflag:s0], $0x4000  }
0x1f3: {  	[sflag:s0] =	ssyncset.done $0x0  }
0x1f4: {  	[sflag:s0] =	ssyncadd.s32 $0xFFFFC000  }
.LBB2_6:
0x1f5: {  	s0 =	sshll.u32 s0, $0xA;
	s1 =	sld [smem:$0x7F7]  }
0x1f6: {  	s2 =	simm.s32 $0x200;
	s0 =	sand.u32 $0x3FFFFC00, s0  }
.Ltmp3:
0x1f7: {  	s31 =	simm.s32 $0x2;
	s0 =	sadd.s32 $0x400, s0;
	(pc) =	sbr.rel @p0 .LBB2_8-.Ltmp3, $4  }
0x1f8: {  	[tilespmem:s13], [sflag:$0x1] =	stream.indirect.gather [hbm4b:s1+s2], $0x20, s0, s2, $0xb8;
	[tilespmem:$0x16400] =	vst v63  }
0x1f9: {  	_ =	swait.ge [sflag:s31], $0x4000  }
0x1fa: {  	[sflag:s31] =	ssyncset.done $0x0  }
0x1fb: {  	[sflag:s31] =	ssyncadd.s32 $0xFFFFC000  }
.LBB2_7:
0x1fc: {  	s0 =	simm.s32 $0x4  }
0x1fd: {  	_ =	swait.ge [sflag:s0], $0x1000  }
0x1fe: {  	[sflag:s0] =	ssyncset.done $0x0  }
0x1ff: {  	[sflag:s0] =	ssyncadd.s32 $0xFFFFF000  }
0x200: {  	_ =	swait.ge [sflag:s0], $0x1000  }
0x201: {  	[sflag:s0] =	ssyncset.done $0x0  }
0x202: {  	[sflag:s0] =	ssyncadd.s32 $0xFFFFF000  }
0x203: {  	_ =	swait.ge [sflag:s0], $0x1000  }
0x204: {  	[sflag:s0] =	ssyncset.done $0x0  }
0x205: {  	[sflag:s0] =	ssyncadd.s32 $0xFFFFF000  }
0x206: {  	_ =	swait.ge [sflag:s0], $0x1000  }
0x207: {  	[sflag:s0] =	ssyncset.done $0x0  }
0x208: {  	[sflag:s0] =	ssyncadd.s32 $0xFFFFF000  }
.LBB2_8:
0x209: {  	s0 =	simm.s32 $0x0  }
0x20a: {  	s12 =	simm.s32 $0x0;
	s20 =	sand.u32 $0x60, s0  }
0x20b: {  	s0 =	sand.u32 $0xFFFFFF80, s12;
	s3 =	sor.u32 $0x10, s20  }
0x20c: {  	s1 =	sor.u32 s0, s3  }
0x20d: {  	v0 =	vmov s1  }
0x20e: {  	v0 =	vshll.u32 v0, $0x5  }
0x20f: {  	v2 =	vor.u32 v53, v0  }
0x210: {  	v0 =	vor.u32 $0x1, v2  }
0x211: {  	v1 =	vor.u32 $0x2, v2  }
0x212: {  	v3 =	vor.u32 $0x3, v2  }
0x213: {  	v4 =	vor.u32 $0x4, v2  }
0x214: {  	v6 =	vor.u32 $0x5, v2;
	v5 =	vld.idx.msk [tilespmem:v2+s14+$0x0], $0xffff  }
0x215: {  	v7 =	vor.u32 $0x6, v2;
	v0 =	vld.idx.msk [tilespmem:v0+s14+$0x0], $0xffff  }
0x216: {  	v8 =	vor.u32 $0x7, v2;
	v1 =	vld.idx.msk [tilespmem:v1+s14+$0x0], $0xffff  }
0x217: {  	s15 =	simm.s32 $0x0;
	v3 =	vld.idx.msk [tilespmem:v3+s14+$0x0], $0xffff  }
0x218: {  	s4 =	sand.u32 $0x3FFFFC00, s15;
	v4 =	vld.idx.msk [tilespmem:v4+s14+$0x0], $0xffff  }
0x219: {  	s7 =	sadd.s32 $0x12400, s4;
	v6 =	vld.idx.msk [tilespmem:v6+s14+$0x0], $0xffff  }
0x21a: {  	s16 =	sor.u32 s3, s7;
	v7 =	vld.idx.msk [tilespmem:v7+s14+$0x0], $0xffff  }
0x21b: {  	v8 =	vld.idx.msk [tilespmem:v8+s14+$0x0], $0xffff;
	[tilespmem:s16+$0x0] =	vst v5  }
0x21c: {  	[tilespmem:s16+$0x80] =	vst v0  }
0x21d: {  	[tilespmem:s16+$0x100] =	vst v1  }
0x21e: {  	v50 =	vor.u32 $0x8, v2;
	[tilespmem:s16+$0x180] =	vst v3  }
0x21f: {  	v51 =	vor.u32 $0x9, v2;
	[tilespmem:s16+$0x200] =	vst v4  }
0x220: {  	v52 =	vor.u32 $0xA, v2;
	[tilespmem:s16+$0x280] =	vst v6  }
0x221: {  	v54 =	vor.u32 $0xB, v2;
	[tilespmem:s16+$0x300] =	vst v7  }
0x222: {  	v55 =	vor.u32 $0xC, v2;
	[tilespmem:s16+$0x380] =	vst v8  }
0x223: {  	v6 =	vor.u32 $0xD, v2;
	v0 =	vld.idx.msk [tilespmem:v50+s14+$0x0], $0xffff  }
0x224: {  	v7 =	vor.u32 $0xE, v2;
	v1 =	vld.idx.msk [tilespmem:v51+s14+$0x0], $0xffff  }
0x225: {  	v8 =	vor.u32 $0xF, v2;
	v3 =	vld.idx.msk [tilespmem:v52+s14+$0x0], $0xffff  }
0x226: {  	v4 =	vld.idx.msk [tilespmem:v54+s14+$0x0], $0xffff  }
0x227: {  	v5 =	vld.idx.msk [tilespmem:v55+s14+$0x0], $0xffff  }
0x228: {  	s28 =	sadd.s32 $0x13400, s4;
	v6 =	vld.idx.msk [tilespmem:v6+s14+$0x0], $0xffff  }
0x229: {  	s26 =	sadd.s32 $0x13480, s4;
	s17 =	sor.u32 s3, s28;
	v7 =	vld.idx.msk [tilespmem:v7+s14+$0x0], $0xffff  }
0x22a: {  	s18 =	sadd.s32 $0x13500, s4;
	s19 =	sor.u32 s3, s26;
	v8 =	vld.idx.msk [tilespmem:v8+s14+$0x0], $0xffff;
	[tilespmem:s17+$0x0] =	vst v0  }
0x22b: {  	s21 =	sor.u32 s3, s18;
	s16 =	sadd.s32 $0x13580, s4;
	[tilespmem:s19+$0x0] =	vst v1  }
0x22c: {  	s15 =	sadd.s32 $0x13600, s4;
	s2 =	sor.u32 s3, s16;
	[tilespmem:s21+$0x0] =	vst v3  }
0x22d: {  	s22 =	sor.u32 s3, s15;
	s1 =	sadd.s32 $0x13680, s4;
	v56 =	vor.u32 $0x10, v2;
	[tilespmem:s2+$0x0] =	vst v4  }
0x22e: {  	s11 =	sadd.s32 $0x13700, s4;
	s23 =	sor.u32 s3, s1;
	v57 =	vor.u32 $0x11, v2;
	[tilespmem:s22+$0x0] =	vst v5  }
0x22f: {  	s12 =	sadd.s32 $0x13780, s4;
	s24 =	sor.u32 s3, s11;
	v58 =	vor.u32 $0x12, v2;
	[tilespmem:s23+$0x0] =	vst v6  }
0x230: {  	s25 =	sor.u32 s3, s12;
	v59 =	vor.u32 $0x13, v2;
	[tilespmem:s24+$0x0] =	vst v7  }
0x231: {  	s0 =	sor.u32 s20, s0;
	v60 =	vor.u32 $0x14, v2;
	[tilespmem:s25+$0x0] =	vst v8  }
0x232: {  	v9 =	vor.u32 $0x16, v2;
	v6 =	vmov s0;
	v0 =	vld.idx.msk [tilespmem:v56+s14+$0x0], $0xffff  }
0x233: {  	v7 =	vor.u32 $0x15, v2;
	v6 =	vshll.u32 v6, $0x5;
	v8 =	vld.idx.msk [tilespmem:v57+s14+$0x0], $0xffff  }
0x234: {  	v1 =	vor.u32 v53, v6;
	v6 =	vor.u32 $0x17, v2;
	v3 =	vld.idx.msk [tilespmem:v58+s14+$0x0], $0xffff  }
0x235: {  	v10 =	vor.u32 $0x1, v1;
	v4 =	vld.idx.msk [tilespmem:v59+s14+$0x0], $0xffff  }
0x236: {  	v11 =	vor.u32 $0x2, v1;
	v5 =	vld.idx.msk [tilespmem:v60+s14+$0x0], $0xffff  }
0x237: {  	v13 =	vor.u32 $0x4, v1;
	v9 =	vld.idx.msk [tilespmem:v9+s14+$0x0], $0xffff  }
0x238: {  	s0 =	sadd.s32 $0x14400, s4;
	v12 =	vor.u32 $0x3, v1;
	v7 =	vld.idx.msk [tilespmem:v7+s14+$0x0], $0xffff  }
0x239: {  	s6 =	sadd.s32 $0x14480, s4;
	s5 =	sor.u32 s3, s0;
	v14 =	vor.u32 $0x5, v1;
	v6 =	vld.idx.msk [tilespmem:v6+s14+$0x0], $0xffff  }
0x23a: {  	s8 =	sor.u32 s3, s6;
	s21 =	sadd.s32 $0x14500, s4;
	v10 =	vld.idx.msk [tilespmem:v10+s14+$0x0], $0xffff;
	[tilespmem:s5+$0x0] =	vst v0  }
0x23b: {  	s9 =	sor.u32 s3, s21;
	s23 =	sadd.s32 $0x14580, s4;
	v15 =	vor.u32 $0x6, v1;
	v11 =	vld.idx.msk [tilespmem:v11+s14+$0x0], $0xffff;
	[tilespmem:s8+$0x0] =	vst v8  }
0x23c: {  	s10 =	sor.u32 s3, s23;
	v62 =	vld.idx.msk [tilespmem:v13+s14+$0x0], $0xffff;
	[tilespmem:s9+$0x0] =	vst v3  }
0x23d: {  	s24 =	sadd.s32 $0x14600, s4;
	v61 =	vor.u32 $0x7, v1;
	s5 =	sadd.s32 $0x14700, s4;
	v8 =	vld.idx.msk [tilespmem:v12+s14+$0x0], $0xffff;
	[tilespmem:s10+$0x0] =	vst v4  }
0x23e: {  	s17 =	sor.u32 s3, s24;
	v12 =	vld.idx.msk [tilespmem:v14+s14+$0x0], $0xffff;
	[smem:$0x7B5] =	sst s5  }
0x23f: {  	s25 =	sadd.s32 $0x14680, s4;
	s9 =	sadd.s32 $0x14780, s4;
	[tilespmem:s17+$0x0] =	vst v5  }
0x240: {  	v63 =	vor.u32 $0x18, v2;
	s19 =	sor.u32 s3, s25;
	v13 =	vld.idx.msk [tilespmem:v15+s14+$0x0], $0xffff;
	[smem:$0x7B6] =	sst s9  }
0x241: {  	v32 =	vor.u32 $0x19, v2;
	s22 =	sor.u32 s3, s5;
	[tilespmem:s19+$0x0] =	vst v7  }
0x242: {  	s8 =	simm.s32 $0x20;
	v15 =	vor.u32 $0x1D, v2;
	v0 =	vld.idx.msk [tilespmem:v61+s14+$0x0], $0xffff;
	s19 =	sor.u32 s20, s7;
	[tilespmem:s22+$0x0] =	vst v9  }
0x243: {  	v16 =	vor.u32 $0x1E, v2;
	s2 =	simm.s32 $0x20;
	s5 =	sand.u32 $0x60, s8;
	s9 =	sor.u32 s3, s9;
	v14 =	vld.idx.msk [tilespmem:v1+s14+$0x0], $0xffff;
	[tilespmem:s19+$0x80] =	vst v10  }
0x244: {  	v18 =	vor.u32 $0x1F, v2;
	s8 =	sand.u32 $0xFFFFFF80, s2;
	s10 =	sor.u32 $0x10, s5;
	[tilespmem:s9+$0x0] =	vst v6  }
0x245: {  	s17 =	sor.u32 s8, s10;
	v7 =	vor.u32 $0x1A, v2;
	[tilespmem:s19+$0x100] =	vst v11;
	v4 =	vld.idx.msk [tilespmem:v63+s14+$0x0], $0xffff  }
0x246: {  	v17 =	vmov s17;
	v9 =	vor.u32 $0x1B, v2;
	[tilespmem:s19+$0x180] =	vst v8;
	v5 =	vld.idx.msk [tilespmem:v32+s14+$0x0], $0xffff  }
0x247: {  	v23 =	vor.u32 $0x8, v1;
	v33 =	vshll.u32 v17, $0x5;
	[tilespmem:s19+$0x200] =	vst v62;
	v15 =	vld.idx.msk [tilespmem:v15+s14+$0x0], $0xffff  }
0x248: {  	[tilespmem:s19+$0x280] =	vst v12;
	v6 =	vor.u32 $0x1C, v2;
	v2 =	vor.u32 v53, v33;
	v16 =	vld.idx.msk [tilespmem:v16+s14+$0x0], $0xffff  }
0x249: {  	v17 =	vor.u32 $0x1, v2;
	v18 =	vld.idx.msk [tilespmem:v18+s14+$0x0], $0xffff;
	[tilespmem:s19+$0x300] =	vst v13  }
0x24a: {  	v19 =	vor.u32 $0x2, v2;
	v7 =	vld.idx.msk [tilespmem:v7+s14+$0x0], $0xffff;
	[tilespmem:s19+$0x380] =	vst v0  }
0x24b: {  	v20 =	vor.u32 $0x3, v2;
	[tilespmem:s19+$0x0] =	vst v14;
	v9 =	vld.idx.msk [tilespmem:v9+s14+$0x0], $0xffff  }
0x24c: {  	v21 =	vor.u32 $0x4, v2;
	v23 =	vld.idx.msk [tilespmem:v23+s14+$0x0], $0xffff  }
0x24d: {  	v22 =	vor.u32 $0x5, v2;
	v10 =	vld.idx.msk [tilespmem:v2+s14+$0x0], $0xffff  }
0x24e: {  	v11 =	vld.idx.msk [tilespmem:v17+s14+$0x0], $0xffff;
	v17 =	vor.u32 $0x6, v2  }
0x24f: {  	v8 =	vld.idx.msk [tilespmem:v19+s14+$0x0], $0xffff;
	v19 =	vor.u32 $0x7, v2  }
0x250: {  	s2 =	simm.s32 $0x100;
	v34 =	vld.idx.msk [tilespmem:v20+s14+$0x0], $0xffff  }
0x251: {  	s22 =	sand.u32 $0x3FFFFC00, s2;
	v20 =	vor.u32 $0x9, v1;
	v12 =	vld.idx.msk [tilespmem:v21+s14+$0x0], $0xffff  }
0x252: {  	s7 =	sadd.s32 $0x12400, s22;
	v21 =	vor.u32 $0xA, v1;
	v13 =	vld.idx.msk [tilespmem:v22+s14+$0x0], $0xffff  }
0x253: {  	s17 =	sor.u32 s10, s7;
	v22 =	vor.u32 $0xB, v1;
	v35 =	vld.idx.msk [tilespmem:v17+s14+$0x0], $0xffff  }
0x254: {  	v17 =	vor.u32 $0xC, v1;
	v14 =	vld.idx.msk [tilespmem:v19+s14+$0x0], $0xffff;
	[tilespmem:s17+$0x0] =	vst v10  }
0x255: {  	v6 =	vld.idx.msk [tilespmem:v6+s14+$0x0], $0xffff;
	v19 =	vor.u32 $0xD, v1;
	[tilespmem:s17+$0x80] =	vst v11  }
0x256: {  	v20 =	vld.idx.msk [tilespmem:v20+s14+$0x0], $0xffff;
	[tilespmem:s17+$0x100] =	vst v8  }
0x257: {  	v21 =	vld.idx.msk [tilespmem:v21+s14+$0x0], $0xffff;
	[tilespmem:s17+$0x180] =	vst v34  }
0x258: {  	v10 =	vor.u32 $0xE, v1;
	v22 =	vld.idx.msk [tilespmem:v22+s14+$0x0], $0xffff;
	[tilespmem:s17+$0x200] =	vst v12  }
0x259: {  	s19 =	sadd.s32 $0x15400, s4;
	[tilespmem:s17+$0x280] =	vst v13;
	v17 =	vld.idx.msk [tilespmem:v17+s14+$0x0], $0xffff  }
0x25a: {  	v11 =	vor.u32 $0xF, v1;
	v12 =	vld.idx.msk [tilespmem:v19+s14+$0x0], $0xffff;
	[smem:$0x7B7] =	sst s19  }
0x25b: {  	v36 =	vor.u32 $0x8, v2;
	[tilespmem:s17+$0x300] =	vst v35  }
0x25c: {  	v8 =	vor.u32 $0x9, v2;
	[tilespmem:s17+$0x380] =	vst v14;
	s17 =	sadd.s32 $0x15480, s4  }
0x25d: {  	s2 =	sor.u32 s3, s19;
	v10 =	vld.idx.msk [tilespmem:v10+s14+$0x0], $0xffff;
	[smem:$0x7B8] =	sst s17  }
0x25e: {  	v13 =	vor.u32 $0xA, v2;
	s19 =	sadd.s32 $0x15500, s4;
	[tilespmem:s2+$0x0] =	vst v4  }
0x25f: {  	s9 =	sor.u32 s3, s17;
	v11 =	vld.idx.msk [tilespmem:v11+s14+$0x0], $0xffff;
	[smem:$0x7B9] =	sst s19  }
0x260: {  	v37 =	vor.u32 $0xB, v2;
	v3 =	vld.idx.msk [tilespmem:v36+s14+$0x0], $0xffff;
	[tilespmem:s9+$0x0] =	vst v5;
	s9 =	sadd.s32 $0x15580, s4  }
0x261: {  	s17 =	sor.u32 s3, s19;
	v39 =	vld.idx.msk [tilespmem:v8+s14+$0x0], $0xffff;
	[smem:$0x7BA] =	sst s9  }
0x262: {  	v14 =	vor.u32 $0xC, v2;
	s19 =	sadd.s32 $0x15600, s4;
	[tilespmem:s17+$0x0] =	vst v7  }
0x263: {  	s9 =	sor.u32 s3, s9;
	v40 =	vld.idx.msk [tilespmem:v13+s14+$0x0], $0xffff;
	[smem:$0x7BB] =	sst s19  }
0x264: {  	[tilespmem:s9+$0x0] =	vst v9;
	s9 =	sadd.s32 $0x15680, s4  }
0x265: {  	s8 =	sor.u32 s5, s8;
	v19 =	vor.u32 $0xD, v2;
	s17 =	sor.u32 s3, s19;
	v0 =	vld.idx.msk [tilespmem:v37+s14+$0x0], $0xffff;
	[smem:$0x7BC] =	sst s9  }
0x266: {  	v38 =	vmov s8;
	v24 =	vor.u32 $0xE, v2;
	s19 =	sadd.s32 $0x15700, s4;
	[tilespmem:s17+$0x0] =	vst v6  }
0x267: {  	v4 =	vshll.u32 v38, $0x5;
	v7 =	vor.u32 $0xF, v2;
	s2 =	sor.u32 s3, s9;
	v13 =	vld.idx.msk [tilespmem:v14+s14+$0x0], $0xffff;
	[smem:$0x7BD] =	sst s19  }
0x268: {  	s8 =	sadd.s32 $0x15780, s4;
	v8 =	vor.u32 v53, v4;
	[tilespmem:s2+$0x0] =	vst v15  }
0x269: {  	v9 =	vor.u32 $0x1, v8;
	[smem:$0x7BE] =	sst s8  }
0x26a: {  	s4 =	sadd.s32 $0x13400, s22;
	s9 =	sor.u32 s3, s19;
	v15 =	vld.idx.msk [tilespmem:v19+s14+$0x0], $0xffff  }
0x26b: {  	v6 =	vor.u32 $0x2, v8;
	s17 =	sor.u32 s10, s4;
	[tilespmem:s9+$0x0] =	vst v16;
	v19 =	vld.idx.msk [tilespmem:v24+s14+$0x0], $0xffff  }
0x26c: {  	s3 =	sor.u32 s3, s8;
	v7 =	vld.idx.msk [tilespmem:v7+s14+$0x0], $0xffff;
	[tilespmem:s17+$0x0] =	vst v3  }
0x26d: {  	v14 =	vor.u32 $0x3, v8;
	s19 =	sadd.s32 $0x13500, s22;
	[tilespmem:s3+$0x0] =	vst v18;
	s3 =	sadd.s32 $0x13480, s22  }
0x26e: {  	v9 =	vld.idx.msk [tilespmem:v9+s14+$0x0], $0xffff;
	[smem:$0x7B2] =	sst s19;
	s9 =	sor.u32 s10, s3  }
0x26f: {  	v16 =	vor.u32 $0x4, v8;
	[tilespmem:s9+$0x0] =	vst v39;
	s9 =	sadd.s32 $0x13580, s22  }
0x270: {  	v42 =	vor.u32 $0x7, v8;
	s17 =	sor.u32 s10, s19;
	v6 =	vld.idx.msk [tilespmem:v6+s14+$0x0], $0xffff;
	[smem:$0x7B3] =	sst s9  }
0x271: {  	v18 =	vor.u32 $0x5, v8;
	s19 =	sadd.s32 $0x13600, s22;
	[tilespmem:s17+$0x0] =	vst v40  }
0x272: {  	v41 =	vor.u32 $0x6, v8;
	s9 =	sor.u32 s10, s9;
	v14 =	vld.idx.msk [tilespmem:v14+s14+$0x0], $0xffff;
	[smem:$0x7B4] =	sst s19  }
0x273: {  	s29 =	sadd.s32 $0x13680, s22;
	s17 =	sor.u32 s10, s19;
	[tilespmem:s9+$0x0] =	vst v0  }
0x274: {  	v44 =	vor.u32 $0x10, v2;
	s2 =	sadd.s32 $0x13700, s22;
	s19 =	sor.u32 s10, s29;
	v43 =	vld.idx.msk [tilespmem:v16+s14+$0x0], $0xffff;
	[tilespmem:s17+$0x0] =	vst v13  }
0x275: {  	v16 =	vor.u32 $0x11, v2;
	s9 =	sor.u32 s10, s2;
	v5 =	vld.idx.msk [tilespmem:v42+s14+$0x0], $0xffff;
	[tilespmem:s19+$0x0] =	vst v15;
	s19 =	sadd.s32 $0x13780, s22  }
0x276: {  	v45 =	vor.u32 $0x12, v2;
	v13 =	vld.idx.msk [tilespmem:v18+s14+$0x0], $0xffff;
	[tilespmem:s9+$0x0] =	vst v19;
	s17 =	sor.u32 s10, s19  }
0x277: {  	v18 =	vor.u32 $0x13, v2;
	v15 =	vld.idx.msk [tilespmem:v41+s14+$0x0], $0xffff;
	s9 =	sor.u32 s20, s28;
	[tilespmem:s17+$0x0] =	vst v7  }
0x278: {  	v19 =	vor.u32 $0x14, v2;
	v7 =	vld.idx.msk [tilespmem:v8+s14+$0x0], $0xffff;
	[tilespmem:s9+$0x0] =	vst v23;
	s17 =	sor.u32 s20, s26  }
0x279: {  	s18 =	sor.u32 s20, s18;
	v23 =	vor.u32 $0x15, v2;
	v4 =	vld.idx.msk [tilespmem:v44+s14+$0x0], $0xffff;
	[tilespmem:s17+$0x0] =	vst v20  }
0x27a: {  	s26 =	sor.u32 s20, s16;
	v16 =	vld.idx.msk [tilespmem:v16+s14+$0x0], $0xffff;
	v20 =	vor.u32 $0x16, v2;
	[tilespmem:s18+$0x0] =	vst v21  }
0x27b: {  	s9 =	sor.u32 s20, s15;
	v3 =	vld.idx.msk [tilespmem:v45+s14+$0x0], $0xffff;
	v21 =	vor.u32 $0x17, v2;
	[tilespmem:s26+$0x0] =	vst v22  }
0x27c: {  	s1 =	sor.u32 s20, s1;
	v18 =	vld.idx.msk [tilespmem:v18+s14+$0x0], $0xffff;
	v22 =	vor.u32 $0x10, v1;
	[tilespmem:s9+$0x0] =	vst v17  }
0x27d: {  	s11 =	sor.u32 s20, s11;
	v19 =	vld.idx.msk [tilespmem:v19+s14+$0x0], $0xffff;
	[tilespmem:s1+$0x0] =	vst v12  }
0x27e: {  	s12 =	sor.u32 s20, s12;
	s15 =	sadd.s32 $0x14400, s22;
	v17 =	vor.u32 $0x11, v1;
	v23 =	vld.idx.msk [tilespmem:v23+s14+$0x0], $0xffff;
	[tilespmem:s11+$0x0] =	vst v10  }
0x27f: {  	s16 =	sor.u32 s10, s15;
	v20 =	vld.idx.msk [tilespmem:v20+s14+$0x0], $0xffff;
	[tilespmem:s12+$0x0] =	vst v11  }
0x280: {  	s28 =	sadd.s32 $0x14480, s22;
	s17 =	sadd.s32 $0x14500, s22;
	v12 =	vor.u32 $0x12, v1;
	v21 =	vld.idx.msk [tilespmem:v21+s14+$0x0], $0xffff;
	[tilespmem:s16+$0x0] =	vst v4  }
0x281: {  	s18 =	sor.u32 s10, s28;
	v22 =	vld.idx.msk [tilespmem:v22+s14+$0x0], $0xffff;
	[smem:$0x7C0] =	sst s17  }
0x282: {  	s26 =	sadd.s32 $0x14580, s22;
	v10 =	vor.u32 $0x13, v1;
	[tilespmem:s18+$0x0] =	vst v16  }
0x283: {  	s11 =	sor.u32 s10, s17;
	v17 =	vld.idx.msk [tilespmem:v17+s14+$0x0], $0xffff;
	[smem:$0x7C1] =	sst s26  }
0x284: {  	v11 =	vor.u32 $0x14, v1;
	s12 =	sadd.s32 $0x14600, s22;
	[tilespmem:s11+$0x0] =	vst v3  }
0x285: {  	s16 =	sor.u32 s10, s26;
	v12 =	vld.idx.msk [tilespmem:v12+s14+$0x0], $0xffff;
	[smem:$0x7C2] =	sst s12  }
0x286: {  	v46 =	vor.u32 $0x15, v1;
	s17 =	sadd.s32 $0x14680, s22;
	[tilespmem:s16+$0x0] =	vst v18  }
0x287: {  	s18 =	sor.u32 s10, s12;
	v10 =	vld.idx.msk [tilespmem:v10+s14+$0x0], $0xffff;
	[smem:$0x7C3] =	sst s17  }
0x288: {  	v16 =	vor.u32 $0x16, v1;
	s26 =	sadd.s32 $0x14700, s22;
	[tilespmem:s18+$0x0] =	vst v19  }
0x289: {  	v24 =	vor.u32 $0x17, v1;
	s9 =	sor.u32 s10, s17;
	v11 =	vld.idx.msk [tilespmem:v11+s14+$0x0], $0xffff;
	[smem:$0x7C4] =	sst s26  }
0x28a: {  	s11 =	sadd.s32 $0x14780, s22;
	v18 =	vor.u32 $0x18, v2;
	[tilespmem:s9+$0x0] =	vst v23  }
0x28b: {  	s12 =	sor.u32 s10, s26;
	v19 =	vor.u32 $0x19, v2;
	v23 =	vld.idx.msk [tilespmem:v46+s14+$0x0], $0xffff;
	[smem:$0x7C6] =	sst s11  }
0x28c: {  	v25 =	vor.u32 $0x1A, v2;
	s16 =	simm.s32 $0x40;
	s26 =	sor.u32 s5, s7;
	[tilespmem:s12+$0x0] =	vst v20  }
0x28d: {  	s31 =	sand.u32 $0x60, s16;
	s17 =	sor.u32 s10, s11;
	s18 =	simm.s32 $0x40;
	v47 =	vld.idx.msk [tilespmem:v16+s14+$0x0], $0xffff;
	v16 =	vor.u32 $0x1B, v2;
	[tilespmem:s26+$0x80] =	vst v9  }
0x28e: {  	s1 =	sor.u32 $0x10, s31;
	s7 =	sand.u32 $0xFFFFFF80, s18;
	v48 =	vld.idx.msk [tilespmem:v24+s14+$0x0], $0xffff;
	v20 =	vor.u32 $0x1C, v2;
	[tilespmem:s17+$0x0] =	vst v21  }
0x28f: {  	s8 =	sor.u32 s7, s1;
	[tilespmem:s26+$0x100] =	vst v6;
	v9 =	vld.idx.msk [tilespmem:v18+s14+$0x0], $0xffff;
	v18 =	vor.u32 $0x1D, v2  }
0x290: {  	[tilespmem:s26+$0x180] =	vst v14;
	v21 =	vmov s8;
	v6 =	vld.idx.msk [tilespmem:v19+s14+$0x0], $0xffff;
	v19 =	vor.u32 $0x1E, v2  }
0x291: {  	[tilespmem:s26+$0x200] =	vst v43;
	v14 =	vld.idx.msk [tilespmem:v25+s14+$0x0], $0xffff;
	v2 =	vor.u32 $0x1F, v2;
	v21 =	vshll.u32 v21, $0x5  }
0x292: {  	[tilespmem:s26+$0x280] =	vst v13;
	v43 =	vor.u32 v53, v21;
	v49 =	vld.idx.msk [tilespmem:v16+s14+$0x0], $0xffff  }
0x293: {  	[tilespmem:s26+$0x0] =	vst v7;
	v7 =	vor.u32 $0x4, v43;
	v13 =	vld.idx.msk [tilespmem:v20+s14+$0x0], $0xffff  }
0x294: {  	[tilespmem:s26+$0x300] =	vst v15;
	v16 =	vor.u32 $0x1, v43;
	v15 =	vld.idx.msk [tilespmem:v18+s14+$0x0], $0xffff  }
0x295: {  	s0 =	sor.u32 s20, s0;
	[tilespmem:s26+$0x380] =	vst v5;
	v18 =	vor.u32 $0x2, v43;
	v50 =	vld.idx.msk [tilespmem:v19+s14+$0x0], $0xffff  }
0x296: {  	s6 =	sor.u32 s20, s6;
	[tilespmem:s0+$0x0] =	vst v22;
	v19 =	vor.u32 $0x3, v43;
	v2 =	vld.idx.msk [tilespmem:v2+s14+$0x0], $0xffff  }
0x297: {  	[tilespmem:s6+$0x0] =	vst v17;
	s8 =	sor.u32 s20, s21;
	v20 =	vld.idx.msk [tilespmem:v43+s14+$0x0], $0xffff  }
0x298: {  	s9 =	sor.u32 s20, s23;
	[tilespmem:s8+$0x0] =	vst v12;
	v21 =	vor.u32 $0x5, v43;
	v7 =	vld.idx.msk [tilespmem:v7+s14+$0x0], $0xffff  }
0x299: {  	s11 =	sor.u32 s20, s24;
	[tilespmem:s9+$0x0] =	vst v10;
	v16 =	vld.idx.msk [tilespmem:v16+s14+$0x0], $0xffff  }
0x29a: {  	s16 =	sadd.s32 $0x15400, s22;
	v17 =	vor.u32 $0x6, v43;
	[tilespmem:s11+$0x0] =	vst v11;
	v12 =	vld.idx.msk [tilespmem:v18+s14+$0x0], $0xffff  }
0x29b: {  	s12 =	sor.u32 s20, s25;
	v18 =	vor.u32 $0x7, v43;
	v19 =	vld.idx.msk [tilespmem:v19+s14+$0x0], $0xffff;
	[smem:$0x7C8] =	sst s16  }
0x29c: {  	s18 =	sadd.s32 $0x15480, s22;
	s17 =	simm.s32 $0x200;
	v10 =	vor.u32 $0x8, v8;
	[tilespmem:s12+$0x0] =	vst v23  }
0x29d: {  	s21 =	sor.u32 s10, s16;
	s0 =	sand.u32 $0x3FFFFC00, s17;
	v11 =	vor.u32 $0x9, v8;
	v21 =	vld.idx.msk [tilespmem:v21+s14+$0x0], $0xffff;
	[smem:$0x7C9] =	sst s18  }
0x29e: {  	s23 =	sor.u32 s10, s18;
	v22 =	vor.u32 $0xA, v8;
	s30 =	sadd.s32 $0x12400, s0;
	[tilespmem:s21+$0x0] =	vst v9  }
0x29f: {  	s24 =	sor.u32 s1, s30;
	v23 =	vor.u32 $0xD, v8;
	v17 =	vld.idx.msk [tilespmem:v17+s14+$0x0], $0xffff;
	[tilespmem:s23+$0x0] =	vst v6  }
0x2a0: {  	v9 =	vor.u32 $0xB, v8;
	v18 =	vld.idx.msk [tilespmem:v18+s14+$0x0], $0xffff;
	[tilespmem:s24+$0x0] =	vst v20  }
0x2a1: {  	v10 =	vld.idx.msk [tilespmem:v10+s14+$0x0], $0xffff;
	v6 =	vor.u32 $0xC, v8;
	[tilespmem:s24+$0x80] =	vst v16  }
0x2a2: {  	v11 =	vld.idx.msk [tilespmem:v11+s14+$0x0], $0xffff;
	v20 =	vor.u32 $0xE, v8;
	[tilespmem:s24+$0x100] =	vst v12  }
0x2a3: {  	v22 =	vld.idx.msk [tilespmem:v22+s14+$0x0], $0xffff;
	[tilespmem:s24+$0x180] =	vst v19  }
0x2a4: {  	v16 =	vor.u32 $0xF, v8;
	[tilespmem:s24+$0x200] =	vst v7;
	v19 =	vld.idx.msk [tilespmem:v23+s14+$0x0], $0xffff  }
0x2a5: {  	[tilespmem:s24+$0x280] =	vst v21;
	v9 =	vld.idx.msk [tilespmem:v9+s14+$0x0], $0xffff  }
0x2a6: {  	s25 =	sadd.s32 $0x15500, s22;
	v12 =	vor.u32 $0x8, v43;
	[tilespmem:s24+$0x300] =	vst v17;
	v6 =	vld.idx.msk [tilespmem:v6+s14+$0x0], $0xffff  }
0x2a7: {  	v20 =	vld.idx.msk [tilespmem:v20+s14+$0x0], $0xffff;
	[smem:$0x7CA] =	sst s25  }
0x2a8: {  	s26 =	sadd.s32 $0x15580, s22;
	v7 =	vor.u32 $0x9, v43;
	[tilespmem:s24+$0x380] =	vst v18  }
0x2a9: {  	s9 =	sor.u32 s10, s25;
	v16 =	vld.idx.msk [tilespmem:v16+s14+$0x0], $0xffff;
	[smem:$0x7CB] =	sst s26  }
0x2aa: {  	s11 =	sadd.s32 $0x15600, s22;
	v21 =	vor.u32 $0xA, v43;
	[tilespmem:s9+$0x0] =	vst v14  }
0x2ab: {  	s12 =	sor.u32 s10, s26;
	v12 =	vld.idx.msk [tilespmem:v12+s14+$0x0], $0xffff;
	[smem:$0x7CC] =	sst s11  }
0x2ac: {  	s17 =	sadd.s32 $0x15680, s22;
	v17 =	vor.u32 $0xB, v43;
	[tilespmem:s12+$0x0] =	vst v49  }
0x2ad: {  	s18 =	sor.u32 s10, s11;
	v18 =	vor.u32 $0xC, v43;
	v51 =	vld.idx.msk [tilespmem:v7+s14+$0x0], $0xffff;
	[smem:$0x7CD] =	sst s17  }
0x2ae: {  	s21 =	sadd.s32 $0x15700, s22;
	v14 =	vor.u32 $0xD, v43;
	[tilespmem:s18+$0x0] =	vst v13  }
0x2af: {  	s23 =	sor.u32 s10, s17;
	v23 =	vor.u32 $0xF, v43;
	v21 =	vld.idx.msk [tilespmem:v21+s14+$0x0], $0xffff;
	[smem:$0x7CE] =	sst s21  }
0x2b0: {  	s4 =	sor.u32 s5, s4;
	s16 =	sor.u32 s31, s7;
	v7 =	vor.u32 $0xE, v43;
	[tilespmem:s23+$0x0] =	vst v15  }
0x2b1: {  	s24 =	sor.u32 s10, s21;
	v13 =	vmov s16;
	v15 =	vld.idx.msk [tilespmem:v17+s14+$0x0], $0xffff;
	[tilespmem:s4+$0x0] =	vst v10  }
0x2b2: {  	s3 =	sor.u32 s5, s3;
	s26 =	sadd.s32 $0x15780, s22;
	v13 =	vshll.u32 v13, $0x5;
	v52 =	vld.idx.msk [tilespmem:v18+s14+$0x0], $0xffff;
	[tilespmem:s24+$0x0] =	vst v50  }
0x2b3: {  	s25 =	sor.u32 s10, s26;
	s11 =	sadd.s32 $0x13400, s0;
	v25 =	vor.u32 v53, v13;
	v13 =	vld.idx.msk [tilespmem:v14+s14+$0x0], $0xffff;
	[tilespmem:s3+$0x0] =	vst v11  }
0x2b4: {  	v14 =	vld.idx.msk [tilespmem:v23+s14+$0x0], $0xffff;
	s4 =	sor.u32 s1, s11;
	[tilespmem:s25+$0x0] =	vst v2;
	s25 =	sadd.s32 $0x13480, s0  }
0x2b5: {  	s16 =	sadd.s32 $0x13500, s0;
	v7 =	vld.idx.msk [tilespmem:v7+s14+$0x0], $0xffff;
	[tilespmem:s4+$0x0] =	vst v12;
	s6 =	sor.u32 s1, s25  }
0x2b6: {  	s10 =	sadd.s32 $0x13580, s0;
	s7 =	sor.u32 s1, s16;
	[tilespmem:s6+$0x0] =	vst v51  }
0x2b7: {  	s8 =	sor.u32 s1, s10;
	s17 =	sadd.s32 $0x13600, s0;
	[tilespmem:s7+$0x0] =	vst v21  }
0x2b8: {  	s18 =	sadd.s32 $0x13680, s0;
	s9 =	sor.u32 s1, s17;
	[tilespmem:s8+$0x0] =	vst v15  }
0x2b9: {  	s12 =	sor.u32 s1, s18;
	s23 =	sadd.s32 $0x13700, s0;
	[tilespmem:s9+$0x0] =	vst v52  }
0x2ba: {  	s24 =	sadd.s32 $0x13780, s0;
	s21 =	sor.u32 s1, s23;
	[tilespmem:s12+$0x0] =	vst v13  }
0x2bb: {  	s22 =	sor.u32 s1, s24;
	[tilespmem:s21+$0x0] =	vst v7  }
0x2bc: {  	[tilespmem:s22+$0x0] =	vst v14  }
0x2bd: {  	s3 =	sld [smem:$0x7B2];
	_ =	sdelay $0x2  }
0x2be: {  	s3 =	sor.u32 s5, s3  }
0x2bf: {  	[tilespmem:s3+$0x0] =	vst v22  }
0x2c0: {  	s3 =	sld [smem:$0x7B3]  }
0x2c1: {  	v10 =	vor.u32 $0x2, v25;
	_ =	sdelay $0x1  }
0x2c2: {  	v11 =	vor.u32 $0x3, v25;
	s3 =	sor.u32 s5, s3  }
0x2c3: {  	v17 =	vor.u32 $0x6, v25;
	[tilespmem:s3+$0x0] =	vst v9  }
0x2c4: {  	s3 =	sld [smem:$0x7B4]  }
0x2c5: {  	v15 =	vld.idx.msk [tilespmem:v10+s14+$0x0], $0xffff;
	v10 =	vor.u32 $0x10, v43  }
0x2c6: {  	v56 =	vor.u32 $0x11, v43  }
0x2c7: {  	v18 =	vld.idx.msk [tilespmem:v11+s14+$0x0], $0xffff;
	v11 =	vor.u32 $0x12, v43;
	s3 =	sor.u32 s5, s3  }
0x2c8: {  	s4 =	sor.u32 s5, s29;
	v13 =	vld.idx.msk [tilespmem:v17+s14+$0x0], $0xffff;
	v17 =	vor.u32 $0x15, v43;
	[tilespmem:s3+$0x0] =	vst v6  }
0x2c9: {  	s6 =	sor.u32 s5, s2;
	v7 =	vor.u32 $0x13, v43;
	[tilespmem:s4+$0x0] =	vst v19  }
0x2ca: {  	s7 =	sor.u32 s5, s19;
	v14 =	vor.u32 $0x14, v43;
	v10 =	vld.idx.msk [tilespmem:v10+s14+$0x0], $0xffff;
	[tilespmem:s6+$0x0] =	vst v20  }
0x2cb: {  	v5 =	vld.idx.msk [tilespmem:v56+s14+$0x0], $0xffff;
	v9 =	vor.u32 $0x16, v43;
	[tilespmem:s7+$0x0] =	vst v16  }
0x2cc: {  	v6 =	vld.idx.msk [tilespmem:v11+s14+$0x0], $0xffff;
	v11 =	vor.u32 $0x17, v43;
	s8 =	sld [smem:$0x7B5]  }
0x2cd: {  	v17 =	vld.idx.msk [tilespmem:v17+s14+$0x0], $0xffff  }
0x2ce: {  	v7 =	vld.idx.msk [tilespmem:v7+s14+$0x0], $0xffff  }
0x2cf: {  	v14 =	vld.idx.msk [tilespmem:v14+s14+$0x0], $0xffff;
	s7 =	sadd.s32 $0x14400, s0;
	s9 =	sor.u32 s20, s8  }
0x2d0: {  	v54 =	vor.u32 $0x1, v25;
	s29 =	sadd.s32 $0x14480, s0;
	v9 =	vld.idx.msk [tilespmem:v9+s14+$0x0], $0xffff;
	s21 =	sor.u32 s1, s7;
	[tilespmem:s9+$0x0] =	vst v47  }
0x2d1: {  	v12 =	vor.u32 $0x4, v25;
	s22 =	sor.u32 s1, s29;
	v11 =	vld.idx.msk [tilespmem:v11+s14+$0x0], $0xffff;
	s9 =	sadd.s32 $0x14500, s0;
	s12 =	sld [smem:$0x7B6];
	[tilespmem:s21+$0x0] =	vst v10  }
0x2d2: {  	v55 =	vor.u32 $0x5, v25;
	s8 =	sadd.s32 $0x14580, s0;
	s2 =	sor.u32 s1, s9;
	[tilespmem:s22+$0x0] =	vst v5  }
0x2d3: {  	s4 =	sor.u32 s1, s8;
	[tilespmem:s2+$0x0] =	vst v6  }
0x2d4: {  	v57 =	vor.u32 $0x11, v8;
	s21 =	sadd.s32 $0x14600, s0;
	s19 =	sor.u32 s20, s12;
	[tilespmem:s4+$0x0] =	vst v7  }
0x2d5: {  	v58 =	vor.u32 $0x12, v8;
	v2 =	vld.idx.msk [tilespmem:v54+s14+$0x0], $0xffff;
	s22 =	sadd.s32 $0x14680, s0;
	s6 =	sor.u32 s1, s21;
	[tilespmem:s19+$0x0] =	vst v48  }
0x2d6: {  	v12 =	vld.idx.msk [tilespmem:v12+s14+$0x0], $0xffff;
	v19 =	vor.u32 $0x7, v25;
	s12 =	sor.u32 s1, s22;
	[tilespmem:s6+$0x0] =	vst v14;
	s19 =	sadd.s32 $0x14700, s0  }
0x2d7: {  	v0 =	vld.idx.msk [tilespmem:v55+s14+$0x0], $0xffff;
	v16 =	vor.u32 $0x10, v8;
	[tilespmem:s12+$0x0] =	vst v17;
	s2 =	sor.u32 s1, s19  }
0x2d8: {  	v20 =	vld.idx.msk [tilespmem:v25+s14+$0x0], $0xffff;
	v10 =	vor.u32 $0x13, v8;
	[tilespmem:s2+$0x0] =	vst v9  }
0x2d9: {  	v23 =	vld.idx.msk [tilespmem:v57+s14+$0x0], $0xffff;
	s4 =	sld [smem:$0x7B7]  }
0x2da: {  	v26 =	vld.idx.msk [tilespmem:v58+s14+$0x0], $0xffff;
	s6 =	sld [smem:$0x7B8]  }
0x2db: {  	v19 =	vld.idx.msk [tilespmem:v19+s14+$0x0], $0xffff  }
0x2dc: {  	v16 =	vld.idx.msk [tilespmem:v16+s14+$0x0], $0xffff;
	s2 =	sor.u32 s20, s4  }
0x2dd: {  	v29 =	vld.idx.msk [tilespmem:v10+s14+$0x0], $0xffff;
	s12 =	sadd.s32 $0x14780, s0;
	[dreg:$0x8] =	wrdreg s2;
	s2 =	sor.u32 s20, s6  }
0x2de: {  	[dreg:$0x6] =	wrdreg s2;
	s2 =	sor.u32 s1, s12  }
0x2df: {  	v59 =	vor.u32 $0x14, v8;
	[tilespmem:s2+$0x0] =	vst v11  }
0x2e0: {  	s3 =	sld [smem:$0x7B9]  }
0x2e1: {  	s4 =	sld [smem:$0x7BA]  }
0x2e2: {  	v6 =	vor.u32 $0x15, v8;
	s6 =	sld [smem:$0x7BC]  }
0x2e3: {  	s2 =	sor.u32 s20, s3;
	s3 =	sld [smem:$0x7BB]  }
0x2e4: {  	v50 =	vld.idx.msk [tilespmem:v59+s14+$0x0], $0xffff;
	[dreg:$0xe] =	wrdreg s2  }
0x2e5: {  	s2 =	sor.u32 s20, s4;
	s4 =	sld [smem:$0x7BD]  }
0x2e6: {  	[dreg:$0xc] =	wrdreg s2;
	s3 =	sor.u32 s20, s3  }
0x2e7: {  	v44 =	vld.idx.msk [tilespmem:v6+s14+$0x0], $0xffff;
	[dreg:$0x10] =	wrdreg s3;
	s3 =	sor.u32 s20, s6  }
0x2e8: {  	[dreg:$0xf] =	wrdreg s3;
	s3 =	sor.u32 s20, s4  }
0x2e9: {  	s2 =	sor.u32 s31, s30;
	[dreg:$0xd] =	wrdreg s3  }
0x2ea: {  	v7 =	vor.u32 $0x16, v8;
	[tilespmem:s2+$0x80] =	vst v2  }
0x2eb: {  	s6 =	sld [smem:$0x7BE];
	_ =	sdelay $0x2  }
0x2ec: {  	s3 =	sor.u32 s20, s6  }
0x2ed: {  	v38 =	vld.idx.msk [tilespmem:v7+s14+$0x0], $0xffff;
	[smem:$0x7BF] =	sst s3  }
0x2ee: {  	[tilespmem:s2+$0x100] =	vst v15  }
0x2ef: {  	s20 =	sld [smem:$0x7C1];
	_ =	sdelay $0x1  }
0x2f0: {  	s6 =	sld [smem:$0x7C0]  }
0x2f1: {  	s3 =	sor.u32 s5, s15;
	s15 =	sor.u32 s5, s20;
	s20 =	sld [smem:$0x7C2];
	[tilespmem:s2+$0x180] =	vst v18  }
0x2f2: {  	s4 =	sor.u32 s5, s28;
	s28 =	sld [smem:$0x7C3]  }
0x2f3: {  	v14 =	vor.u32 $0x17, v8  }
0x2f4: {  	v17 =	vor.u32 $0x18, v1  }
0x2f5: {  	s30 =	sor.u32 s5, s28;
	s28 =	sld [smem:$0x7C4];
	_ =	sdelay $0x2  }
0x2f6: {  	v40 =	vld.idx.msk [tilespmem:v14+s14+$0x0], $0xffff;
	s28 =	sor.u32 s5, s28  }
0x2f7: {  	v42 =	vld.idx.msk [tilespmem:v17+s14+$0x0], $0xffff;
	[smem:$0x7C5] =	sst s28  }
0x2f8: {  	s28 =	sld [smem:$0x7C6];
	_ =	sdelay $0x2  }
0x2f9: {  	s28 =	sor.u32 s5, s28  }
0x2fa: {  	[smem:$0x7C7] =	sst s28  }
0x2fb: {  	v21 =	vor.u32 $0x19, v1;
	[tilespmem:s2+$0x200] =	vst v12  }
0x2fc: {  	s28 =	sld [smem:$0x7C8];
	_ =	sdelay $0x2  }
0x2fd: {  	s28 =	sor.u32 s5, s28  }
0x2fe: {  	v36 =	vld.idx.msk [tilespmem:v21+s14+$0x0], $0xffff;
	[dreg:$0x1d] =	wrdreg s28  }
0x2ff: {  	s28 =	sld [smem:$0x7C9];
	_ =	sdelay $0x2  }
0x300: {  	s28 =	sor.u32 s5, s28  }
0x301: {  	[dreg:$0x16] =	wrdreg s28  }
0x302: {  	s28 =	sld [smem:$0x7CA];
	_ =	sdelay $0x2  }
0x303: {  	s28 =	sor.u32 s5, s28  }
0x304: {  	[dreg:$0x14] =	wrdreg s28  }
0x305: {  	v22 =	vor.u32 $0x1A, v1;
	[tilespmem:s2+$0x280] =	vst v0  }
0x306: {  	s28 =	sld [smem:$0x7CB];
	_ =	sdelay $0x2  }
0x307: {  	s28 =	sor.u32 s5, s28  }
0x308: {  	v37 =	vld.idx.msk [tilespmem:v22+s14+$0x0], $0xffff;
	[dreg:$0x1b] =	wrdreg s28  }
0x309: {  	s28 =	sld [smem:$0x7CC];
	_ =	sdelay $0x2  }
0x30a: {  	s28 =	sor.u32 s5, s28  }
0x30b: {  	[dreg:$0x1a] =	wrdreg s28  }
0x30c: {  	s28 =	sld [smem:$0x7CD];
	_ =	sdelay $0x2  }
0x30d: {  	s28 =	sor.u32 s5, s28  }
0x30e: {  	v60 =	vor.u32 $0x1D, v1;
	v61 =	vor.u32 $0x1E, v1;
	v41 =	vor.u32 $0x1C, v1;
	[dreg:$0x19] =	wrdreg s28  }
0x30f: {  	v24 =	vor.u32 $0x1B, v1;
	v63 =	vor.u32 $0x1A, v43;
	v49 =	vor.u32 $0x1C, v43;
	[tilespmem:s2+$0x300] =	vst v13  }
0x310: {  	v34 =	vor.u32 $0x8, v25;
	v35 =	vor.u32 $0x9, v25;
	v32 =	vor.u32 $0xA, v25;
	s28 =	sld [smem:$0x7CE]  }
0x311: {  	v33 =	vor.u32 $0xB, v25;
	v30 =	vor.u32 $0xC, v25;
	v31 =	vor.u32 $0xD, v25  }
0x312: {  	v28 =	vor.u32 $0xE, v25;
	v27 =	vor.u32 $0xF, v25;
	v14 =	vor.u32 $0x18, v43  }
0x313: {  	v51 =	vor.u32 $0x1E, v43;
	v54 =	vor.u32 $0x18, v8;
	s6 =	sor.u32 s5, s6;
	v12 =	vor.u32 $0x19, v43;
	s28 =	sor.u32 s5, s28  }
0x314: {  	v55 =	vor.u32 $0x1E, v8;
	v52 =	vor.u32 $0x1D, v43;
	v56 =	vor.u32 $0x1B, v8;
	s20 =	sor.u32 s5, s20;
	v39 =	vld.idx.msk [tilespmem:v24+s14+$0x0], $0xffff;
	s5 =	sor.u32 s5, s26;
	[dreg:$0x1c] =	wrdreg s28  }
0x315: {  	v58 =	vor.u32 $0x1A, v8;
	v48 =	vor.u32 $0x1B, v43;
	v10 =	vor.u32 $0x1C, v8;
	[dreg:$0x1f] =	wrdreg s5  }
0x316: {  	s10 =	sor.u32 s31, s10;
	v9 =	vor.u32 $0x1D, v8;
	v11 =	vor.u32 $0x1F, v1;
	v59 =	vor.u32 $0x19, v8;
	[tilespmem:s2+$0x380] =	vst v19;
	v41 =	vld.idx.msk [tilespmem:v41+s14+$0x0], $0xffff  }
0x317: {  	s17 =	sor.u32 s31, s17;
	s16 =	sor.u32 s31, s16;
	s18 =	sor.u32 s31, s18;
	v8 =	vor.u32 $0x1F, v8;
	v17 =	vor.u32 $0x10, v25;
	v15 =	vor.u32 $0x19, v25;
	[tilespmem:s2+$0x0] =	vst v20;
	v45 =	vld.idx.msk [tilespmem:v14+s14+$0x0], $0xffff  }
0x318: {  	s11 =	sor.u32 s31, s11;
	s9 =	sor.u32 s31, s9;
	s22 =	sor.u32 s31, s22;
	v18 =	vor.u32 $0x12, v25;
	v21 =	vor.u32 $0x14, v25;
	v22 =	vor.u32 $0x13, v25;
	[tilespmem:s3+$0x0] =	vst v16;
	v46 =	vld.idx.msk [tilespmem:v12+s14+$0x0], $0xffff  }
0x319: {  	s19 =	sor.u32 s31, s19;
	s12 =	sor.u32 s31, s12;
	v24 =	vor.u32 $0x16, v25;
	v13 =	vor.u32 $0x1B, v25;
	s26 =	sor.u32 s31, s25;
	v19 =	vor.u32 $0x11, v25;
	v47 =	vld.idx.msk [tilespmem:v63+s14+$0x0], $0xffff;
	[tilespmem:s4+$0x0] =	vst v23  }
0x31a: {  	s25 =	sor.u32 s31, s8;
	s8 =	sor.u32 s31, s21;
	s21 =	simm.s32 $0x4;
	v20 =	vor.u32 $0x15, v25;
	v12 =	vor.u32 $0x18, v25;
	v14 =	vor.u32 $0x1A, v25;
	v48 =	vld.idx.msk [tilespmem:v48+s14+$0x0], $0xffff;
	[tilespmem:s6+$0x0] =	vst v26  }
0x31b: {  	s28 =	sor.u32 s31, s23;
	s5 =	sor.u32 s31, s24;
	s24 =	sor.u32 s31, s7;
	v16 =	vor.u32 $0x1C, v25;
	v49 =	vld.idx.msk [tilespmem:v49+s14+$0x0], $0xffff;
	v23 =	vor.u32 $0x17, v25;
	v26 =	vor.u32 $0x1E, v25;
	[tilespmem:s15+$0x0] =	vst v29  }
0x31c: {  	s7 =	sor.u32 s31, s29;
	s23 =	sadd.s32 $0x15400, s0;
	s29 =	simm.s32 $0x60;
	v29 =	vor.u32 $0x1D, v25;
	v25 =	vor.u32 $0x1F, v25;
	[tilespmem:s20+$0x0] =	vst v50;
	v50 =	vor.u32 $0x1F, v43;
	v43 =	vld.idx.msk [tilespmem:v52+s14+$0x0], $0xffff  }
.LBB2_9:
0x31d: {  	_ =	sdelay $0x1  }
0x31e: {  	[tilespmem:$0x1FF10] =	vst v59  }
0x31f: {  	[tilespmem:$0x1FF20] =	vst v58;
	v0 =	vld.idx.msk [tilespmem:v51+s14+$0x0], $0xffff  }
0x320: {  	[tilespmem:s30+$0x0] =	vst v44;
	v58 =	vld.idx.msk [tilespmem:v50+s14+$0x0], $0xffff  }
0x321: {  	[tilespmem:$0x1FF40] =	vst v13;
	[smem:$0x7AE] =	sst s24;
	s4 =	sor.u32 s1, s23;
	v34 =	vld.idx.msk [tilespmem:v34+s14+$0x0], $0xffff  }
0x322: {  	[smem:$0x7B1] =	sst s8;
	v2 =	vmov v29;
	[tilespmem:s4+$0x0] =	vst v45;
	v35 =	vld.idx.msk [tilespmem:v35+s14+$0x0], $0xffff  }
0x323: {  	[smem:$0x7AF] =	sst s7;
	s2 =	sadd.s32 $0x15480, s0;
	v1 =	vmov v26;
	v32 =	vld.idx.msk [tilespmem:v32+s14+$0x0], $0xffff;
	[tilespmem:$0x1FF30] =	vst v2  }
0x324: {  	[smem:$0x7B0] =	sst s25;
	s15 =	sadd.s32 $0x15500, s0;
	s7 =	sor.u32 s1, s2;
	v33 =	vld.idx.msk [tilespmem:v33+s14+$0x0], $0xffff;
	[tilespmem:$0x1FF60] =	vst v1  }
0x325: {  	s21 =	sadd.s32 $0x2, s21;
	s24 =	sadd.s32 $0x15580, s0;
	s8 =	sor.u32 s1, s15;
	v30 =	vld.idx.msk [tilespmem:v30+s14+$0x0], $0xffff;
	[tilespmem:s7+$0x0] =	vst v46  }
0x326: {  	s30 =	sand.u32 $0x60, s29;
	s6 =	sshll.u32 s21, $0x4;
	s20 =	sor.u32 s1, s24;
	v31 =	vld.idx.msk [tilespmem:v31+s14+$0x0], $0xffff;
	[tilespmem:s8+$0x0] =	vst v47  }
0x327: {  	s25 =	sadd.s32 $0x15600, s0;
	v28 =	vld.idx.msk [tilespmem:v28+s14+$0x0], $0xffff;
	s6 =	sand.u32 $0xFFFFFF80, s6;
	s7 =	sor.u32 $0x10, s30;
	[tilespmem:s20+$0x0] =	vst v48  }
0x328: {  	s4 =	sor.u32 s1, s25;
	v5 =	vld.idx.msk [tilespmem:v27+s14+$0x0], $0xffff;
	s20 =	sor.u32 s6, s7;
	[tilespmem:s11+$0x0] =	vst v34  }
0x329: {  	s3 =	sadd.s32 $0x15680, s0;
	[tilespmem:s4+$0x0] =	vst v49;
	v59 =	vmov s20  }
0x32a: {  	s4 =	sor.u32 s1, s3;
	[tilespmem:s26+$0x0] =	vst v35;
	v45 =	vshll.u32 v59, $0x5  }
0x32b: {  	s8 =	sadd.s32 $0x15700, s0;
	s6 =	sor.u32 s30, s6;
	[tilespmem:s4+$0x0] =	vst v43;
	v43 =	vor.u32 v53, v45  }
0x32c: {  	v62 =	vmov s6;
	s4 =	sor.u32 s1, s8;
	v51 =	vld.idx.msk [tilespmem:v60+s14+$0x0], $0xffff;
	[tilespmem:s16+$0x0] =	vst v32;
	v4 =	vor.u32 $0x1, v43  }
0x32d: {  	s0 =	sadd.s32 $0x15780, s0;
	v63 =	vshll.u32 v62, $0x5;
	[tilespmem:s4+$0x0] =	vst v0;
	v27 =	vor.u32 $0x2, v43  }
0x32e: {  	s25 =	sor.u32 s31, s25;
	s20 =	sor.u32 s31, s2;
	s2 =	sor.u32 s1, s0;
	v44 =	vor.u32 v53, v63;
	v53 =	vld.idx.msk [tilespmem:v61+s14+$0x0], $0xffff;
	[tilespmem:s10+$0x0] =	vst v33;
	v29 =	vor.u32 $0x3, v43  }
0x32f: {  	v13 =	vmov v55;
	s11 =	sor.u32 s31, s8;
	s6 =	sor.u32 s31, s23;
	s4 =	sor.u32 s31, s15;
	[tilespmem:s2+$0x0] =	vst v58;
	v26 =	vor.u32 $0x4, v43;
	v55 =	vld.idx.msk [tilespmem:v11+s14+$0x0], $0xffff  }
0x330: {  	s15 =	sor.u32 s31, s24;
	s24 =	sor.u32 s31, s0;
	s2 =	sor.u32 s31, s3;
	v11 =	vmov v25;
	v47 =	vor.u32 $0x5, v43;
	[tilespmem:s17+$0x0] =	vst v30;
	v25 =	vld.idx.msk [tilespmem:v43+s14+$0x0], $0xffff  }
0x331: {  	s31 =	smov.u32 s30;
	s30 =	smov.u32 s22;
	v48 =	vor.u32 $0x6, v43;
	s22 =	sld [smem:$0x7C5];
	[tilespmem:s18+$0x0] =	vst v31;
	v0 =	vld.idx.msk [tilespmem:v4+s14+$0x0], $0xffff  }
0x332: {  	s1 =	smov.u32 s7;
	s7 =	sld [smem:$0x7C7];
	v1 =	vor.u32 $0x7, v43;
	[tilespmem:s28+$0x0] =	vst v28;
	v63 =	vld.idx.msk [tilespmem:v27+s14+$0x0], $0xffff  }
0x333: {  	s23 =	smov.u32 s19;
	s19 =	rddreg [dreg:$0x16];
	v46 =	vor.u32 $0x1, v44;
	s18 =	sshll.u32 s21, $0x7;
	[tilespmem:s5+$0x0] =	vst v5;
	v2 =	vld.idx.msk [tilespmem:v29+s14+$0x0], $0xffff  }
0x334: {  	s8 =	smov.u32 s12;
	s12 =	rddreg [dreg:$0x1d];
	v58 =	vor.u32 $0x3, v44;
	s0 =	sand.u32 $0x3FFFFC00, s18;
	[tilespmem:s22+$0x0] =	vst v38;
	v5 =	vld.idx.msk [tilespmem:v26+s14+$0x0], $0xffff  }
0x335: {  	s10 =	rddreg [dreg:$0x8];
	v59 =	vor.u32 $0x4, v44;
	s26 =	sadd.s32 $0x12400, s0;
	v6 =	vld.idx.msk [tilespmem:v47+s14+$0x0], $0xffff;
	[tilespmem:s7+$0x0] =	vst v40  }
0x336: {  	[smem:$0x7C7] =	sst s8;
	v60 =	vor.u32 $0x5, v44;
	s3 =	sor.u32 s1, s26;
	v7 =	vld.idx.msk [tilespmem:v48+s14+$0x0], $0xffff;
	[tilespmem:s10+$0x0] =	vst v42  }
0x337: {  	s16 =	smov.u32 s12;
	s12 =	rddreg [dreg:$0x1b];
	v61 =	vor.u32 $0x6, v44;
	v1 =	vld.idx.msk [tilespmem:v1+s14+$0x0], $0xffff;
	[tilespmem:s3+$0x0] =	vst v25  }
0x338: {  	v62 =	vor.u32 $0x7, v44;
	[smem:$0x7C5] =	sst s23;
	v42 =	vld.idx.msk [tilespmem:v46+s14+$0x0], $0xffff;
	[tilespmem:s3+$0x80] =	vst v0  }
0x339: {  	v57 =	vor.u32 $0x2, v44;
	s17 =	smov.u32 s6;
	s6 =	rddreg [dreg:$0x14];
	v58 =	vld.idx.msk [tilespmem:v58+s14+$0x0], $0xffff;
	[tilespmem:s3+$0x100] =	vst v63  }
0x33a: {  	s8 =	smov.u32 s4;
	[dreg:$0x1d] =	wrdreg s17;
	v59 =	vld.idx.msk [tilespmem:v59+s14+$0x0], $0xffff;
	[tilespmem:s3+$0x180] =	vst v2;
	v2 =	vor.u32 $0x8, v43  }
0x33b: {  	[dreg:$0x14] =	wrdreg s8;
	v60 =	vld.idx.msk [tilespmem:v60+s14+$0x0], $0xffff;
	[tilespmem:s3+$0x200] =	vst v5;
	v5 =	vor.u32 $0x9, v43  }
0x33c: {  	s17 =	smov.u32 s15;
	s18 =	rddreg [dreg:$0x6];
	v61 =	vld.idx.msk [tilespmem:v61+s14+$0x0], $0xffff;
	[tilespmem:s3+$0x280] =	vst v6;
	v6 =	vor.u32 $0xA, v43  }
0x33d: {  	[dreg:$0x1b] =	wrdreg s17;
	v62 =	vld.idx.msk [tilespmem:v62+s14+$0x0], $0xffff;
	[tilespmem:s3+$0x300] =	vst v7;
	v7 =	vor.u32 $0xB, v43  }
0x33e: {  	s17 =	sld [smem:$0x7BF];
	v0 =	vld.idx.msk [tilespmem:v57+s14+$0x0], $0xffff;
	[tilespmem:s3+$0x380] =	vst v1;
	v1 =	vor.u32 $0xC, v43  }
0x33f: {  	[tilespmem:$0x1FF50] =	vst v10;
	s5 =	rddreg [dreg:$0xe];
	s23 =	sor.u32 s31, s26;
	s26 =	smov.u32 s20;
	v63 =	vor.u32 $0xD, v43;
	v2 =	vld.idx.msk [tilespmem:v2+s14+$0x0], $0xffff  }
0x340: {  	[dreg:$0x16] =	wrdreg s26;
	[tilespmem:s18+$0x0] =	vst v36;
	v36 =	vor.u32 $0xE, v43;
	v5 =	vld.idx.msk [tilespmem:v5+s14+$0x0], $0xffff  }
0x341: {  	s10 =	rddreg [dreg:$0xc];
	[tilespmem:s5+$0x0] =	vst v37;
	v37 =	vor.u32 $0xF, v43;
	v6 =	vld.idx.msk [tilespmem:v6+s14+$0x0], $0xffff  }
0x342: {  	s18 =	rddreg [dreg:$0x10];
	[tilespmem:s10+$0x0] =	vst v39;
	v7 =	vld.idx.msk [tilespmem:v7+s14+$0x0], $0xffff  }
0x343: {  	s26 =	rddreg [dreg:$0xf];
	[tilespmem:s18+$0x0] =	vst v41;
	v1 =	vld.idx.msk [tilespmem:v1+s14+$0x0], $0xffff  }
0x344: {  	s8 =	rddreg [dreg:$0xd];
	[tilespmem:s26+$0x0] =	vst v51;
	v63 =	vld.idx.msk [tilespmem:v63+s14+$0x0], $0xffff  }
0x345: {  	v34 =	vor.u32 $0x8, v44;
	v35 =	vor.u32 $0x9, v44;
	v32 =	vor.u32 $0xA, v44;
	[dreg:$0x8] =	wrdreg s16;
	[tilespmem:s8+$0x0] =	vst v53;
	v36 =	vld.idx.msk [tilespmem:v36+s14+$0x0], $0xffff  }
0x346: {  	v10 =	vmovc v8;
	v8 =	vmovc v54;
	v33 =	vor.u32 $0xB, v44;
	v30 =	vor.u32 $0xC, v44;
	v3 =	vor.u32 $0x10, v44;
	s16 =	smov.u32 s12;
	s22 =	smov.u32 s19;
	s19 =	rddreg [dreg:$0x1a];
	[tilespmem:s17+$0x0] =	vst v55;
	v37 =	vld.idx.msk [tilespmem:v37+s14+$0x0], $0xffff  }
0x347: {  	[tilespmem:$0x1FF00] =	vst v12;
	v12 =	vmovc v9;
	v9 =	vmovc v56;
	v56 =	vor.u32 $0x12, v44;
	v54 =	vor.u32 $0x13, v44;
	v52 =	vor.u32 $0x14, v44;
	[dreg:$0x6] =	wrdreg s22;
	s7 =	smov.u32 s6;
	s20 =	smov.u32 s19;
	v51 =	vld.idx.msk [tilespmem:v44+s14+$0x0], $0xffff  }
0x348: {  	v50 =	vor.u32 $0x17, v44;
	v49 =	vor.u32 $0x18, v44;
	v45 =	vor.u32 $0x1B, v44;
	s6 =	smov.u32 s2;
	[dreg:$0xe] =	wrdreg s7;
	s7 =	sadd.s32 $0x13400, s0;
	v53 =	vld.idx.msk [tilespmem:v17+s14+$0x0], $0xffff  }
0x349: {  	v31 =	vor.u32 $0xD, v44;
	v28 =	vor.u32 $0xE, v44;
	v38 =	vor.u32 $0x15, v44;
	[dreg:$0xc] =	wrdreg s16;
	s16 =	sadd.s32 $0x13480, s0;
	s2 =	sor.u32 s1, s7;
	v55 =	vld.idx.msk [tilespmem:v19+s14+$0x0], $0xffff  }
0x34a: {  	v27 =	vor.u32 $0xF, v44;
	v4 =	vor.u32 $0x11, v44;
	v40 =	vor.u32 $0x16, v44;
	s22 =	smov.u32 s25;
	s19 =	sor.u32 s1, s16;
	s18 =	sadd.s32 $0x13500, s0;
	v57 =	vld.idx.msk [tilespmem:v18+s14+$0x0], $0xffff;
	[tilespmem:s2+$0x0] =	vst v2  }
0x34b: {  	v48 =	vor.u32 $0x19, v44;
	v47 =	vor.u32 $0x1A, v44;
	v29 =	vor.u32 $0x1D, v44;
	[dreg:$0x1a] =	wrdreg s22;
	s22 =	sor.u32 s1, s18;
	v19 =	vmovc v4;
	v4 =	vld.idx.msk [tilespmem:v22+s14+$0x0], $0xffff;
	[tilespmem:s19+$0x0] =	vst v5  }
0x34c: {  	v26 =	vor.u32 $0x1E, v44;
	v46 =	vor.u32 $0x1C, v44;
	v25 =	vor.u32 $0x1F, v44;
	v44 =	vld.idx.msk [tilespmem:v20+s14+$0x0], $0xffff;
	[tilespmem:s22+$0x0] =	vst v6  }
0x34d: {  	v6 =	vld.idx.msk [tilespmem:v21+s14+$0x0], $0xffff;
	[tilespmem:s23+$0x80] =	vst v42  }
0x34e: {  	[tilespmem:s23+$0x100] =	vst v0  }
0x34f: {  	[tilespmem:s23+$0x180] =	vst v58  }
0x350: {  	s15 =	smov.u32 s11;
	s3 =	rddreg [dreg:$0x19];
	[tilespmem:s23+$0x200] =	vst v59  }
0x351: {  	s25 =	sadd.s32 $0x13600, s0;
	[dreg:$0x10] =	wrdreg s20;
	s5 =	smov.u32 s3;
	[tilespmem:s23+$0x280] =	vst v60  }
0x352: {  	s11 =	sor.u32 s31, s7;
	s20 =	sadd.s32 $0x13580, s0;
	[dreg:$0xf] =	wrdreg s5;
	[tilespmem:s23+$0x300] =	vst v61  }
0x353: {  	s7 =	sor.u32 s1, s25;
	s10 =	rddreg [dreg:$0x1c];
	s5 =	sor.u32 s1, s20;
	[tilespmem:s23+$0x380] =	vst v62  }
0x354: {  	[dreg:$0x19] =	wrdreg s6;
	s6 =	sadd.s32 $0x13680, s0;
	s12 =	smov.u32 s10;
	v2 =	vor.u32 $0x10, v43;
	[tilespmem:s5+$0x0] =	vst v7  }
0x355: {  	v41 =	vor.u32 $0x13, v43;
	[dreg:$0xd] =	wrdreg s12;
	s12 =	sor.u32 s1, s6;
	s8 =	sadd.s32 $0x13700, s0;
	v60 =	vmov v12;
	v12 =	vmov v49;
	v49 =	vld [tilespmem:$0x1FF10];
	[tilespmem:s7+$0x0] =	vst v1  }
0x356: {  	[dreg:$0x1c] =	wrdreg s15;
	s15 =	sadd.s32 $0x13780, s0;
	v20 =	vmov v38;
	s19 =	sor.u32 s1, s8;
	v7 =	vor.u32 $0x14, v43;
	v38 =	vld.idx.msk [tilespmem:v24+s14+$0x0], $0xffff;
	[tilespmem:s12+$0x0] =	vst v63  }
0x357: {  	s10 =	sor.u32 s31, s20;
	s20 =	sor.u32 s1, s15;
	v24 =	vmov v40;
	v40 =	vld.idx.msk [tilespmem:v23+s14+$0x0], $0xffff;
	v1 =	vor.u32 $0x11, v43;
	[tilespmem:s19+$0x0] =	vst v36  }
0x358: {  	v23 =	vmov v50;
	v50 =	vld [tilespmem:$0x1FF20];
	v63 =	vor.u32 $0x12, v43;
	[tilespmem:s20+$0x0] =	vst v37  }
0x359: {  	v21 =	vmov v52;
	v52 =	vor.u32 $0x15, v43;
	v2 =	vld.idx.msk [tilespmem:v2+s14+$0x0], $0xffff  }
0x35a: {  	v58 =	vor.u32 $0x17, v43;
	v5 =	vld.idx.msk [tilespmem:v41+s14+$0x0], $0xffff  }
0x35b: {  	v18 =	vmov v56;
	v56 =	vor.u32 $0x16, v43;
	v7 =	vld.idx.msk [tilespmem:v7+s14+$0x0], $0xffff  }
0x35c: {  	v22 =	vmov v54;
	v54 =	vld.idx.msk [tilespmem:v1+s14+$0x0], $0xffff  }
0x35d: {  	s26 =	sor.u32 s31, s16;
	s16 =	sor.u32 s31, s18;
	s18 =	sor.u32 s31, s6;
	v17 =	vmov v3;
	v3 =	vld.idx.msk [tilespmem:v63+s14+$0x0], $0xffff  }
0x35e: {  	s6 =	smov.u32 s24;
	s17 =	sor.u32 s31, s25;
	s7 =	sadd.s32 $0x14400, s0;
	v39 =	vld.idx.msk [tilespmem:v52+s14+$0x0], $0xffff  }
0x35f: {  	s28 =	sor.u32 s31, s8;
	s8 =	sadd.s32 $0x14480, s0;
	s3 =	sor.u32 s1, s7;
	v62 =	vld.idx.msk [tilespmem:v58+s14+$0x0], $0xffff  }
0x360: {  	s5 =	sor.u32 s31, s15;
	s15 =	sor.u32 s1, s8;
	s12 =	sadd.s32 $0x14500, s0;
	v1 =	vld.idx.msk [tilespmem:v56+s14+$0x0], $0xffff;
	[tilespmem:s3+$0x0] =	vst v2  }
0x361: {  	s22 =	rddreg [dreg:$0x1f];
	s19 =	sadd.s32 $0x14580, s0;
	s20 =	sor.u32 s1, s12;
	v37 =	vld [tilespmem:$0x1FF00];
	[tilespmem:s15+$0x0] =	vst v54  }
0x362: {  	s25 =	smov.u32 s22;
	s22 =	sadd.s32 $0x14600, s0;
	v42 =	vld.idx.msk [tilespmem:v8+s14+$0x0], $0xffff;
	s24 =	sor.u32 s1, s19;
	[tilespmem:s20+$0x0] =	vst v3  }
0x363: {  	[dreg:$0x1f] =	wrdreg s6;
	s2 =	sor.u32 s31, s7;
	s7 =	sor.u32 s1, s22;
	v52 =	vld [tilespmem:$0x1FF40];
	[tilespmem:s24+$0x0] =	vst v5  }
0x364: {  	[smem:$0x7BF] =	sst s25;
	s25 =	sadd.s32 $0x14680, s0;
	s6 =	sor.u32 s31, s12;
	v63 =	vor.u32 $0x18, v43;
	[tilespmem:s7+$0x0] =	vst v7;
	v7 =	vld [tilespmem:$0x1FF50]  }
0x365: {  	s12 =	sadd.s32 $0x14700, s0;
	v36 =	vld.idx.msk [tilespmem:v49+s14+$0x0], $0xffff;
	v2 =	vor.u32 $0x19, v43;
	s20 =	sor.u32 s31, s22;
	s24 =	sor.u32 s1, s25  }
0x366: {  	v54 =	vmov v37;
	v37 =	vld.idx.msk [tilespmem:v50+s14+$0x0], $0xffff;
	s22 =	sor.u32 s31, s25;
	v3 =	vor.u32 $0x1A, v43;
	s25 =	sadd.s32 $0x14780, s0;
	s7 =	sor.u32 s1, s12;
	[tilespmem:s24+$0x0] =	vst v39  }
0x367: {  	s24 =	sor.u32 s1, s25;
	v39 =	vld.idx.msk [tilespmem:v9+s14+$0x0], $0xffff;
	[tilespmem:s7+$0x0] =	vst v1  }
0x368: {  	v9 =	vld [tilespmem:$0x1FF30];
	v1 =	vor.u32 $0x1B, v43;
	[tilespmem:s24+$0x0] =	vst v62  }
0x369: {  	v61 =	vmov v13;
	v13 =	vmov v45;
	s15 =	sor.u32 s31, s19;
	v62 =	vor.u32 $0x1C, v43;
	v45 =	vld.idx.msk [tilespmem:v63+s14+$0x0], $0xffff  }
0x36a: {  	v8 =	vmovc v11;
	v11 =	vmov v10;
	v10 =	vmov v16;
	v16 =	vmov v46;
	s19 =	sor.u32 s31, s12;
	s12 =	sor.u32 s31, s25;
	s25 =	sld [smem:$0x7AE];
	v46 =	vld.idx.msk [tilespmem:v2+s14+$0x0], $0xffff  }
0x36b: {  	v58 =	vmov v14;
	v14 =	vmov v47;
	s7 =	sld [smem:$0x7AF];
	v63 =	vor.u32 $0x1D, v43;
	v47 =	vld.idx.msk [tilespmem:v3+s14+$0x0], $0xffff  }
0x36c: {  	p0 =	slt.u32 s21, $0x1E;
	v41 =	vld.idx.msk [tilespmem:v7+s14+$0x0], $0xffff;
	[tilespmem:s23+$0x0] =	vst v51  }
.Ltmp4:
0x36d: {  	s4 =	sor.u32 s31, s8;
	v59 =	vmov v15;
	v15 =	vmov v48;
	s8 =	sld [smem:$0x7B0];
	v48 =	vld.idx.msk [tilespmem:v1+s14+$0x0], $0xffff;
	[tilespmem:s25+$0x0] =	vst v53;
	(pc) =	sbr.rel @p0 .LBB2_9-.Ltmp4, $4  }
0x36e: {  	v49 =	vld.idx.msk [tilespmem:v62+s14+$0x0], $0xffff;
	s25 =	smov.u32 s15;
	s15 =	sld [smem:$0x7B1];
	[tilespmem:s7+$0x0] =	vst v55  }
0x36f: {  	v53 =	vld [tilespmem:$0x1FFF0];
	[tilespmem:s9+$0x0] =	vst v57  }
0x370: {  	s29 =	sadd.s32 $0x20, s29;
	v50 =	vor.u32 $0x1F, v43;
	s24 =	smov.u32 s2;
	v51 =	vor.u32 $0x1E, v43;
	s23 =	sadd.s32 $0x15400, s0;
	v43 =	vld.idx.msk [tilespmem:v63+s14+$0x0], $0xffff;
	[tilespmem:s8+$0x0] =	vst v4  }
0x371: {  	v56 =	vmov v52;
	v55 =	vld [tilespmem:$0x1FF60];
	s7 =	smov.u32 s4;
	s9 =	smov.u32 s6;
	s8 =	smov.u32 s20;
	[tilespmem:s15+$0x0] =	vst v6  }
0x372: {  	_ =	sdelay $0x3  }
0x373: {  	v0 =	vld.idx.msk [tilespmem:v51+s14+$0x0], $0xffff  }
0x374: {  	v1 =	vld.idx.msk [tilespmem:v50+s14+$0x0], $0xffff  }
0x375: {  	v2 =	vld.idx.msk [tilespmem:v34+s14+$0x0], $0xffff  }
0x376: {  	[tilespmem:s30+$0x0] =	vst v44;
	s2 =	sadd.s32 $0x15480, s0;
	s3 =	sor.u32 s1, s23;
	v3 =	vld.idx.msk [tilespmem:v35+s14+$0x0], $0xffff  }
0x377: {  	s4 =	sadd.s32 $0x15500, s0;
	v4 =	vld.idx.msk [tilespmem:v32+s14+$0x0], $0xffff;
	[tilespmem:s3+$0x0] =	vst v45;
	s15 =	sor.u32 s1, s2  }
0x378: {  	s6 =	sadd.s32 $0x15580, s0;
	v5 =	vld.idx.msk [tilespmem:v33+s14+$0x0], $0xffff;
	s20 =	sor.u32 s1, s4;
	[tilespmem:s15+$0x0] =	vst v46  }
0x379: {  	v6 =	vld.idx.msk [tilespmem:v30+s14+$0x0], $0xffff;
	s21 =	sor.u32 s1, s6;
	s15 =	sadd.s32 $0x15600, s0;
	[tilespmem:s20+$0x0] =	vst v47  }
0x37a: {  	v7 =	vld.idx.msk [tilespmem:v31+s14+$0x0], $0xffff;
	s29 =	sor.u32 s1, s15;
	[tilespmem:s21+$0x0] =	vst v48  }
0x37b: {  	v33 =	vld.idx.msk [tilespmem:v28+s14+$0x0], $0xffff;
	s21 =	sadd.s32 $0x15680, s0;
	[tilespmem:s29+$0x0] =	vst v49  }
0x37c: {  	v34 =	vld.idx.msk [tilespmem:v27+s14+$0x0], $0xffff;
	s30 =	sor.u32 s1, s21;
	[tilespmem:s11+$0x0] =	vst v2  }
0x37d: {  	s20 =	sadd.s32 $0x15700, s0;
	[tilespmem:s30+$0x0] =	vst v43  }
0x37e: {  	s30 =	sor.u32 s1, s20;
	[tilespmem:s26+$0x0] =	vst v3  }
0x37f: {  	s29 =	sadd.s32 $0x15780, s0;
	[tilespmem:s30+$0x0] =	vst v0  }
0x380: {  	s3 =	sor.u32 s1, s29;
	[tilespmem:s16+$0x0] =	vst v4  }
0x381: {  	[tilespmem:s3+$0x0] =	vst v1  }
0x382: {  	[tilespmem:s10+$0x0] =	vst v5  }
0x383: {  	[tilespmem:s17+$0x0] =	vst v6  }
0x384: {  	[tilespmem:s18+$0x0] =	vst v7  }
0x385: {  	[tilespmem:s28+$0x0] =	vst v33  }
0x386: {  	[tilespmem:s5+$0x0] =	vst v34  }
0x387: {  	s1 =	sld [smem:$0x7C5];
	_ =	sdelay $0x2  }
0x388: {  	[tilespmem:s1+$0x0] =	vst v38  }
0x389: {  	s1 =	sld [smem:$0x7C7];
	_ =	sdelay $0x2  }
0x38a: {  	v35 =	vld.idx.msk [tilespmem:v60+s14+$0x0], $0xffff;
	[tilespmem:s1+$0x0] =	vst v40  }
0x38b: {  	v43 =	vld.idx.msk [tilespmem:v11+s14+$0x0], $0xffff;
	s1 =	rddreg [dreg:$0x8]  }
0x38c: {  	v38 =	vld.idx.msk [tilespmem:v61+s14+$0x0], $0xffff;
	[tilespmem:s1+$0x0] =	vst v42  }
0x38d: {  	s1 =	rddreg [dreg:$0x6]  }
0x38e: {  	[tilespmem:s1+$0x0] =	vst v36  }
0x38f: {  	s1 =	rddreg [dreg:$0xe]  }
0x390: {  	[tilespmem:s1+$0x0] =	vst v37  }
0x391: {  	s1 =	rddreg [dreg:$0xc]  }
0x392: {  	v3 =	vld.idx.msk [tilespmem:v17+s14+$0x0], $0xffff;
	[tilespmem:s1+$0x0] =	vst v39  }
0x393: {  	v4 =	vld.idx.msk [tilespmem:v19+s14+$0x0], $0xffff;
	s1 =	rddreg [dreg:$0x10]  }
0x394: {  	v5 =	vld.idx.msk [tilespmem:v18+s14+$0x0], $0xffff;
	[tilespmem:s1+$0x0] =	vst v41  }
0x395: {  	v6 =	vld.idx.msk [tilespmem:v22+s14+$0x0], $0xffff;
	s1 =	rddreg [dreg:$0xf]  }
0x396: {  	v7 =	vld.idx.msk [tilespmem:v21+s14+$0x0], $0xffff;
	[tilespmem:s1+$0x0] =	vst v35  }
0x397: {  	v44 =	vld.idx.msk [tilespmem:v20+s14+$0x0], $0xffff;
	s1 =	rddreg [dreg:$0xd]  }
0x398: {  	v45 =	vld.idx.msk [tilespmem:v24+s14+$0x0], $0xffff;
	[tilespmem:s1+$0x0] =	vst v38  }
0x399: {  	v46 =	vld.idx.msk [tilespmem:v23+s14+$0x0], $0xffff;
	s1 =	sld [smem:$0x7BF];
	[tilespmem:s24+$0x0] =	vst v3  }
0x39a: {  	[tilespmem:s7+$0x0] =	vst v4  }
0x39b: {  	[tilespmem:s9+$0x0] =	vst v5  }
0x39c: {  	v47 =	vld.idx.msk [tilespmem:v54+s14+$0x0], $0xffff;
	[tilespmem:s1+$0x0] =	vst v43  }
0x39d: {  	v48 =	vld.idx.msk [tilespmem:v59+s14+$0x0], $0xffff;
	[tilespmem:s25+$0x0] =	vst v6  }
0x39e: {  	v49 =	vld.idx.msk [tilespmem:v58+s14+$0x0], $0xffff;
	[tilespmem:s8+$0x0] =	vst v7  }
0x39f: {  	v50 =	vld.idx.msk [tilespmem:v56+s14+$0x0], $0xffff;
	[tilespmem:s22+$0x0] =	vst v44  }
0x3a0: {  	v51 =	vld.idx.msk [tilespmem:v10+s14+$0x0], $0xffff;
	[tilespmem:s19+$0x0] =	vst v45  }
0x3a1: {  	v52 =	vld.idx.msk [tilespmem:v9+s14+$0x0], $0xffff;
	[tilespmem:s12+$0x0] =	vst v46  }
0x3a2: {  	v54 =	vld.idx.msk [tilespmem:v55+s14+$0x0], $0xffff;
	s1 =	rddreg [dreg:$0x1d]  }
0x3a3: {  	v55 =	vld.idx.msk [tilespmem:v8+s14+$0x0], $0xffff;
	[tilespmem:s1+$0x0] =	vst v47  }
0x3a4: {  	s1 =	rddreg [dreg:$0x16]  }
0x3a5: {  	[tilespmem:s1+$0x0] =	vst v48  }
0x3a6: {  	s1 =	rddreg [dreg:$0x14]  }
0x3a7: {  	[tilespmem:s1+$0x0] =	vst v49  }
0x3a8: {  	s1 =	rddreg [dreg:$0x1b]  }
0x3a9: {  	v56 =	vld.idx.msk [tilespmem:v12+s14+$0x0], $0xffff;
	[tilespmem:s1+$0x0] =	vst v50  }
0x3aa: {  	v57 =	vld.idx.msk [tilespmem:v15+s14+$0x0], $0xffff;
	s1 =	rddreg [dreg:$0x1a]  }
0x3ab: {  	v58 =	vld.idx.msk [tilespmem:v14+s14+$0x0], $0xffff;
	[tilespmem:s1+$0x0] =	vst v51  }
0x3ac: {  	v59 =	vld.idx.msk [tilespmem:v13+s14+$0x0], $0xffff;
	s1 =	rddreg [dreg:$0x19]  }
0x3ad: {  	v60 =	vld.idx.msk [tilespmem:v16+s14+$0x0], $0xffff;
	[tilespmem:s1+$0x0] =	vst v52  }
0x3ae: {  	v61 =	vld.idx.msk [tilespmem:v29+s14+$0x0], $0xffff;
	s1 =	rddreg [dreg:$0x1c]  }
0x3af: {  	s9 =	sor.u32 s31, s23;
	v62 =	vld.idx.msk [tilespmem:v26+s14+$0x0], $0xffff;
	[tilespmem:s1+$0x0] =	vst v54  }
0x3b0: {  	v63 =	vld.idx.msk [tilespmem:v25+s14+$0x0], $0xffff;
	s1 =	rddreg [dreg:$0x1f];
	[tilespmem:s9+$0x0] =	vst v56  }
0x3b1: {  	s10 =	sor.u32 s31, s2;
	[tilespmem:s1+$0x0] =	vst v55  }
0x3b2: {  	s11 =	sor.u32 s31, s4;
	[tilespmem:s10+$0x0] =	vst v57  }
0x3b3: {  	s12 =	sor.u32 s31, s6;
	[tilespmem:s11+$0x0] =	vst v58  }
0x3b4: {  	[tilespmem:s12+$0x0] =	vst v59  }
0x3b5: {  	s17 =	sld [smem:$0x7F9]  }
0x3b6: {  	s3 =	sld [smem:$0x7D2]  }
0x3b7: {  	s16 =	sor.u32 s31, s15  }
0x3b8: {  	s18 =	sor.u32 s31, s21;
	[tilespmem:s16+$0x0] =	vst v60  }
0x3b9: {  	s20 =	sor.u32 s31, s20;
	[tilespmem:s18+$0x0] =	vst v61;
	s2 =	sadd.s32 s17, s3  }
0x3ba: {  	s0 =	sor.u32 s31, s29;
	[tilespmem:s20+$0x0] =	vst v62;
	s19 =	sshll.u32 s2, $0x9;
	s2 =	sshll.u32 s2, $0xB  }
0x3bb: {  	s21 =	rddreg [dreg:$0x1];
	[tilespmem:s0+$0x0] =	vst v63;
	s1 =	sand.u32 $0xE00, s19;
	s2 =	sand.u32 $0xFFFC000, s2  }
0x3bc: {  	s23 =	simm.s32 $0x12400;
	s24 =	sld [smem:$0x7FA];
	s1 =	sor.u32 s1, s2  }
0x3bd: {  	s22 =	simm.s32 $0x0;
	s26 =	sld [smem:$0x7FB];
	s0 =	sadd.s32 s21, s1  }
0x3be: {  	[hbm4b:s0+s22] =	stream.linear.scatter [tilespmem:s23], [sflag:$0x4], $0x1000, $0x38;
	[tilespmem:$0x16400] =	vst v63  }
0x3bf: {  	s25 =	simm.s32 $0x13400;
	s29 =	sld [smem:$0x7FC];
	s0 =	sadd.s32 s1, s24  }
0x3c0: {  	[hbm4b:s0+s22] =	stream.linear.scatter [tilespmem:s25], [sflag:$0x4], $0x1000, $0x38;
	[tilespmem:$0x16400] =	vst v63  }
0x3c1: {  	s28 =	simm.s32 $0x14400;
	s31 =	sld [smem:$0x7F4];
	s0 =	sadd.s32 s1, s26  }
0x3c2: {  	[hbm4b:s0+s22] =	stream.linear.scatter [tilespmem:s28], [sflag:$0x4], $0x1000, $0x38;
	[tilespmem:$0x16400] =	vst v63  }
0x3c3: {  	s30 =	simm.s32 $0x15400;
	s0 =	sadd.s32 s1, s29  }
0x3c4: {  	[hbm4b:s0+s22] =	stream.linear.scatter [tilespmem:s30], [sflag:$0x4], $0x1000, $0x38;
	[tilespmem:$0x16400] =	vst v63  }
0x3c5: {  	s0 =	sadd.s32 $0x1, s31  }
0x3c6: {  	p0 =	sne.s32 s0, $0x19  }
.Ltmp5:
0x3c7: {  	_ = 	snop;
	(pc) =	sbr.rel @p0 .LBB2_2-.Ltmp5, $1  }
0x3c8: {  	_ =	sdelay $0x3  }
0x3c9: {  	s0 =	simm.s32 $0x3  }
0x3ca: {  	_ =	swait.ge [sflag:s0], $0x1000  }
0x3cb: {  	[sflag:s0] =	ssyncset.done $0x0  }
0x3cc: {  	[sflag:s0] =	ssyncadd.s32 $0xFFFFF000  }
0x3cd: {  	_ =	swait.ge [sflag:s0], $0x1000  }
0x3ce: {  	[sflag:s0] =	ssyncset.done $0x0  }
0x3cf: {  	[sflag:s0] =	ssyncadd.s32 $0xFFFFF000  }
0x3d0: {  	_ =	swait.ge [sflag:s0], $0x1000  }
0x3d1: {  	[sflag:s0] =	ssyncset.done $0x0  }
0x3d2: {  	[sflag:s0] =	ssyncadd.s32 $0xFFFFF000  }
0x3d3: {  	_ =	swait.ge [sflag:s0], $0x1000  }
0x3d4: {  	[sflag:s0] =	ssyncset.done $0x0  }
0x3d5: {  	s1 =	simm.s32 $0x4;
	[sflag:s0] =	ssyncadd.s32 $0xFFFFF000  }
0x3d6: {  	_ =	swait.ge [sflag:s1], $0x1000  }
0x3d7: {  	[sflag:s1] =	ssyncset.done $0x0  }
0x3d8: {  	[sflag:s1] =	ssyncadd.s32 $0xFFFFF000  }
0x3d9: {  	_ =	swait.ge [sflag:s1], $0x1000  }
0x3da: {  	[sflag:s1] =	ssyncset.done $0x0  }
0x3db: {  	[sflag:s1] =	ssyncadd.s32 $0xFFFFF000  }
0x3dc: {  	_ =	swait.ge [sflag:s1], $0x1000  }
0x3dd: {  	[sflag:s1] =	ssyncset.done $0x0  }
0x3de: {  	[sflag:s1] =	ssyncadd.s32 $0xFFFFF000  }
0x3df: {  	_ =	swait.ge [sflag:s1], $0x1000  }
0x3e0: {  	s2 =	sld [smem:$0x7F6]  }
0x3e1: {  	s31 =	sld [smem:$0x7FD];
	_ =	sdelay $0x1  }
0x3e2: {  	s2 =	sadd.s32 $0x1, s2  }
0x3e3: {  	p0 =	sne.s32 s2, s31  }
.Ltmp6:
0x3e4: {  	_ = 	snop;
	(pc) =	sbr.rel @p0 .LBB2_1-.Ltmp6, $3  }
0x3e5: {  	_ =	sdelay $0x1  }
0x3e6: {  	[sflag:s1] =	ssyncset.done $0x0  }
0x3e7: {  	[sflag:s1] =	ssyncadd.s32 $0xFFFFF000  }
0x3e8: {  	_ =	sfence.sel $0x180000  }
0x3e9: {  	[bflag:$0x0] =	sbarrier.arrive $0xFFFF  }
0x3ea: {  	_ =	strace $0x90000047  }
0x3eb: {  	s0 =	stileid.u32;
	[bflag:$0x2] =	sbarrier.arrive $0xFFFF  }
0x3ec: {  	p0 =	sne.s32 s0, $0x0;
	s0 =	rddreg [dreg:$0x2]  }
0x3ed: {  	s0 =	sadd.s32 @!p0 $0x100000, s0  }
0x3ee: {  	[sflag:s0] =	ssyncadd.tile.s32 @!p0 $0x1;
	_ =	shalt  }
.Lfunc_end2:
_tile_overlayer_lowered:
.L_overlay_start_2:
0x3ef: {  	(tag) =	ssettag $0x2  }
0x3f0: {  	s0 =	rddreg [dreg:$0x0];
	s2 =	stileid.u32  }
0x3f1: {  	s1 =	rddreg [dreg:$0x1];
	p0 =	sne.s32 s2, $0x0  }
0x3f2: {  	s3 =	rddreg [dreg:$0x2];
	[bflag:$0x3] =	sbarrier.arrive $0xFFFF;
	s2 =	simm.s32 @!p0 $0x1C05  }
0x3f3: {  	[timem:s3], [sflag:s2] =	dma.local @!p0 [hbm:s0], s1  }
0x3f4: {  	s0 =	simm.s32 @!p0 $0x5  }
0x3f5: {  	_ =	swait.ge @!p0 [sflag:s0], s1  }
0x3f6: {  	s1 =	ssub.s32 @!p0 $0x0, s1;
	[sflag:s0] =	ssyncset.done @!p0 $0x0  }
0x3f7: {  	[sflag:s0] =	ssyncadd.s32 @!p0 s1  }
0x3f8: {  	[bflag:$0x3] =	sbarrier.arrive $0xFFFF  }
0x3f9: {  	_ =	shalt  }

</sc_bundles>
